<compile_context>
chip_gen: v7x
topology: tpu7x:2x2x1
jax: 0.10.2.dev20260603
libtpu: 0.0.44.dev20260713+nightly
codegen_flags: <defaults>
</compile_context>

<pallas_src>
import functools

import jax
import jax.numpy as jnp
from jax import lax
from jax.experimental import pallas as pl
from jax.experimental.pallas import tpu as pltpu
from jax.experimental.pallas import tpu_sc as plsc

F = 26
V = 100000
E = 16
B = 16384
NBUF = 4


def _detile_body(x_ref, o_ref):
    VC = 8192
    nfull, rem = divmod(V, VC)
    row = jax.lax.broadcasted_iota(jnp.int32, (E, 128), 0)
    col = jax.lax.broadcasted_iota(jnp.int32, (E, 128), 1)
    S = [
        (col == 16 * i + row).astype(jnp.float32) for i in range(8)
    ]

    def do_chunk(j, t, vc):
        xs = x_ref[j, :, pl.ds(t * VC, vc)]
        y = jnp.transpose(xs, (1, 0))
        ys = y.reshape(vc // 8, 8, E)
        z = sum(
            jax.lax.dot_general(
                ys[:, i, :], S[i], (((1,), (0,)), ((), ())),
                preferred_element_type=jnp.float32,
            )
            for i in range(8)
        )
        r0 = j * (V // 8) + t * (VC // 8)
        o_ref[pl.ds(r0, vc // 8), :] = z

    def step(k, c):
        do_chunk(k // nfull, k % nfull, VC)
        return c

    lax.fori_loop(0, 2 * nfull, step, 0)
    if rem:
        for j in range(2):
            do_chunk(j, nfull, rem)


def _tc_relayout(tabt):
    return pl.pallas_call(
        _detile_body,
        grid=(F // 2,),
        in_specs=[pl.BlockSpec((2, E, V), lambda i: (i, 0, 0))],
        out_specs=pl.BlockSpec((2 * V * E // 128, 128), lambda i: (i, 0)),
        out_shape=jax.ShapeDtypeStruct((F * V * E // 128, 128), jnp.float32),
        compiler_params=pltpu.CompilerParams(vmem_limit_bytes=60 * 1024 * 1024),
    )(tabt)


def kernel(indices, tables):
    idx32 = indices.astype(jnp.int32)
    tabt = jnp.transpose(tables, (0, 2, 1))
    tab = _tc_relayout(tabt).reshape(F * V, E)

    info = plsc.get_sparse_core_info()
    NC, NS, L = info.num_cores, info.num_subcores, info.num_lanes
    NW = NC * NS
    b_per_w = B // NW

    @functools.partial(
        pl.kernel,
        mesh=plsc.VectorSubcoreMesh(core_axis_name="c", subcore_axis_name="s"),
        out_type=jax.ShapeDtypeStruct((B, F * E), jnp.float32),
        compiler_params=pltpu.CompilerParams(use_tc_tiling_on_sc=False),
        scratch_types=[
            pltpu.VMEM((F, b_per_w), jnp.int32),
            pltpu.VMEM((NBUF, b_per_w, E), jnp.float32),
            pltpu.SemaphoreType.DMA((NBUF,)),
            pltpu.SemaphoreType.DMA((NBUF,)),
        ],
    )
    def k(tab_hbm, idx_hbm, out_hbm, idx_all, rows, gsem, ssem):
        tab_rows = tab_hbm
        wid = lax.axis_index("s") * NC + lax.axis_index("c")
        base = wid * b_per_w

        pltpu.sync_copy(idx_hbm.at[:, pl.ds(base, b_per_w)], idx_all)

        n_vec = b_per_w // L

        def add_off(i, c):
            f = i // n_vec
            j = i - f * n_vec
            sl = pl.ds(j * L, L)
            idx_all[f, sl] = idx_all[f, sl] + f * V
            return c

        lax.fori_loop(0, F * n_vec, add_off, 0)

        def gather(f):
            b = f % NBUF
            return pltpu.async_copy(
                tab_rows.at[idx_all.at[f]], rows.at[b], gsem.at[b]
            )

        def store(f):
            b = f % NBUF
            return pltpu.async_copy(
                rows.at[b],
                out_hbm.at[pl.ds(base, b_per_w), pl.ds(f * E, E)],
                ssem.at[b],
            )

        ghand = {}
        shand = {}
        for f in range(F):
            if f >= NBUF:
                shand[f - NBUF].wait()
            ghand[f] = gather(f)
            if f >= 2:
                ghand[f - 2].wait()
                shand[f - 2] = store(f - 2)
        for f in (F - 2, F - 1):
            ghand[f].wait()
            shand[f] = store(f)
        for f in range(F - NBUF, F):
            shand[f].wait()

    return k(tab, idx32)

# --- scband reference (transcript-rebuilt; emitter-appended) ---
"""Pipeline reference for scband-fields-model-3822520893584 (READ-ONLY COPY).

The authoritative reference and input builder live on the scoring server;
editing this copy changes nothing except your own understanding.
"""

import jax, jax.numpy as jnp
import numpy as np

NUM_FIELDS = 26
VOCAB = 100000
EMB_DIM = 16
BATCH = 16384


def setup_inputs(seed: int = 0) -> dict:
    key = jax.random.key(seed)
    k1, k2 = jax.random.split(key)
    # Integer ids per field (StringLookup output is modeled as pre-looked-up int ids)
    indices = jax.random.randint(k1, (NUM_FIELDS, BATCH), 0, VOCAB, dtype=jnp.int32).astype(jnp.int64)
    # One embedding table per sparse field, stacked: [F, V, E]
    tables = jax.random.normal(k2, (NUM_FIELDS, VOCAB, EMB_DIM), dtype=jnp.float32) * 0.05
    return {"indices": indices, "tables": tables}


def reference(indices, tables):
    # For each field (column), look up its embedding table with that field's ids,
    # then concatenate per-field embeddings along the feature axis, matching
    # tf.concat(values, axis=1) in FieldsModel.call.
    # tables: [F, V, E], indices: [F, B] -> emb: [F, B, E]
    emb = jax.vmap(lambda t, i: jnp.take(t, i, axis=0))(tables, indices)
    batch = indices.shape[1]
    # [F, B, E] -> [B, F, E] -> [B, F*E]
    out = jnp.transpose(emb, (1, 0, 2)).reshape(batch, -1)
    return out

if __name__ == "__main__":
    import jax
    _d = setup_inputs()
    print(jax.jit(kernel)(*tuple(_d.values())))

</pallas_src>

<mosaic_0001>
#map = affine_map<(d0, d1) -> (0, 0)>
module attributes {stable_mosaic.version = 14 : i64} {
  func.func @k(%arg0: i32, %arg1: i32, %arg2: memref<2600000x16xf32, #tpu.memory_space<hbm>>, %arg3: memref<26x16384xi32, #tpu.memory_space<hbm>>, %arg4: memref<16384x416xf32, #tpu.memory_space<hbm>>, %arg5: memref<26x512xi32, #tpu.memory_space<vmem>>, %arg6: memref<4x512x16xf32, #tpu.memory_space<vmem>>, %arg7: memref<4x!tpu.dma_semaphore, #tpu.memory_space<semaphore_mem>>, %arg8: memref<4x!tpu.dma_semaphore, #tpu.memory_space<semaphore_mem>>) attributes {dimension_semantics = [#tpu.dimension_semantics<core_parallel>, #tpu.dimension_semantics<subcore_parallel>], iteration_bounds = array<i64: 2, 16>, scalar_prefetch = 0 : i64, scratch_operands = 4 : i64, tpu.core_type = #tpu.core_type<sc_vector_subcore>, window_params = [{transform_indices = #map}, {transform_indices = #map}, {transform_indices = #map}]} {
    %mul3A = arith.constant 2 : i32
    %mul3A_0 = arith.muli %arg1, %mul3A : i32
    %add3A = arith.addi %mul3A_0, %arg0 : i32
    %mul3A_1 = arith.constant 512 : i32
    %mul3A_2 = arith.muli %add3A, %mul3A_1 : i32
    "tpu.region"() ({
      %run_scoped3A = tpu.sem_alloc : memref<!tpu.dma_semaphore, #tpu.memory_space<semaphore_mem>>
      %dma_start3A_1618 = arith.constant 0 : i32
      %dma_start3A_1619 = tpu.memref_slice %arg3[%dma_start3A_1618, %mul3A_2] : memref<26x16384xi32, #tpu.memory_space<hbm>> -> memref<26x512xi32, #tpu.memory_space<hbm>>
      %dma_start3A_1620 = arith.constant 0 : i32
      %dma_start3A_1621 = tpu.memref_slice %arg3[%dma_start3A_1620, %mul3A_2] : memref<26x16384xi32, #tpu.memory_space<hbm>> -> memref<26x512xi32, #tpu.memory_space<hbm>>
      tpu.enqueue_dma source(%dma_start3A_1621 : memref<26x512xi32, #tpu.memory_space<hbm>>) target(%arg5 : memref<26x512xi32, #tpu.memory_space<vmem>>) target_semaphore(%run_scoped3A : memref<!tpu.dma_semaphore, #tpu.memory_space<semaphore_mem>>)
      %dma_wait3A_1622 = arith.constant 0 : i32
      %dma_wait3A_1623 = tpu.memref_slice %arg3[%dma_wait3A_1622, %mul3A_2] : memref<26x16384xi32, #tpu.memory_space<hbm>> -> memref<26x512xi32, #tpu.memory_space<hbm>>
      %dma_wait3A_1624 = arith.constant 0 : i32
      %dma_wait3A_1625 = tpu.memref_slice %arg3[%dma_wait3A_1624, %mul3A_2] : memref<26x16384xi32, #tpu.memory_space<hbm>> -> memref<26x512xi32, #tpu.memory_space<hbm>>
      tpu.wait_dma2 semaphore(%run_scoped3A : memref<!tpu.dma_semaphore, #tpu.memory_space<semaphore_mem>>) src(%dma_wait3A_1625 : memref<26x512xi32, #tpu.memory_space<hbm>>) dst(%arg5 : memref<26x512xi32, #tpu.memory_space<vmem>>)
      tpu.yield
    }) : () -> ()
    %scan3A = arith.constant 0 : i32
    %scan3A_3 = arith.constant 0 : i32
    %scan3A_4 = arith.constant 832 : i32
    %scan3A_5 = arith.addi %scan3A_3, %scan3A_4 : i32
    %scan3A_6 = arith.constant 1 : i32
    scf.for %scan3A_1618 = %scan3A_3 to %scan3A_5 step %scan3A_6  : i32 {
      %jit3A = arith.constant 32 : i32
      %div3A = arith.divsi %scan3A_1618, %jit3A : i32
      %sign3A = arith.constant 0 : i32
      %sign3A_1619 = arith.cmpi sgt, %scan3A_1618, %sign3A : i32
      %sign3A_1620 = arith.extui %sign3A_1619 : i1 to i32
      %sign3A_1621 = arith.constant 0 : i32
      %sign3A_1622 = arith.cmpi slt, %scan3A_1618, %sign3A_1621 : i32
      %sign3A_1623 = arith.extui %sign3A_1622 : i1 to i32
      %sign3A_1624 = arith.subi %sign3A_1620, %sign3A_1623 : i32
      %sign3A_1625 = arith.constant 0 : i32
      %sign3A_1626 = arith.cmpi sgt, %jit3A, %sign3A_1625 : i32
      %sign3A_1627 = arith.extui %sign3A_1626 : i1 to i32
      %sign3A_1628 = arith.constant 0 : i32
      %sign3A_1629 = arith.cmpi slt, %jit3A, %sign3A_1628 : i32
      %sign3A_1630 = arith.extui %sign3A_1629 : i1 to i32
      %sign3A_1631 = arith.subi %sign3A_1627, %sign3A_1630 : i32
      %ne3A = arith.cmpi ne, %sign3A_1624, %sign3A_1631 : i32
      %rem3A = arith.remsi %scan3A_1618, %jit3A : i32
      %ne3A_1632 = arith.constant 0 : i32
      %ne3A_1633 = arith.cmpi ne, %rem3A, %ne3A_1632 : i32
      %and3A = arith.andi %ne3A, %ne3A_1633 : i1
      %sub3A = arith.constant 1 : i32
      %sub3A_1634 = arith.subi %div3A, %sub3A : i32
      %select_n3A = arith.select %and3A, %sub3A_1634, %div3A : i32
      %mul3A_1635 = arith.constant 32 : i32
      %mul3A_1636 = arith.muli %select_n3A, %mul3A_1635 : i32
      %sub3A_1637 = arith.subi %scan3A_1618, %mul3A_1636 : i32
      %mul3A_1638 = arith.constant 16 : i32
      %mul3A_1639 = arith.muli %sub3A_1637, %mul3A_1638 : i32
      %get3A = arith.index_cast %select_n3A : i32 to index
      %get3A_1640 = arith.index_cast %mul3A_1639 : i32 to index
      %get3A_1641 = tpu.vector_load %arg5[%get3A, %get3A_1640] {strides = array<i32>} : memref<26x512xi32, #tpu.memory_space<vmem>>, vector<1x16xi32>,
      %get3A_1642 = vector.shape_cast %get3A_1641 : vector<1x16xi32> to vector<16xi32>
      %mul3A_1643 = arith.constant 100000 : i32
      %mul3A_1644 = arith.muli %select_n3A, %mul3A_1643 : i32
      %add3A_1645 = vector.broadcast %mul3A_1644 : i32 to vector<16xi32>
      %add3A_1646 = arith.addi %get3A_1642, %add3A_1645 : vector<16xi32>
      %swap3A = arith.index_cast %select_n3A : i32 to index
      %swap3A_1647 = arith.index_cast %mul3A_1639 : i32 to index
      %swap3A_1648 = tpu.vector_load %arg5[%swap3A, %swap3A_1647] {strides = array<i32>} : memref<26x512xi32, #tpu.memory_space<vmem>>, vector<1x16xi32>,
      %swap3A_1649 = vector.shape_cast %swap3A_1648 : vector<1x16xi32> to vector<16xi32>
      %swap3A_1650 = vector.shape_cast %add3A_1646 : vector<16xi32> to vector<1x16xi32>
      tpu.vector_store %arg5[%swap3A, %swap3A_1647], %swap3A_1650 {strides = array<i32>} : memref<26x512xi32, #tpu.memory_space<vmem>>, vector<1x16xi32>,
    }
    %scan3A_7 = arith.constant 832 : i32
    %dma_start3A = arith.constant 0 : i32
    %dma_start3A_8 = arith.constant 0 : i32
    %dma_start3A_9 = arith.constant 0 : i32
    %dma_start3A_10 = arith.constant 0 : i32
    %dma_start3A_11 = arith.constant 0 : i32
    %dma_start3A_12 = tpu.memref_slice %arg6[%dma_start3A_8, %dma_start3A_10, %dma_start3A_11] : memref<4x512x16xf32, #tpu.memory_space<vmem>> -> memref<1x512x16xf32, #tpu.memory_space<vmem>>
    %dma_start3A_13 = tpu.memref_squeeze %dma_start3A_12 : memref<1x512x16xf32, #tpu.memory_space<vmem>> -> memref<512x16xf32, #tpu.memory_space<vmem>>
    %dma_start3A_14 = arith.constant 0 : i32
    %dma_start3A_15 = tpu.memref_slice %arg5[%dma_start3A, %dma_start3A_14] : memref<26x512xi32, #tpu.memory_space<vmem>> -> memref<1x512xi32, #tpu.memory_space<vmem>>
    %dma_start3A_16 = tpu.memref_squeeze %dma_start3A_15 : memref<1x512xi32, #tpu.memory_space<vmem>> -> memref<512xi32, #tpu.memory_space<vmem>>
    %dma_start3A_17 = arith.constant 0 : i32
    %dma_start3A_18 = arith.constant 0 : i32
    %dma_start3A_19 = tpu.memref_slice %arg2[%dma_start3A_17, %dma_start3A_18] : memref<2600000x16xf32, #tpu.memory_space<hbm>> -> memref<2600000x16xf32, #tpu.memory_space<hbm>>
    %dma_start3A_20 = tpu.memref_slice %arg7[%dma_start3A_9] : memref<4x!tpu.dma_semaphore, #tpu.memory_space<semaphore_mem>> -> memref<1x!tpu.dma_semaphore, #tpu.memory_space<semaphore_mem>>
    %dma_start3A_21 = tpu.memref_squeeze %dma_start3A_20 : memref<1x!tpu.dma_semaphore, #tpu.memory_space<semaphore_mem>> -> memref<!tpu.dma_semaphore, #tpu.memory_space<semaphore_mem>>
    tpu.enqueue_indirect_dma source(%dma_start3A_19 : memref<2600000x16xf32, #tpu.memory_space<hbm>>) target(%dma_start3A_13 : memref<512x16xf32, #tpu.memory_space<vmem>>) offsets(%dma_start3A_16 : memref<512xi32, #tpu.memory_space<vmem>>) semaphore(%dma_start3A_21 : memref<!tpu.dma_semaphore, #tpu.memory_space<semaphore_mem>>)
    %dma_start3A_22 = arith.constant 1 : i32
    %dma_start3A_23 = arith.constant 1 : i32
    %dma_start3A_24 = arith.constant 1 : i32
    %dma_start3A_25 = arith.constant 0 : i32
    %dma_start3A_26 = arith.constant 0 : i32
    %dma_start3A_27 = tpu.memref_slice %arg6[%dma_start3A_23, %dma_start3A_25, %dma_start3A_26] : memref<4x512x16xf32, #tpu.memory_space<vmem>> -> memref<1x512x16xf32, #tpu.memory_space<vmem>>
    %dma_start3A_28 = tpu.memref_squeeze %dma_start3A_27 : memref<1x512x16xf32, #tpu.memory_space<vmem>> -> memref<512x16xf32, #tpu.memory_space<vmem>>
    %dma_start3A_29 = arith.constant 0 : i32
    %dma_start3A_30 = tpu.memref_slice %arg5[%dma_start3A_22, %dma_start3A_29] : memref<26x512xi32, #tpu.memory_space<vmem>> -> memref<1x512xi32, #tpu.memory_space<vmem>>
    %dma_start3A_31 = tpu.memref_squeeze %dma_start3A_30 : memref<1x512xi32, #tpu.memory_space<vmem>> -> memref<512xi32, #tpu.memory_space<vmem>>
    %dma_start3A_32 = arith.constant 0 : i32
    %dma_start3A_33 = arith.constant 0 : i32
    %dma_start3A_34 = tpu.memref_slice %arg2[%dma_start3A_32, %dma_start3A_33] : memref<2600000x16xf32, #tpu.memory_space<hbm>> -> memref<2600000x16xf32, #tpu.memory_space<hbm>>
    %dma_start3A_35 = tpu.memref_slice %arg7[%dma_start3A_24] : memref<4x!tpu.dma_semaphore, #tpu.memory_space<semaphore_mem>> -> memref<1x!tpu.dma_semaphore, #tpu.memory_space<semaphore_mem>>
    %dma_start3A_36 = tpu.memref_squeeze %dma_start3A_35 : memref<1x!tpu.dma_semaphore, #tpu.memory_space<semaphore_mem>> -> memref<!tpu.dma_semaphore, #tpu.memory_space<semaphore_mem>>
    tpu.enqueue_indirect_dma source(%dma_start3A_34 : memref<2600000x16xf32, #tpu.memory_space<hbm>>) target(%dma_start3A_28 : memref<512x16xf32, #tpu.memory_space<vmem>>) offsets(%dma_start3A_31 : memref<512xi32, #tpu.memory_space<vmem>>) semaphore(%dma_start3A_36 : memref<!tpu.dma_semaphore, #tpu.memory_space<semaphore_mem>>)
    %dma_start3A_37 = arith.constant 2 : i32
    %dma_start3A_38 = arith.constant 2 : i32
    %dma_start3A_39 = arith.constant 2 : i32
    %dma_start3A_40 = arith.constant 0 : i32
    %dma_start3A_41 = arith.constant 0 : i32
    %dma_start3A_42 = tpu.memref_slice %arg6[%dma_start3A_38, %dma_start3A_40, %dma_start3A_41] : memref<4x512x16xf32, #tpu.memory_space<vmem>> -> memref<1x512x16xf32, #tpu.memory_space<vmem>>
    %dma_start3A_43 = tpu.memref_squeeze %dma_start3A_42 : memref<1x512x16xf32, #tpu.memory_space<vmem>> -> memref<512x16xf32, #tpu.memory_space<vmem>>
    %dma_start3A_44 = arith.constant 0 : i32
    %dma_start3A_45 = tpu.memref_slice %arg5[%dma_start3A_37, %dma_start3A_44] : memref<26x512xi32, #tpu.memory_space<vmem>> -> memref<1x512xi32, #tpu.memory_space<vmem>>
    %dma_start3A_46 = tpu.memref_squeeze %dma_start3A_45 : memref<1x512xi32, #tpu.memory_space<vmem>> -> memref<512xi32, #tpu.memory_space<vmem>>
    %dma_start3A_47 = arith.constant 0 : i32
    %dma_start3A_48 = arith.constant 0 : i32
    %dma_start3A_49 = tpu.memref_slice %arg2[%dma_start3A_47, %dma_start3A_48] : memref<2600000x16xf32, #tpu.memory_space<hbm>> -> memref<2600000x16xf32, #tpu.memory_space<hbm>>
    %dma_start3A_50 = tpu.memref_slice %arg7[%dma_start3A_39] : memref<4x!tpu.dma_semaphore, #tpu.memory_space<semaphore_mem>> -> memref<1x!tpu.dma_semaphore, #tpu.memory_space<semaphore_mem>>
    %dma_start3A_51 = tpu.memref_squeeze %dma_start3A_50 : memref<1x!tpu.dma_semaphore, #tpu.memory_space<semaphore_mem>> -> memref<!tpu.dma_semaphore, #tpu.memory_space<semaphore_mem>>
    tpu.enqueue_indirect_dma source(%dma_start3A_49 : memref<2600000x16xf32, #tpu.memory_space<hbm>>) target(%dma_start3A_43 : memref<512x16xf32, #tpu.memory_space<vmem>>) offsets(%dma_start3A_46 : memref<512xi32, #tpu.memory_space<vmem>>) semaphore(%dma_start3A_51 : memref<!tpu.dma_semaphore, #tpu.memory_space<semaphore_mem>>)
    %dma_wait3A = arith.constant 0 : i32
    %dma_wait3A_52 = arith.constant 0 : i32
    %dma_wait3A_53 = arith.constant 0 : i32
    %dma_wait3A_54 = arith.constant 0 : i32
    %dma_wait3A_55 = arith.constant 0 : i32
    %dma_wait3A_56 = tpu.memref_slice %arg6[%dma_wait3A_52, %dma_wait3A_54, %dma_wait3A_55] : memref<4x512x16xf32, #tpu.memory_space<vmem>> -> memref<1x512x16xf32, #tpu.memory_space<vmem>>
    %dma_wait3A_57 = tpu.memref_squeeze %dma_wait3A_56 : memref<1x512x16xf32, #tpu.memory_space<vmem>> -> memref<512x16xf32, #tpu.memory_space<vmem>>
    %dma_wait3A_58 = arith.constant 0 : i32
    %dma_wait3A_59 = tpu.memref_slice %arg5[%dma_wait3A, %dma_wait3A_58] : memref<26x512xi32, #tpu.memory_space<vmem>> -> memref<1x512xi32, #tpu.memory_space<vmem>>
    %dma_wait3A_60 = tpu.memref_squeeze %dma_wait3A_59 : memref<1x512xi32, #tpu.memory_space<vmem>> -> memref<512xi32, #tpu.memory_space<vmem>>
    %dma_wait3A_61 = arith.constant 0 : i32
    %dma_wait3A_62 = arith.constant 0 : i32
    %dma_wait3A_63 = tpu.memref_slice %arg2[%dma_wait3A_61, %dma_wait3A_62] : memref<2600000x16xf32, #tpu.memory_space<hbm>> -> memref<2600000x16xf32, #tpu.memory_space<hbm>>
    %dma_wait3A_64 = tpu.memref_slice %arg7[%dma_wait3A_53] : memref<4x!tpu.dma_semaphore, #tpu.memory_space<semaphore_mem>> -> memref<1x!tpu.dma_semaphore, #tpu.memory_space<semaphore_mem>>
    %dma_wait3A_65 = tpu.memref_squeeze %dma_wait3A_64 : memref<1x!tpu.dma_semaphore, #tpu.memory_space<semaphore_mem>> -> memref<!tpu.dma_semaphore, #tpu.memory_space<semaphore_mem>>
    tpu.wait_indirect_dma semaphore(%dma_wait3A_65 : memref<!tpu.dma_semaphore, #tpu.memory_space<semaphore_mem>>) src(%dma_wait3A_63 : memref<2600000x16xf32, #tpu.memory_space<hbm>>) dst(%dma_wait3A_57 : memref<512x16xf32, #tpu.memory_space<vmem>>)
    %dma_start3A_66 = arith.constant 0 : i32
    %dma_start3A_67 = arith.constant 0 : i32
    %dma_start3A_68 = arith.constant 0 : i32
    %dma_start3A_69 = arith.constant 0 : i32
    %dma_start3A_70 = tpu.memref_slice %arg6[%dma_start3A_66, %dma_start3A_68, %dma_start3A_69] : memref<4x512x16xf32, #tpu.memory_space<vmem>> -> memref<1x512x16xf32, #tpu.memory_space<vmem>>
    %dma_start3A_71 = tpu.memref_squeeze %dma_start3A_70 : memref<1x512x16xf32, #tpu.memory_space<vmem>> -> memref<512x16xf32, #tpu.memory_space<vmem>>
    %dma_start3A_72 = arith.constant 0 : i32
    %dma_start3A_73 = tpu.memref_slice %arg4[%mul3A_2, %dma_start3A_72] : memref<16384x416xf32, #tpu.memory_space<hbm>> -> memref<512x16xf32, #tpu.memory_space<hbm>>
    %dma_start3A_74 = tpu.memref_slice %arg8[%dma_start3A_67] : memref<4x!tpu.dma_semaphore, #tpu.memory_space<semaphore_mem>> -> memref<1x!tpu.dma_semaphore, #tpu.memory_space<semaphore_mem>>
    %dma_start3A_75 = tpu.memref_squeeze %dma_start3A_74 : memref<1x!tpu.dma_semaphore, #tpu.memory_space<semaphore_mem>> -> memref<!tpu.dma_semaphore, #tpu.memory_space<semaphore_mem>>
    %dma_start3A_76 = arith.constant 0 : i32
    %dma_start3A_77 = tpu.memref_slice %arg4[%mul3A_2, %dma_start3A_76] : memref<16384x416xf32, #tpu.memory_space<hbm>> -> memref<512x16xf32, #tpu.memory_space<hbm>>
    %dma_start3A_78 = arith.constant 0 : i32
    %dma_start3A_79 = arith.constant 0 : i32
    %dma_start3A_80 = tpu.memref_slice %arg6[%dma_start3A_66, %dma_start3A_78, %dma_start3A_79] : memref<4x512x16xf32, #tpu.memory_space<vmem>> -> memref<1x512x16xf32, #tpu.memory_space<vmem>>
    %dma_start3A_81 = tpu.memref_squeeze %dma_start3A_80 : memref<1x512x16xf32, #tpu.memory_space<vmem>> -> memref<512x16xf32, #tpu.memory_space<vmem>>
    tpu.enqueue_dma source(%dma_start3A_81 : memref<512x16xf32, #tpu.memory_space<vmem>>) target(%dma_start3A_77 : memref<512x16xf32, #tpu.memory_space<hbm>>) target_semaphore(%dma_start3A_75 : memref<!tpu.dma_semaphore, #tpu.memory_space<semaphore_mem>>)
    %dma_start3A_82 = arith.constant 3 : i32
    %dma_start3A_83 = arith.constant 3 : i32
    %dma_start3A_84 = arith.constant 3 : i32
    %dma_start3A_85 = arith.constant 0 : i32
    %dma_start3A_86 = arith.constant 0 : i32
    %dma_start3A_87 = tpu.memref_slice %arg6[%dma_start3A_83, %dma_start3A_85, %dma_start3A_86] : memref<4x512x16xf32, #tpu.memory_space<vmem>> -> memref<1x512x16xf32, #tpu.memory_space<vmem>>
    %dma_start3A_88 = tpu.memref_squeeze %dma_start3A_87 : memref<1x512x16xf32, #tpu.memory_space<vmem>> -> memref<512x16xf32, #tpu.memory_space<vmem>>
    %dma_start3A_89 = arith.constant 0 : i32
    %dma_start3A_90 = tpu.memref_slice %arg5[%dma_start3A_82, %dma_start3A_89] : memref<26x512xi32, #tpu.memory_space<vmem>> -> memref<1x512xi32, #tpu.memory_space<vmem>>
    %dma_start3A_91 = tpu.memref_squeeze %dma_start3A_90 : memref<1x512xi32, #tpu.memory_space<vmem>> -> memref<512xi32, #tpu.memory_space<vmem>>
    %dma_start3A_92 = arith.constant 0 : i32
    %dma_start3A_93 = arith.constant 0 : i32
    %dma_start3A_94 = tpu.memref_slice %arg2[%dma_start3A_92, %dma_start3A_93] : memref<2600000x16xf32, #tpu.memory_space<hbm>> -> memref<2600000x16xf32, #tpu.memory_space<hbm>>
    %dma_start3A_95 = tpu.memref_slice %arg7[%dma_start3A_84] : memref<4x!tpu.dma_semaphore, #tpu.memory_space<semaphore_mem>> -> memref<1x!tpu.dma_semaphore, #tpu.memory_space<semaphore_mem>>
    %dma_start3A_96 = tpu.memref_squeeze %dma_start3A_95 : memref<1x!tpu.dma_semaphore, #tpu.memory_space<semaphore_mem>> -> memref<!tpu.dma_semaphore, #tpu.memory_space<semaphore_mem>>
    tpu.enqueue_indirect_dma source(%dma_start3A_94 : memref<2600000x16xf32, #tpu.memory_space<hbm>>) target(%dma_start3A_88 : memref<512x16xf32, #tpu.memory_space<vmem>>) offsets(%dma_start3A_91 : memref<512xi32, #tpu.memory_space<vmem>>) semaphore(%dma_start3A_96 : memref<!tpu.dma_semaphore, #tpu.memory_space<semaphore_mem>>)
    %dma_wait3A_97 = arith.constant 1 : i32
    %dma_wait3A_98 = arith.constant 1 : i32
    %dma_wait3A_99 = arith.constant 1 : i32
    %dma_wait3A_100 = arith.constant 0 : i32
    %dma_wait3A_101 = arith.constant 0 : i32
    %dma_wait3A_102 = tpu.memref_slice %arg6[%dma_wait3A_98, %dma_wait3A_100, %dma_wait3A_101] : memref<4x512x16xf32, #tpu.memory_space<vmem>> -> memref<1x512x16xf32, #tpu.memory_space<vmem>>
    %dma_wait3A_103 = tpu.memref_squeeze %dma_wait3A_102 : memref<1x512x16xf32, #tpu.memory_space<vmem>> -> memref<512x16xf32, #tpu.memory_space<vmem>>
    %dma_wait3A_104 = arith.constant 0 : i32
    %dma_wait3A_105 = tpu.memref_slice %arg5[%dma_wait3A_97, %dma_wait3A_104] : memref<26x512xi32, #tpu.memory_space<vmem>> -> memref<1x512xi32, #tpu.memory_space<vmem>>
    %dma_wait3A_106 = tpu.memref_squeeze %dma_wait3A_105 : memref<1x512xi32, #tpu.memory_space<vmem>> -> memref<512xi32, #tpu.memory_space<vmem>>
    %dma_wait3A_107 = arith.constant 0 : i32
    %dma_wait3A_108 = arith.constant 0 : i32
    %dma_wait3A_109 = tpu.memref_slice %arg2[%dma_wait3A_107, %dma_wait3A_108] : memref<2600000x16xf32, #tpu.memory_space<hbm>> -> memref<2600000x16xf32, #tpu.memory_space<hbm>>
    %dma_wait3A_110 = tpu.memref_slice %arg7[%dma_wait3A_99] : memref<4x!tpu.dma_semaphore, #tpu.memory_space<semaphore_mem>> -> memref<1x!tpu.dma_semaphore, #tpu.memory_space<semaphore_mem>>
    %dma_wait3A_111 = tpu.memref_squeeze %dma_wait3A_110 : memref<1x!tpu.dma_semaphore, #tpu.memory_space<semaphore_mem>> -> memref<!tpu.dma_semaphore, #tpu.memory_space<semaphore_mem>>
    tpu.wait_indirect_dma semaphore(%dma_wait3A_111 : memref<!tpu.dma_semaphore, #tpu.memory_space<semaphore_mem>>) src(%dma_wait3A_109 : memref<2600000x16xf32, #tpu.memory_space<hbm>>) dst(%dma_wait3A_103 : memref<512x16xf32, #tpu.memory_space<vmem>>)
    %dma_start3A_112 = arith.constant 1 : i32
    %dma_start3A_113 = arith.constant 1 : i32
    %dma_start3A_114 = arith.constant 0 : i32
    %dma_start3A_115 = arith.constant 0 : i32
    %dma_start3A_116 = tpu.memref_slice %arg6[%dma_start3A_112, %dma_start3A_114, %dma_start3A_115] : memref<4x512x16xf32, #tpu.memory_space<vmem>> -> memref<1x512x16xf32, #tpu.memory_space<vmem>>
    %dma_start3A_117 = tpu.memref_squeeze %dma_start3A_116 : memref<1x512x16xf32, #tpu.memory_space<vmem>> -> memref<512x16xf32, #tpu.memory_space<vmem>>
    %dma_start3A_118 = arith.constant 16 : i32
    %dma_start3A_119 = tpu.memref_slice %arg4[%mul3A_2, %dma_start3A_118] : memref<16384x416xf32, #tpu.memory_space<hbm>> -> memref<512x16xf32, #tpu.memory_space<hbm>>
    %dma_start3A_120 = tpu.memref_slice %arg8[%dma_start3A_113] : memref<4x!tpu.dma_semaphore, #tpu.memory_space<semaphore_mem>> -> memref<1x!tpu.dma_semaphore, #tpu.memory_space<semaphore_mem>>
    %dma_start3A_121 = tpu.memref_squeeze %dma_start3A_120 : memref<1x!tpu.dma_semaphore, #tpu.memory_space<semaphore_mem>> -> memref<!tpu.dma_semaphore, #tpu.memory_space<semaphore_mem>>
    %dma_start3A_122 = arith.constant 16 : i32
    %dma_start3A_123 = tpu.memref_slice %arg4[%mul3A_2, %dma_start3A_122] : memref<16384x416xf32, #tpu.memory_space<hbm>> -> memref<512x16xf32, #tpu.memory_space<hbm>>
    %dma_start3A_124 = arith.constant 0 : i32
    %dma_start3A_125 = arith.constant 0 : i32
    %dma_start3A_126 = tpu.memref_slice %arg6[%dma_start3A_112, %dma_start3A_124, %dma_start3A_125] : memref<4x512x16xf32, #tpu.memory_space<vmem>> -> memref<1x512x16xf32, #tpu.memory_space<vmem>>
    %dma_start3A_127 = tpu.memref_squeeze %dma_start3A_126 : memref<1x512x16xf32, #tpu.memory_space<vmem>> -> memref<512x16xf32, #tpu.memory_space<vmem>>
    tpu.enqueue_dma source(%dma_start3A_127 : memref<512x16xf32, #tpu.memory_space<vmem>>) target(%dma_start3A_123 : memref<512x16xf32, #tpu.memory_space<hbm>>) target_semaphore(%dma_start3A_121 : memref<!tpu.dma_semaphore, #tpu.memory_space<semaphore_mem>>)
    %dma_wait3A_128 = arith.constant 0 : i32
    %dma_wait3A_129 = arith.constant 0 : i32
    %dma_wait3A_130 = arith.constant 0 : i32
    %dma_wait3A_131 = arith.constant 0 : i32
    %dma_wait3A_132 = tpu.memref_slice %arg6[%dma_wait3A_128, %dma_wait3A_130, %dma_wait3A_131] : memref<4x512x16xf32, #tpu.memory_space<vmem>> -> memref<1x512x16xf32, #tpu.memory_space<vmem>>
    %dma_wait3A_133 = tpu.memref_squeeze %dma_wait3A_132 : memref<1x512x16xf32, #tpu.memory_space<vmem>> -> memref<512x16xf32, #tpu.memory_space<vmem>>
    %dma_wait3A_134 = arith.constant 0 : i32
    %dma_wait3A_135 = tpu.memref_slice %arg4[%mul3A_2, %dma_wait3A_134] : memref<16384x416xf32, #tpu.memory_space<hbm>> -> memref<512x16xf32, #tpu.memory_space<hbm>>
    %dma_wait3A_136 = tpu.memref_slice %arg8[%dma_wait3A_129] : memref<4x!tpu.dma_semaphore, #tpu.memory_space<semaphore_mem>> -> memref<1x!tpu.dma_semaphore, #tpu.memory_space<semaphore_mem>>
    %dma_wait3A_137 = tpu.memref_squeeze %dma_wait3A_136 : memref<1x!tpu.dma_semaphore, #tpu.memory_space<semaphore_mem>> -> memref<!tpu.dma_semaphore, #tpu.memory_space<semaphore_mem>>
    %dma_wait3A_138 = arith.constant 0 : i32
    %dma_wait3A_139 = tpu.memref_slice %arg4[%mul3A_2, %dma_wait3A_138] : memref<16384x416xf32, #tpu.memory_space<hbm>> -> memref<512x16xf32, #tpu.memory_space<hbm>>
    %dma_wait3A_140 = arith.constant 0 : i32
    %dma_wait3A_141 = arith.constant 0 : i32
    %dma_wait3A_142 = tpu.memref_slice %arg6[%dma_wait3A_128, %dma_wait3A_140, %dma_wait3A_141] : memref<4x512x16xf32, #tpu.memory_space<vmem>> -> memref<1x512x16xf32, #tpu.memory_space<vmem>>
    %dma_wait3A_143 = tpu.memref_squeeze %dma_wait3A_142 : memref<1x512x16xf32, #tpu.memory_space<vmem>> -> memref<512x16xf32, #tpu.memory_space<vmem>>
    tpu.wait_dma2 semaphore(%dma_wait3A_137 : memref<!tpu.dma_semaphore, #tpu.memory_space<semaphore_mem>>) src(%dma_wait3A_143 : memref<512x16xf32, #tpu.memory_space<vmem>>) dst(%dma_wait3A_139 : memref<512x16xf32, #tpu.memory_space<hbm>>)
    %dma_start3A_144 = arith.constant 4 : i32
    %dma_start3A_145 = arith.constant 0 : i32
    %dma_start3A_146 = arith.constant 0 : i32
    %dma_start3A_147 = arith.constant 0 : i32
    %dma_start3A_148 = arith.constant 0 : i32
    %dma_start3A_149 = tpu.memref_slice %arg6[%dma_start3A_145, %dma_start3A_147, %dma_start3A_148] : memref<4x512x16xf32, #tpu.memory_space<vmem>> -> memref<1x512x16xf32, #tpu.memory_space<vmem>>
    %dma_start3A_150 = tpu.memref_squeeze %dma_start3A_149 : memref<1x512x16xf32, #tpu.memory_space<vmem>> -> memref<512x16xf32, #tpu.memory_space<vmem>>
    %dma_start3A_151 = arith.constant 0 : i32
    %dma_start3A_152 = tpu.memref_slice %arg5[%dma_start3A_144, %dma_start3A_151] : memref<26x512xi32, #tpu.memory_space<vmem>> -> memref<1x512xi32, #tpu.memory_space<vmem>>
    %dma_start3A_153 = tpu.memref_squeeze %dma_start3A_152 : memref<1x512xi32, #tpu.memory_space<vmem>> -> memref<512xi32, #tpu.memory_space<vmem>>
    %dma_start3A_154 = arith.constant 0 : i32
    %dma_start3A_155 = arith.constant 0 : i32
    %dma_start3A_156 = tpu.memref_slice %arg2[%dma_start3A_154, %dma_start3A_155] : memref<2600000x16xf32, #tpu.memory_space<hbm>> -> memref<2600000x16xf32, #tpu.memory_space<hbm>>
    %dma_start3A_157 = tpu.memref_slice %arg7[%dma_start3A_146] : memref<4x!tpu.dma_semaphore, #tpu.memory_space<semaphore_mem>> -> memref<1x!tpu.dma_semaphore, #tpu.memory_space<semaphore_mem>>
    %dma_start3A_158 = tpu.memref_squeeze %dma_start3A_157 : memref<1x!tpu.dma_semaphore, #tpu.memory_space<semaphore_mem>> -> memref<!tpu.dma_semaphore, #tpu.memory_space<semaphore_mem>>
    tpu.enqueue_indirect_dma source(%dma_start3A_156 : memref<2600000x16xf32, #tpu.memory_space<hbm>>) target(%dma_start3A_150 : memref<512x16xf32, #tpu.memory_space<vmem>>) offsets(%dma_start3A_153 : memref<512xi32, #tpu.memory_space<vmem>>) semaphore(%dma_start3A_158 : memref<!tpu.dma_semaphore, #tpu.memory_space<semaphore_mem>>)
    %dma_wait3A_159 = arith.constant 2 : i32
    %dma_wait3A_160 = arith.constant 2 : i32
    %dma_wait3A_161 = arith.constant 2 : i32
    %dma_wait3A_162 = arith.constant 0 : i32
    %dma_wait3A_163 = arith.constant 0 : i32
    %dma_wait3A_164 = tpu.memref_slice %arg6[%dma_wait3A_160, %dma_wait3A_162, %dma_wait3A_163] : memref<4x512x16xf32, #tpu.memory_space<vmem>> -> memref<1x512x16xf32, #tpu.memory_space<vmem>>
    %dma_wait3A_165 = tpu.memref_squeeze %dma_wait3A_164 : memref<1x512x16xf32, #tpu.memory_space<vmem>> -> memref<512x16xf32, #tpu.memory_space<vmem>>
    %dma_wait3A_166 = arith.constant 0 : i32
    %dma_wait3A_167 = tpu.memref_slice %arg5[%dma_wait3A_159, %dma_wait3A_166] : memref<26x512xi32, #tpu.memory_space<vmem>> -> memref<1x512xi32, #tpu.memory_space<vmem>>
    %dma_wait3A_168 = tpu.memref_squeeze %dma_wait3A_167 : memref<1x512xi32, #tpu.memory_space<vmem>> -> memref<512xi32, #tpu.memory_space<vmem>>
    %dma_wait3A_169 = arith.constant 0 : i32
    %dma_wait3A_170 = arith.constant 0 : i32
    %dma_wait3A_171 = tpu.memref_slice %arg2[%dma_wait3A_169, %dma_wait3A_170] : memref<2600000x16xf32, #tpu.memory_space<hbm>> -> memref<2600000x16xf32, #tpu.memory_space<hbm>>
    %dma_wait3A_172 = tpu.memref_slice %arg7[%dma_wait3A_161] : memref<4x!tpu.dma_semaphore, #tpu.memory_space<semaphore_mem>> -> memref<1x!tpu.dma_semaphore, #tpu.memory_space<semaphore_mem>>
    %dma_wait3A_173 = tpu.memref_squeeze %dma_wait3A_172 : memref<1x!tpu.dma_semaphore, #tpu.memory_space<semaphore_mem>> -> memref<!tpu.dma_semaphore, #tpu.memory_space<semaphore_mem>>
    tpu.wait_indirect_dma semaphore(%dma_wait3A_173 : memref<!tpu.dma_semaphore, #tpu.memory_space<semaphore_mem>>) src(%dma_wait3A_171 : memref<2600000x16xf32, #tpu.memory_space<hbm>>) dst(%dma_wait3A_165 : memref<512x16xf32, #tpu.memory_space<vmem>>)
    %dma_start3A_174 = arith.constant 2 : i32
    %dma_start3A_175 = arith.constant 2 : i32
    %dma_start3A_176 = arith.constant 0 : i32
    %dma_start3A_177 = arith.constant 0 : i32
    %dma_start3A_178 = tpu.memref_slice %arg6[%dma_start3A_174, %dma_start3A_176, %dma_start3A_177] : memref<4x512x16xf32, #tpu.memory_space<vmem>> -> memref<1x512x16xf32, #tpu.memory_space<vmem>>
    %dma_start3A_179 = tpu.memref_squeeze %dma_start3A_178 : memref<1x512x16xf32, #tpu.memory_space<vmem>> -> memref<512x16xf32, #tpu.memory_space<vmem>>
    %dma_start3A_180 = arith.constant 32 : i32
    %dma_start3A_181 = tpu.memref_slice %arg4[%mul3A_2, %dma_start3A_180] : memref<16384x416xf32, #tpu.memory_space<hbm>> -> memref<512x16xf32, #tpu.memory_space<hbm>>
    %dma_start3A_182 = tpu.memref_slice %arg8[%dma_start3A_175] : memref<4x!tpu.dma_semaphore, #tpu.memory_space<semaphore_mem>> -> memref<1x!tpu.dma_semaphore, #tpu.memory_space<semaphore_mem>>
    %dma_start3A_183 = tpu.memref_squeeze %dma_start3A_182 : memref<1x!tpu.dma_semaphore, #tpu.memory_space<semaphore_mem>> -> memref<!tpu.dma_semaphore, #tpu.memory_space<semaphore_mem>>
    %dma_start3A_184 = arith.constant 32 : i32
    %dma_start3A_185 = tpu.memref_slice %arg4[%mul3A_2, %dma_start3A_184] : memref<16384x416xf32, #tpu.memory_space<hbm>> -> memref<512x16xf32, #tpu.memory_space<hbm>>
    %dma_start3A_186 = arith.constant 0 : i32
    %dma_start3A_187 = arith.constant 0 : i32
    %dma_start3A_188 = tpu.memref_slice %arg6[%dma_start3A_174, %dma_start3A_186, %dma_start3A_187] : memref<4x512x16xf32, #tpu.memory_space<vmem>> -> memref<1x512x16xf32, #tpu.memory_space<vmem>>
    %dma_start3A_189 = tpu.memref_squeeze %dma_start3A_188 : memref<1x512x16xf32, #tpu.memory_space<vmem>> -> memref<512x16xf32, #tpu.memory_space<vmem>>
    tpu.enqueue_dma source(%dma_start3A_189 : memref<512x16xf32, #tpu.memory_space<vmem>>) target(%dma_start3A_185 : memref<512x16xf32, #tpu.memory_space<hbm>>) target_semaphore(%dma_start3A_183 : memref<!tpu.dma_semaphore, #tpu.memory_space<semaphore_mem>>)
    %dma_wait3A_190 = arith.constant 1 : i32
    %dma_wait3A_191 = arith.constant 1 : i32
    %dma_wait3A_192 = arith.constant 0 : i32
    %dma_wait3A_193 = arith.constant 0 : i32
    %dma_wait3A_194 = tpu.memref_slice %arg6[%dma_wait3A_190, %dma_wait3A_192, %dma_wait3A_193] : memref<4x512x16xf32, #tpu.memory_space<vmem>> -> memref<1x512x16xf32, #tpu.memory_space<vmem>>
    %dma_wait3A_195 = tpu.memref_squeeze %dma_wait3A_194 : memref<1x512x16xf32, #tpu.memory_space<vmem>> -> memref<512x16xf32, #tpu.memory_space<vmem>>
    %dma_wait3A_196 = arith.constant 16 : i32
    %dma_wait3A_197 = tpu.memref_slice %arg4[%mul3A_2, %dma_wait3A_196] : memref<16384x416xf32, #tpu.memory_space<hbm>> -> memref<512x16xf32, #tpu.memory_space<hbm>>
    %dma_wait3A_198 = tpu.memref_slice %arg8[%dma_wait3A_191] : memref<4x!tpu.dma_semaphore, #tpu.memory_space<semaphore_mem>> -> memref<1x!tpu.dma_semaphore, #tpu.memory_space<semaphore_mem>>
    %dma_wait3A_199 = tpu.memref_squeeze %dma_wait3A_198 : memref<1x!tpu.dma_semaphore, #tpu.memory_space<semaphore_mem>> -> memref<!tpu.dma_semaphore, #tpu.memory_space<semaphore_mem>>
    %dma_wait3A_200 = arith.constant 16 : i32
    %dma_wait3A_201 = tpu.memref_slice %arg4[%mul3A_2, %dma_wait3A_200] : memref<16384x416xf32, #tpu.memory_space<hbm>> -> memref<512x16xf32, #tpu.memory_space<hbm>>
    %dma_wait3A_202 = arith.constant 0 : i32
    %dma_wait3A_203 = arith.constant 0 : i32
    %dma_wait3A_204 = tpu.memref_slice %arg6[%dma_wait3A_190, %dma_wait3A_202, %dma_wait3A_203] : memref<4x512x16xf32, #tpu.memory_space<vmem>> -> memref<1x512x16xf32, #tpu.memory_space<vmem>>
    %dma_wait3A_205 = tpu.memref_squeeze %dma_wait3A_204 : memref<1x512x16xf32, #tpu.memory_space<vmem>> -> memref<512x16xf32, #tpu.memory_space<vmem>>
    tpu.wait_dma2 semaphore(%dma_wait3A_199 : memref<!tpu.dma_semaphore, #tpu.memory_space<semaphore_mem>>) src(%dma_wait3A_205 : memref<512x16xf32, #tpu.memory_space<vmem>>) dst(%dma_wait3A_201 : memref<512x16xf32, #tpu.memory_space<hbm>>)
    %dma_start3A_206 = arith.constant 5 : i32
    %dma_start3A_207 = arith.constant 1 : i32
    %dma_start3A_208 = arith.constant 1 : i32
    %dma_start3A_209 = arith.constant 0 : i32
    %dma_start3A_210 = arith.constant 0 : i32
    %dma_start3A_211 = tpu.memref_slice %arg6[%dma_start3A_207, %dma_start3A_209, %dma_start3A_210] : memref<4x512x16xf32, #tpu.memory_space<vmem>> -> memref<1x512x16xf32, #tpu.memory_space<vmem>>
    %dma_start3A_212 = tpu.memref_squeeze %dma_start3A_211 : memref<1x512x16xf32, #tpu.memory_space<vmem>> -> memref<512x16xf32, #tpu.memory_space<vmem>>
    %dma_start3A_213 = arith.constant 0 : i32
    %dma_start3A_214 = tpu.memref_slice %arg5[%dma_start3A_206, %dma_start3A_213] : memref<26x512xi32, #tpu.memory_space<vmem>> -> memref<1x512xi32, #tpu.memory_space<vmem>>
    %dma_start3A_215 = tpu.memref_squeeze %dma_start3A_214 : memref<1x512xi32, #tpu.memory_space<vmem>> -> memref<512xi32, #tpu.memory_space<vmem>>
    %dma_start3A_216 = arith.constant 0 : i32
    %dma_start3A_217 = arith.constant 0 : i32
    %dma_start3A_218 = tpu.memref_slice %arg2[%dma_start3A_216, %dma_start3A_217] : memref<2600000x16xf32, #tpu.memory_space<hbm>> -> memref<2600000x16xf32, #tpu.memory_space<hbm>>
    %dma_start3A_219 = tpu.memref_slice %arg7[%dma_start3A_208] : memref<4x!tpu.dma_semaphore, #tpu.memory_space<semaphore_mem>> -> memref<1x!tpu.dma_semaphore, #tpu.memory_space<semaphore_mem>>
    %dma_start3A_220 = tpu.memref_squeeze %dma_start3A_219 : memref<1x!tpu.dma_semaphore, #tpu.memory_space<semaphore_mem>> -> memref<!tpu.dma_semaphore, #tpu.memory_space<semaphore_mem>>
    tpu.enqueue_indirect_dma source(%dma_start3A_218 : memref<2600000x16xf32, #tpu.memory_space<hbm>>) target(%dma_start3A_212 : memref<512x16xf32, #tpu.memory_space<vmem>>) offsets(%dma_start3A_215 : memref<512xi32, #tpu.memory_space<vmem>>) semaphore(%dma_start3A_220 : memref<!tpu.dma_semaphore, #tpu.memory_space<semaphore_mem>>)
    %dma_wait3A_221 = arith.constant 3 : i32
    %dma_wait3A_222 = arith.constant 3 : i32
    %dma_wait3A_223 = arith.constant 3 : i32
    %dma_wait3A_224 = arith.constant 0 : i32
    %dma_wait3A_225 = arith.constant 0 : i32
    %dma_wait3A_226 = tpu.memref_slice %arg6[%dma_wait3A_222, %dma_wait3A_224, %dma_wait3A_225] : memref<4x512x16xf32, #tpu.memory_space<vmem>> -> memref<1x512x16xf32, #tpu.memory_space<vmem>>
    %dma_wait3A_227 = tpu.memref_squeeze %dma_wait3A_226 : memref<1x512x16xf32, #tpu.memory_space<vmem>> -> memref<512x16xf32, #tpu.memory_space<vmem>>
    %dma_wait3A_228 = arith.constant 0 : i32
    %dma_wait3A_229 = tpu.memref_slice %arg5[%dma_wait3A_221, %dma_wait3A_228] : memref<26x512xi32, #tpu.memory_space<vmem>> -> memref<1x512xi32, #tpu.memory_space<vmem>>
    %dma_wait3A_230 = tpu.memref_squeeze %dma_wait3A_229 : memref<1x512xi32, #tpu.memory_space<vmem>> -> memref<512xi32, #tpu.memory_space<vmem>>
    %dma_wait3A_231 = arith.constant 0 : i32
    %dma_wait3A_232 = arith.constant 0 : i32
    %dma_wait3A_233 = tpu.memref_slice %arg2[%dma_wait3A_231, %dma_wait3A_232] : memref<2600000x16xf32, #tpu.memory_space<hbm>> -> memref<2600000x16xf32, #tpu.memory_space<hbm>>
    %dma_wait3A_234 = tpu.memref_slice %arg7[%dma_wait3A_223] : memref<4x!tpu.dma_semaphore, #tpu.memory_space<semaphore_mem>> -> memref<1x!tpu.dma_semaphore, #tpu.memory_space<semaphore_mem>>
    %dma_wait3A_235 = tpu.memref_squeeze %dma_wait3A_234 : memref<1x!tpu.dma_semaphore, #tpu.memory_space<semaphore_mem>> -> memref<!tpu.dma_semaphore, #tpu.memory_space<semaphore_mem>>
    tpu.wait_indirect_dma semaphore(%dma_wait3A_235 : memref<!tpu.dma_semaphore, #tpu.memory_space<semaphore_mem>>) src(%dma_wait3A_233 : memref<2600000x16xf32, #tpu.memory_space<hbm>>) dst(%dma_wait3A_227 : memref<512x16xf32, #tpu.memory_space<vmem>>)
    %dma_start3A_236 = arith.constant 3 : i32
    %dma_start3A_237 = arith.constant 3 : i32
    %dma_start3A_238 = arith.constant 0 : i32
    %dma_start3A_239 = arith.constant 0 : i32
    %dma_start3A_240 = tpu.memref_slice %arg6[%dma_start3A_236, %dma_start3A_238, %dma_start3A_239] : memref<4x512x16xf32, #tpu.memory_space<vmem>> -> memref<1x512x16xf32, #tpu.memory_space<vmem>>
    %dma_start3A_241 = tpu.memref_squeeze %dma_start3A_240 : memref<1x512x16xf32, #tpu.memory_space<vmem>> -> memref<512x16xf32, #tpu.memory_space<vmem>>
    %dma_start3A_242 = arith.constant 48 : i32
    %dma_start3A_243 = tpu.memref_slice %arg4[%mul3A_2, %dma_start3A_242] : memref<16384x416xf32, #tpu.memory_space<hbm>> -> memref<512x16xf32, #tpu.memory_space<hbm>>
    %dma_start3A_244 = tpu.memref_slice %arg8[%dma_start3A_237] : memref<4x!tpu.dma_semaphore, #tpu.memory_space<semaphore_mem>> -> memref<1x!tpu.dma_semaphore, #tpu.memory_space<semaphore_mem>>
    %dma_start3A_245 = tpu.memref_squeeze %dma_start3A_244 : memref<1x!tpu.dma_semaphore, #tpu.memory_space<semaphore_mem>> -> memref<!tpu.dma_semaphore, #tpu.memory_space<semaphore_mem>>
    %dma_start3A_246 = arith.constant 48 : i32
    %dma_start3A_247 = tpu.memref_slice %arg4[%mul3A_2, %dma_start3A_246] : memref<16384x416xf32, #tpu.memory_space<hbm>> -> memref<512x16xf32, #tpu.memory_space<hbm>>
    %dma_start3A_248 = arith.constant 0 : i32
    %dma_start3A_249 = arith.constant 0 : i32
    %dma_start3A_250 = tpu.memref_slice %arg6[%dma_start3A_236, %dma_start3A_248, %dma_start3A_249] : memref<4x512x16xf32, #tpu.memory_space<vmem>> -> memref<1x512x16xf32, #tpu.memory_space<vmem>>
    %dma_start3A_251 = tpu.memref_squeeze %dma_start3A_250 : memref<1x512x16xf32, #tpu.memory_space<vmem>> -> memref<512x16xf32, #tpu.memory_space<vmem>>
    tpu.enqueue_dma source(%dma_start3A_251 : memref<512x16xf32, #tpu.memory_space<vmem>>) target(%dma_start3A_247 : memref<512x16xf32, #tpu.memory_space<hbm>>) target_semaphore(%dma_start3A_245 : memref<!tpu.dma_semaphore, #tpu.memory_space<semaphore_mem>>)
    %dma_wait3A_252 = arith.constant 2 : i32
    %dma_wait3A_253 = arith.constant 2 : i32
    %dma_wait3A_254 = arith.constant 0 : i32
    %dma_wait3A_255 = arith.constant 0 : i32
    %dma_wait3A_256 = tpu.memref_slice %arg6[%dma_wait3A_252, %dma_wait3A_254, %dma_wait3A_255] : memref<4x512x16xf32, #tpu.memory_space<vmem>> -> memref<1x512x16xf32, #tpu.memory_space<vmem>>
    %dma_wait3A_257 = tpu.memref_squeeze %dma_wait3A_256 : memref<1x512x16xf32, #tpu.memory_space<vmem>> -> memref<512x16xf32, #tpu.memory_space<vmem>>
    %dma_wait3A_258 = arith.constant 32 : i32
    %dma_wait3A_259 = tpu.memref_slice %arg4[%mul3A_2, %dma_wait3A_258] : memref<16384x416xf32, #tpu.memory_space<hbm>> -> memref<512x16xf32, #tpu.memory_space<hbm>>
    %dma_wait3A_260 = tpu.memref_slice %arg8[%dma_wait3A_253] : memref<4x!tpu.dma_semaphore, #tpu.memory_space<semaphore_mem>> -> memref<1x!tpu.dma_semaphore, #tpu.memory_space<semaphore_mem>>
    %dma_wait3A_261 = tpu.memref_squeeze %dma_wait3A_260 : memref<1x!tpu.dma_semaphore, #tpu.memory_space<semaphore_mem>> -> memref<!tpu.dma_semaphore, #tpu.memory_space<semaphore_mem>>
    %dma_wait3A_262 = arith.constant 32 : i32
    %dma_wait3A_263 = tpu.memref_slice %arg4[%mul3A_2, %dma_wait3A_262] : memref<16384x416xf32, #tpu.memory_space<hbm>> -> memref<512x16xf32, #tpu.memory_space<hbm>>
    %dma_wait3A_264 = arith.constant 0 : i32
    %dma_wait3A_265 = arith.constant 0 : i32
    %dma_wait3A_266 = tpu.memref_slice %arg6[%dma_wait3A_252, %dma_wait3A_264, %dma_wait3A_265] : memref<4x512x16xf32, #tpu.memory_space<vmem>> -> memref<1x512x16xf32, #tpu.memory_space<vmem>>
    %dma_wait3A_267 = tpu.memref_squeeze %dma_wait3A_266 : memref<1x512x16xf32, #tpu.memory_space<vmem>> -> memref<512x16xf32, #tpu.memory_space<vmem>>
    tpu.wait_dma2 semaphore(%dma_wait3A_261 : memref<!tpu.dma_semaphore, #tpu.memory_space<semaphore_mem>>) src(%dma_wait3A_267 : memref<512x16xf32, #tpu.memory_space<vmem>>) dst(%dma_wait3A_263 : memref<512x16xf32, #tpu.memory_space<hbm>>)
    %dma_start3A_268 = arith.constant 6 : i32
    %dma_start3A_269 = arith.constant 2 : i32
    %dma_start3A_270 = arith.constant 2 : i32
    %dma_start3A_271 = arith.constant 0 : i32
    %dma_start3A_272 = arith.constant 0 : i32
    %dma_start3A_273 = tpu.memref_slice %arg6[%dma_start3A_269, %dma_start3A_271, %dma_start3A_272] : memref<4x512x16xf32, #tpu.memory_space<vmem>> -> memref<1x512x16xf32, #tpu.memory_space<vmem>>
    %dma_start3A_274 = tpu.memref_squeeze %dma_start3A_273 : memref<1x512x16xf32, #tpu.memory_space<vmem>> -> memref<512x16xf32, #tpu.memory_space<vmem>>
    %dma_start3A_275 = arith.constant 0 : i32
    %dma_start3A_276 = tpu.memref_slice %arg5[%dma_start3A_268, %dma_start3A_275] : memref<26x512xi32, #tpu.memory_space<vmem>> -> memref<1x512xi32, #tpu.memory_space<vmem>>
    %dma_start3A_277 = tpu.memref_squeeze %dma_start3A_276 : memref<1x512xi32, #tpu.memory_space<vmem>> -> memref<512xi32, #tpu.memory_space<vmem>>
    %dma_start3A_278 = arith.constant 0 : i32
    %dma_start3A_279 = arith.constant 0 : i32
    %dma_start3A_280 = tpu.memref_slice %arg2[%dma_start3A_278, %dma_start3A_279] : memref<2600000x16xf32, #tpu.memory_space<hbm>> -> memref<2600000x16xf32, #tpu.memory_space<hbm>>
    %dma_start3A_281 = tpu.memref_slice %arg7[%dma_start3A_270] : memref<4x!tpu.dma_semaphore, #tpu.memory_space<semaphore_mem>> -> memref<1x!tpu.dma_semaphore, #tpu.memory_space<semaphore_mem>>
    %dma_start3A_282 = tpu.memref_squeeze %dma_start3A_281 : memref<1x!tpu.dma_semaphore, #tpu.memory_space<semaphore_mem>> -> memref<!tpu.dma_semaphore, #tpu.memory_space<semaphore_mem>>
    tpu.enqueue_indirect_dma source(%dma_start3A_280 : memref<2600000x16xf32, #tpu.memory_space<hbm>>) target(%dma_start3A_274 : memref<512x16xf32, #tpu.memory_space<vmem>>) offsets(%dma_start3A_277 : memref<512xi32, #tpu.memory_space<vmem>>) semaphore(%dma_start3A_282 : memref<!tpu.dma_semaphore, #tpu.memory_space<semaphore_mem>>)
    %dma_wait3A_283 = arith.constant 4 : i32
    %dma_wait3A_284 = arith.constant 0 : i32
    %dma_wait3A_285 = arith.constant 0 : i32
    %dma_wait3A_286 = arith.constant 0 : i32
    %dma_wait3A_287 = arith.constant 0 : i32
    %dma_wait3A_288 = tpu.memref_slice %arg6[%dma_wait3A_284, %dma_wait3A_286, %dma_wait3A_287] : memref<4x512x16xf32, #tpu.memory_space<vmem>> -> memref<1x512x16xf32, #tpu.memory_space<vmem>>
    %dma_wait3A_289 = tpu.memref_squeeze %dma_wait3A_288 : memref<1x512x16xf32, #tpu.memory_space<vmem>> -> memref<512x16xf32, #tpu.memory_space<vmem>>
    %dma_wait3A_290 = arith.constant 0 : i32
    %dma_wait3A_291 = tpu.memref_slice %arg5[%dma_wait3A_283, %dma_wait3A_290] : memref<26x512xi32, #tpu.memory_space<vmem>> -> memref<1x512xi32, #tpu.memory_space<vmem>>
    %dma_wait3A_292 = tpu.memref_squeeze %dma_wait3A_291 : memref<1x512xi32, #tpu.memory_space<vmem>> -> memref<512xi32, #tpu.memory_space<vmem>>
    %dma_wait3A_293 = arith.constant 0 : i32
    %dma_wait3A_294 = arith.constant 0 : i32
    %dma_wait3A_295 = tpu.memref_slice %arg2[%dma_wait3A_293, %dma_wait3A_294] : memref<2600000x16xf32, #tpu.memory_space<hbm>> -> memref<2600000x16xf32, #tpu.memory_space<hbm>>
    %dma_wait3A_296 = tpu.memref_slice %arg7[%dma_wait3A_285] : memref<4x!tpu.dma_semaphore, #tpu.memory_space<semaphore_mem>> -> memref<1x!tpu.dma_semaphore, #tpu.memory_space<semaphore_mem>>
    %dma_wait3A_297 = tpu.memref_squeeze %dma_wait3A_296 : memref<1x!tpu.dma_semaphore, #tpu.memory_space<semaphore_mem>> -> memref<!tpu.dma_semaphore, #tpu.memory_space<semaphore_mem>>
    tpu.wait_indirect_dma semaphore(%dma_wait3A_297 : memref<!tpu.dma_semaphore, #tpu.memory_space<semaphore_mem>>) src(%dma_wait3A_295 : memref<2600000x16xf32, #tpu.memory_space<hbm>>) dst(%dma_wait3A_289 : memref<512x16xf32, #tpu.memory_space<vmem>>)
    %dma_start3A_298 = arith.constant 0 : i32
    %dma_start3A_299 = arith.constant 0 : i32
    %dma_start3A_300 = arith.constant 0 : i32
    %dma_start3A_301 = arith.constant 0 : i32
    %dma_start3A_302 = tpu.memref_slice %arg6[%dma_start3A_298, %dma_start3A_300, %dma_start3A_301] : memref<4x512x16xf32, #tpu.memory_space<vmem>> -> memref<1x512x16xf32, #tpu.memory_space<vmem>>
    %dma_start3A_303 = tpu.memref_squeeze %dma_start3A_302 : memref<1x512x16xf32, #tpu.memory_space<vmem>> -> memref<512x16xf32, #tpu.memory_space<vmem>>
    %dma_start3A_304 = arith.constant 64 : i32
    %dma_start3A_305 = tpu.memref_slice %arg4[%mul3A_2, %dma_start3A_304] : memref<16384x416xf32, #tpu.memory_space<hbm>> -> memref<512x16xf32, #tpu.memory_space<hbm>>
    %dma_start3A_306 = tpu.memref_slice %arg8[%dma_start3A_299] : memref<4x!tpu.dma_semaphore, #tpu.memory_space<semaphore_mem>> -> memref<1x!tpu.dma_semaphore, #tpu.memory_space<semaphore_mem>>
    %dma_start3A_307 = tpu.memref_squeeze %dma_start3A_306 : memref<1x!tpu.dma_semaphore, #tpu.memory_space<semaphore_mem>> -> memref<!tpu.dma_semaphore, #tpu.memory_space<semaphore_mem>>
    %dma_start3A_308 = arith.constant 64 : i32
    %dma_start3A_309 = tpu.memref_slice %arg4[%mul3A_2, %dma_start3A_308] : memref<16384x416xf32, #tpu.memory_space<hbm>> -> memref<512x16xf32, #tpu.memory_space<hbm>>
    %dma_start3A_310 = arith.constant 0 : i32
    %dma_start3A_311 = arith.constant 0 : i32
    %dma_start3A_312 = tpu.memref_slice %arg6[%dma_start3A_298, %dma_start3A_310, %dma_start3A_311] : memref<4x512x16xf32, #tpu.memory_space<vmem>> -> memref<1x512x16xf32, #tpu.memory_space<vmem>>
    %dma_start3A_313 = tpu.memref_squeeze %dma_start3A_312 : memref<1x512x16xf32, #tpu.memory_space<vmem>> -> memref<512x16xf32, #tpu.memory_space<vmem>>
    tpu.enqueue_dma source(%dma_start3A_313 : memref<512x16xf32, #tpu.memory_space<vmem>>) target(%dma_start3A_309 : memref<512x16xf32, #tpu.memory_space<hbm>>) target_semaphore(%dma_start3A_307 : memref<!tpu.dma_semaphore, #tpu.memory_space<semaphore_mem>>)
    %dma_wait3A_314 = arith.constant 3 : i32
    %dma_wait3A_315 = arith.constant 3 : i32
    %dma_wait3A_316 = arith.constant 0 : i32
    %dma_wait3A_317 = arith.constant 0 : i32
    %dma_wait3A_318 = tpu.memref_slice %arg6[%dma_wait3A_314, %dma_wait3A_316, %dma_wait3A_317] : memref<4x512x16xf32, #tpu.memory_space<vmem>> -> memref<1x512x16xf32, #tpu.memory_space<vmem>>
    %dma_wait3A_319 = tpu.memref_squeeze %dma_wait3A_318 : memref<1x512x16xf32, #tpu.memory_space<vmem>> -> memref<512x16xf32, #tpu.memory_space<vmem>>
    %dma_wait3A_320 = arith.constant 48 : i32
    %dma_wait3A_321 = tpu.memref_slice %arg4[%mul3A_2, %dma_wait3A_320] : memref<16384x416xf32, #tpu.memory_space<hbm>> -> memref<512x16xf32, #tpu.memory_space<hbm>>
    %dma_wait3A_322 = tpu.memref_slice %arg8[%dma_wait3A_315] : memref<4x!tpu.dma_semaphore, #tpu.memory_space<semaphore_mem>> -> memref<1x!tpu.dma_semaphore, #tpu.memory_space<semaphore_mem>>
    %dma_wait3A_323 = tpu.memref_squeeze %dma_wait3A_322 : memref<1x!tpu.dma_semaphore, #tpu.memory_space<semaphore_mem>> -> memref<!tpu.dma_semaphore, #tpu.memory_space<semaphore_mem>>
    %dma_wait3A_324 = arith.constant 48 : i32
    %dma_wait3A_325 = tpu.memref_slice %arg4[%mul3A_2, %dma_wait3A_324] : memref<16384x416xf32, #tpu.memory_space<hbm>> -> memref<512x16xf32, #tpu.memory_space<hbm>>
    %dma_wait3A_326 = arith.constant 0 : i32
    %dma_wait3A_327 = arith.constant 0 : i32
    %dma_wait3A_328 = tpu.memref_slice %arg6[%dma_wait3A_314, %dma_wait3A_326, %dma_wait3A_327] : memref<4x512x16xf32, #tpu.memory_space<vmem>> -> memref<1x512x16xf32, #tpu.memory_space<vmem>>
    %dma_wait3A_329 = tpu.memref_squeeze %dma_wait3A_328 : memref<1x512x16xf32, #tpu.memory_space<vmem>> -> memref<512x16xf32, #tpu.memory_space<vmem>>
    tpu.wait_dma2 semaphore(%dma_wait3A_323 : memref<!tpu.dma_semaphore, #tpu.memory_space<semaphore_mem>>) src(%dma_wait3A_329 : memref<512x16xf32, #tpu.memory_space<vmem>>) dst(%dma_wait3A_325 : memref<512x16xf32, #tpu.memory_space<hbm>>)
    %dma_start3A_330 = arith.constant 7 : i32
    %dma_start3A_331 = arith.constant 3 : i32
    %dma_start3A_332 = arith.constant 3 : i32
    %dma_start3A_333 = arith.constant 0 : i32
    %dma_start3A_334 = arith.constant 0 : i32
    %dma_start3A_335 = tpu.memref_slice %arg6[%dma_start3A_331, %dma_start3A_333, %dma_start3A_334] : memref<4x512x16xf32, #tpu.memory_space<vmem>> -> memref<1x512x16xf32, #tpu.memory_space<vmem>>
    %dma_start3A_336 = tpu.memref_squeeze %dma_start3A_335 : memref<1x512x16xf32, #tpu.memory_space<vmem>> -> memref<512x16xf32, #tpu.memory_space<vmem>>
    %dma_start3A_337 = arith.constant 0 : i32
    %dma_start3A_338 = tpu.memref_slice %arg5[%dma_start3A_330, %dma_start3A_337] : memref<26x512xi32, #tpu.memory_space<vmem>> -> memref<1x512xi32, #tpu.memory_space<vmem>>
    %dma_start3A_339 = tpu.memref_squeeze %dma_start3A_338 : memref<1x512xi32, #tpu.memory_space<vmem>> -> memref<512xi32, #tpu.memory_space<vmem>>
    %dma_start3A_340 = arith.constant 0 : i32
    %dma_start3A_341 = arith.constant 0 : i32
    %dma_start3A_342 = tpu.memref_slice %arg2[%dma_start3A_340, %dma_start3A_341] : memref<2600000x16xf32, #tpu.memory_space<hbm>> -> memref<2600000x16xf32, #tpu.memory_space<hbm>>
    %dma_start3A_343 = tpu.memref_slice %arg7[%dma_start3A_332] : memref<4x!tpu.dma_semaphore, #tpu.memory_space<semaphore_mem>> -> memref<1x!tpu.dma_semaphore, #tpu.memory_space<semaphore_mem>>
    %dma_start3A_344 = tpu.memref_squeeze %dma_start3A_343 : memref<1x!tpu.dma_semaphore, #tpu.memory_space<semaphore_mem>> -> memref<!tpu.dma_semaphore, #tpu.memory_space<semaphore_mem>>
    tpu.enqueue_indirect_dma source(%dma_start3A_342 : memref<2600000x16xf32, #tpu.memory_space<hbm>>) target(%dma_start3A_336 : memref<512x16xf32, #tpu.memory_space<vmem>>) offsets(%dma_start3A_339 : memref<512xi32, #tpu.memory_space<vmem>>) semaphore(%dma_start3A_344 : memref<!tpu.dma_semaphore, #tpu.memory_space<semaphore_mem>>)
    %dma_wait3A_345 = arith.constant 5 : i32
    %dma_wait3A_346 = arith.constant 1 : i32
    %dma_wait3A_347 = arith.constant 1 : i32
    %dma_wait3A_348 = arith.constant 0 : i32
    %dma_wait3A_349 = arith.constant 0 : i32
    %dma_wait3A_350 = tpu.memref_slice %arg6[%dma_wait3A_346, %dma_wait3A_348, %dma_wait3A_349] : memref<4x512x16xf32, #tpu.memory_space<vmem>> -> memref<1x512x16xf32, #tpu.memory_space<vmem>>
    %dma_wait3A_351 = tpu.memref_squeeze %dma_wait3A_350 : memref<1x512x16xf32, #tpu.memory_space<vmem>> -> memref<512x16xf32, #tpu.memory_space<vmem>>
    %dma_wait3A_352 = arith.constant 0 : i32
    %dma_wait3A_353 = tpu.memref_slice %arg5[%dma_wait3A_345, %dma_wait3A_352] : memref<26x512xi32, #tpu.memory_space<vmem>> -> memref<1x512xi32, #tpu.memory_space<vmem>>
    %dma_wait3A_354 = tpu.memref_squeeze %dma_wait3A_353 : memref<1x512xi32, #tpu.memory_space<vmem>> -> memref<512xi32, #tpu.memory_space<vmem>>
    %dma_wait3A_355 = arith.constant 0 : i32
    %dma_wait3A_356 = arith.constant 0 : i32
    %dma_wait3A_357 = tpu.memref_slice %arg2[%dma_wait3A_355, %dma_wait3A_356] : memref<2600000x16xf32, #tpu.memory_space<hbm>> -> memref<2600000x16xf32, #tpu.memory_space<hbm>>
    %dma_wait3A_358 = tpu.memref_slice %arg7[%dma_wait3A_347] : memref<4x!tpu.dma_semaphore, #tpu.memory_space<semaphore_mem>> -> memref<1x!tpu.dma_semaphore, #tpu.memory_space<semaphore_mem>>
    %dma_wait3A_359 = tpu.memref_squeeze %dma_wait3A_358 : memref<1x!tpu.dma_semaphore, #tpu.memory_space<semaphore_mem>> -> memref<!tpu.dma_semaphore, #tpu.memory_space<semaphore_mem>>
    tpu.wait_indirect_dma semaphore(%dma_wait3A_359 : memref<!tpu.dma_semaphore, #tpu.memory_space<semaphore_mem>>) src(%dma_wait3A_357 : memref<2600000x16xf32, #tpu.memory_space<hbm>>) dst(%dma_wait3A_351 : memref<512x16xf32, #tpu.memory_space<vmem>>)
    %dma_start3A_360 = arith.constant 1 : i32
    %dma_start3A_361 = arith.constant 1 : i32
    %dma_start3A_362 = arith.constant 0 : i32
    %dma_start3A_363 = arith.constant 0 : i32
    %dma_start3A_364 = tpu.memref_slice %arg6[%dma_start3A_360, %dma_start3A_362, %dma_start3A_363] : memref<4x512x16xf32, #tpu.memory_space<vmem>> -> memref<1x512x16xf32, #tpu.memory_space<vmem>>
    %dma_start3A_365 = tpu.memref_squeeze %dma_start3A_364 : memref<1x512x16xf32, #tpu.memory_space<vmem>> -> memref<512x16xf32, #tpu.memory_space<vmem>>
    %dma_start3A_366 = arith.constant 80 : i32
    %dma_start3A_367 = tpu.memref_slice %arg4[%mul3A_2, %dma_start3A_366] : memref<16384x416xf32, #tpu.memory_space<hbm>> -> memref<512x16xf32, #tpu.memory_space<hbm>>
    %dma_start3A_368 = tpu.memref_slice %arg8[%dma_start3A_361] : memref<4x!tpu.dma_semaphore, #tpu.memory_space<semaphore_mem>> -> memref<1x!tpu.dma_semaphore, #tpu.memory_space<semaphore_mem>>
    %dma_start3A_369 = tpu.memref_squeeze %dma_start3A_368 : memref<1x!tpu.dma_semaphore, #tpu.memory_space<semaphore_mem>> -> memref<!tpu.dma_semaphore, #tpu.memory_space<semaphore_mem>>
    %dma_start3A_370 = arith.constant 80 : i32
    %dma_start3A_371 = tpu.memref_slice %arg4[%mul3A_2, %dma_start3A_370] : memref<16384x416xf32, #tpu.memory_space<hbm>> -> memref<512x16xf32, #tpu.memory_space<hbm>>
    %dma_start3A_372 = arith.constant 0 : i32
    %dma_start3A_373 = arith.constant 0 : i32
    %dma_start3A_374 = tpu.memref_slice %arg6[%dma_start3A_360, %dma_start3A_372, %dma_start3A_373] : memref<4x512x16xf32, #tpu.memory_space<vmem>> -> memref<1x512x16xf32, #tpu.memory_space<vmem>>
    %dma_start3A_375 = tpu.memref_squeeze %dma_start3A_374 : memref<1x512x16xf32, #tpu.memory_space<vmem>> -> memref<512x16xf32, #tpu.memory_space<vmem>>
    tpu.enqueue_dma source(%dma_start3A_375 : memref<512x16xf32, #tpu.memory_space<vmem>>) target(%dma_start3A_371 : memref<512x16xf32, #tpu.memory_space<hbm>>) target_semaphore(%dma_start3A_369 : memref<!tpu.dma_semaphore, #tpu.memory_space<semaphore_mem>>)
    %dma_wait3A_376 = arith.constant 0 : i32
    %dma_wait3A_377 = arith.constant 0 : i32
    %dma_wait3A_378 = arith.constant 0 : i32
    %dma_wait3A_379 = arith.constant 0 : i32
    %dma_wait3A_380 = tpu.memref_slice %arg6[%dma_wait3A_376, %dma_wait3A_378, %dma_wait3A_379] : memref<4x512x16xf32, #tpu.memory_space<vmem>> -> memref<1x512x16xf32, #tpu.memory_space<vmem>>
    %dma_wait3A_381 = tpu.memref_squeeze %dma_wait3A_380 : memref<1x512x16xf32, #tpu.memory_space<vmem>> -> memref<512x16xf32, #tpu.memory_space<vmem>>
    %dma_wait3A_382 = arith.constant 64 : i32
    %dma_wait3A_383 = tpu.memref_slice %arg4[%mul3A_2, %dma_wait3A_382] : memref<16384x416xf32, #tpu.memory_space<hbm>> -> memref<512x16xf32, #tpu.memory_space<hbm>>
    %dma_wait3A_384 = tpu.memref_slice %arg8[%dma_wait3A_377] : memref<4x!tpu.dma_semaphore, #tpu.memory_space<semaphore_mem>> -> memref<1x!tpu.dma_semaphore, #tpu.memory_space<semaphore_mem>>
    %dma_wait3A_385 = tpu.memref_squeeze %dma_wait3A_384 : memref<1x!tpu.dma_semaphore, #tpu.memory_space<semaphore_mem>> -> memref<!tpu.dma_semaphore, #tpu.memory_space<semaphore_mem>>
    %dma_wait3A_386 = arith.constant 64 : i32
    %dma_wait3A_387 = tpu.memref_slice %arg4[%mul3A_2, %dma_wait3A_386] : memref<16384x416xf32, #tpu.memory_space<hbm>> -> memref<512x16xf32, #tpu.memory_space<hbm>>
    %dma_wait3A_388 = arith.constant 0 : i32
    %dma_wait3A_389 = arith.constant 0 : i32
    %dma_wait3A_390 = tpu.memref_slice %arg6[%dma_wait3A_376, %dma_wait3A_388, %dma_wait3A_389] : memref<4x512x16xf32, #tpu.memory_space<vmem>> -> memref<1x512x16xf32, #tpu.memory_space<vmem>>
    %dma_wait3A_391 = tpu.memref_squeeze %dma_wait3A_390 : memref<1x512x16xf32, #tpu.memory_space<vmem>> -> memref<512x16xf32, #tpu.memory_space<vmem>>
    tpu.wait_dma2 semaphore(%dma_wait3A_385 : memref<!tpu.dma_semaphore, #tpu.memory_space<semaphore_mem>>) src(%dma_wait3A_391 : memref<512x16xf32, #tpu.memory_space<vmem>>) dst(%dma_wait3A_387 : memref<512x16xf32, #tpu.memory_space<hbm>>)
    %dma_start3A_392 = arith.constant 8 : i32
    %dma_start3A_393 = arith.constant 0 : i32
    %dma_start3A_394 = arith.constant 0 : i32
    %dma_start3A_395 = arith.constant 0 : i32
    %dma_start3A_396 = arith.constant 0 : i32
    %dma_start3A_397 = tpu.memref_slice %arg6[%dma_start3A_393, %dma_start3A_395, %dma_start3A_396] : memref<4x512x16xf32, #tpu.memory_space<vmem>> -> memref<1x512x16xf32, #tpu.memory_space<vmem>>
    %dma_start3A_398 = tpu.memref_squeeze %dma_start3A_397 : memref<1x512x16xf32, #tpu.memory_space<vmem>> -> memref<512x16xf32, #tpu.memory_space<vmem>>
    %dma_start3A_399 = arith.constant 0 : i32
    %dma_start3A_400 = tpu.memref_slice %arg5[%dma_start3A_392, %dma_start3A_399] : memref<26x512xi32, #tpu.memory_space<vmem>> -> memref<1x512xi32, #tpu.memory_space<vmem>>
    %dma_start3A_401 = tpu.memref_squeeze %dma_start3A_400 : memref<1x512xi32, #tpu.memory_space<vmem>> -> memref<512xi32, #tpu.memory_space<vmem>>
    %dma_start3A_402 = arith.constant 0 : i32
    %dma_start3A_403 = arith.constant 0 : i32
    %dma_start3A_404 = tpu.memref_slice %arg2[%dma_start3A_402, %dma_start3A_403] : memref<2600000x16xf32, #tpu.memory_space<hbm>> -> memref<2600000x16xf32, #tpu.memory_space<hbm>>
    %dma_start3A_405 = tpu.memref_slice %arg7[%dma_start3A_394] : memref<4x!tpu.dma_semaphore, #tpu.memory_space<semaphore_mem>> -> memref<1x!tpu.dma_semaphore, #tpu.memory_space<semaphore_mem>>
    %dma_start3A_406 = tpu.memref_squeeze %dma_start3A_405 : memref<1x!tpu.dma_semaphore, #tpu.memory_space<semaphore_mem>> -> memref<!tpu.dma_semaphore, #tpu.memory_space<semaphore_mem>>
    tpu.enqueue_indirect_dma source(%dma_start3A_404 : memref<2600000x16xf32, #tpu.memory_space<hbm>>) target(%dma_start3A_398 : memref<512x16xf32, #tpu.memory_space<vmem>>) offsets(%dma_start3A_401 : memref<512xi32, #tpu.memory_space<vmem>>) semaphore(%dma_start3A_406 : memref<!tpu.dma_semaphore, #tpu.memory_space<semaphore_mem>>)
    %dma_wait3A_407 = arith.constant 6 : i32
    %dma_wait3A_408 = arith.constant 2 : i32
    %dma_wait3A_409 = arith.constant 2 : i32
    %dma_wait3A_410 = arith.constant 0 : i32
    %dma_wait3A_411 = arith.constant 0 : i32
    %dma_wait3A_412 = tpu.memref_slice %arg6[%dma_wait3A_408, %dma_wait3A_410, %dma_wait3A_411] : memref<4x512x16xf32, #tpu.memory_space<vmem>> -> memref<1x512x16xf32, #tpu.memory_space<vmem>>
    %dma_wait3A_413 = tpu.memref_squeeze %dma_wait3A_412 : memref<1x512x16xf32, #tpu.memory_space<vmem>> -> memref<512x16xf32, #tpu.memory_space<vmem>>
    %dma_wait3A_414 = arith.constant 0 : i32
    %dma_wait3A_415 = tpu.memref_slice %arg5[%dma_wait3A_407, %dma_wait3A_414] : memref<26x512xi32, #tpu.memory_space<vmem>> -> memref<1x512xi32, #tpu.memory_space<vmem>>
    %dma_wait3A_416 = tpu.memref_squeeze %dma_wait3A_415 : memref<1x512xi32, #tpu.memory_space<vmem>> -> memref<512xi32, #tpu.memory_space<vmem>>
    %dma_wait3A_417 = arith.constant 0 : i32
    %dma_wait3A_418 = arith.constant 0 : i32
    %dma_wait3A_419 = tpu.memref_slice %arg2[%dma_wait3A_417, %dma_wait3A_418] : memref<2600000x16xf32, #tpu.memory_space<hbm>> -> memref<2600000x16xf32, #tpu.memory_space<hbm>>
    %dma_wait3A_420 = tpu.memref_slice %arg7[%dma_wait3A_409] : memref<4x!tpu.dma_semaphore, #tpu.memory_space<semaphore_mem>> -> memref<1x!tpu.dma_semaphore, #tpu.memory_space<semaphore_mem>>
    %dma_wait3A_421 = tpu.memref_squeeze %dma_wait3A_420 : memref<1x!tpu.dma_semaphore, #tpu.memory_space<semaphore_mem>> -> memref<!tpu.dma_semaphore, #tpu.memory_space<semaphore_mem>>
    tpu.wait_indirect_dma semaphore(%dma_wait3A_421 : memref<!tpu.dma_semaphore, #tpu.memory_space<semaphore_mem>>) src(%dma_wait3A_419 : memref<2600000x16xf32, #tpu.memory_space<hbm>>) dst(%dma_wait3A_413 : memref<512x16xf32, #tpu.memory_space<vmem>>)
    %dma_start3A_422 = arith.constant 2 : i32
    %dma_start3A_423 = arith.constant 2 : i32
    %dma_start3A_424 = arith.constant 0 : i32
    %dma_start3A_425 = arith.constant 0 : i32
    %dma_start3A_426 = tpu.memref_slice %arg6[%dma_start3A_422, %dma_start3A_424, %dma_start3A_425] : memref<4x512x16xf32, #tpu.memory_space<vmem>> -> memref<1x512x16xf32, #tpu.memory_space<vmem>>
    %dma_start3A_427 = tpu.memref_squeeze %dma_start3A_426 : memref<1x512x16xf32, #tpu.memory_space<vmem>> -> memref<512x16xf32, #tpu.memory_space<vmem>>
    %dma_start3A_428 = arith.constant 96 : i32
    %dma_start3A_429 = tpu.memref_slice %arg4[%mul3A_2, %dma_start3A_428] : memref<16384x416xf32, #tpu.memory_space<hbm>> -> memref<512x16xf32, #tpu.memory_space<hbm>>
    %dma_start3A_430 = tpu.memref_slice %arg8[%dma_start3A_423] : memref<4x!tpu.dma_semaphore, #tpu.memory_space<semaphore_mem>> -> memref<1x!tpu.dma_semaphore, #tpu.memory_space<semaphore_mem>>
    %dma_start3A_431 = tpu.memref_squeeze %dma_start3A_430 : memref<1x!tpu.dma_semaphore, #tpu.memory_space<semaphore_mem>> -> memref<!tpu.dma_semaphore, #tpu.memory_space<semaphore_mem>>
    %dma_start3A_432 = arith.constant 96 : i32
    %dma_start3A_433 = tpu.memref_slice %arg4[%mul3A_2, %dma_start3A_432] : memref<16384x416xf32, #tpu.memory_space<hbm>> -> memref<512x16xf32, #tpu.memory_space<hbm>>
    %dma_start3A_434 = arith.constant 0 : i32
    %dma_start3A_435 = arith.constant 0 : i32
    %dma_start3A_436 = tpu.memref_slice %arg6[%dma_start3A_422, %dma_start3A_434, %dma_start3A_435] : memref<4x512x16xf32, #tpu.memory_space<vmem>> -> memref<1x512x16xf32, #tpu.memory_space<vmem>>
    %dma_start3A_437 = tpu.memref_squeeze %dma_start3A_436 : memref<1x512x16xf32, #tpu.memory_space<vmem>> -> memref<512x16xf32, #tpu.memory_space<vmem>>
    tpu.enqueue_dma source(%dma_start3A_437 : memref<512x16xf32, #tpu.memory_space<vmem>>) target(%dma_start3A_433 : memref<512x16xf32, #tpu.memory_space<hbm>>) target_semaphore(%dma_start3A_431 : memref<!tpu.dma_semaphore, #tpu.memory_space<semaphore_mem>>)
    %dma_wait3A_438 = arith.constant 1 : i32
    %dma_wait3A_439 = arith.constant 1 : i32
    %dma_wait3A_440 = arith.constant 0 : i32
    %dma_wait3A_441 = arith.constant 0 : i32
    %dma_wait3A_442 = tpu.memref_slice %arg6[%dma_wait3A_438, %dma_wait3A_440, %dma_wait3A_441] : memref<4x512x16xf32, #tpu.memory_space<vmem>> -> memref<1x512x16xf32, #tpu.memory_space<vmem>>
    %dma_wait3A_443 = tpu.memref_squeeze %dma_wait3A_442 : memref<1x512x16xf32, #tpu.memory_space<vmem>> -> memref<512x16xf32, #tpu.memory_space<vmem>>
    %dma_wait3A_444 = arith.constant 80 : i32
    %dma_wait3A_445 = tpu.memref_slice %arg4[%mul3A_2, %dma_wait3A_444] : memref<16384x416xf32, #tpu.memory_space<hbm>> -> memref<512x16xf32, #tpu.memory_space<hbm>>
    %dma_wait3A_446 = tpu.memref_slice %arg8[%dma_wait3A_439] : memref<4x!tpu.dma_semaphore, #tpu.memory_space<semaphore_mem>> -> memref<1x!tpu.dma_semaphore, #tpu.memory_space<semaphore_mem>>
    %dma_wait3A_447 = tpu.memref_squeeze %dma_wait3A_446 : memref<1x!tpu.dma_semaphore, #tpu.memory_space<semaphore_mem>> -> memref<!tpu.dma_semaphore, #tpu.memory_space<semaphore_mem>>
    %dma_wait3A_448 = arith.constant 80 : i32
    %dma_wait3A_449 = tpu.memref_slice %arg4[%mul3A_2, %dma_wait3A_448] : memref<16384x416xf32, #tpu.memory_space<hbm>> -> memref<512x16xf32, #tpu.memory_space<hbm>>
    %dma_wait3A_450 = arith.constant 0 : i32
    %dma_wait3A_451 = arith.constant 0 : i32
    %dma_wait3A_452 = tpu.memref_slice %arg6[%dma_wait3A_438, %dma_wait3A_450, %dma_wait3A_451] : memref<4x512x16xf32, #tpu.memory_space<vmem>> -> memref<1x512x16xf32, #tpu.memory_space<vmem>>
    %dma_wait3A_453 = tpu.memref_squeeze %dma_wait3A_452 : memref<1x512x16xf32, #tpu.memory_space<vmem>> -> memref<512x16xf32, #tpu.memory_space<vmem>>
    tpu.wait_dma2 semaphore(%dma_wait3A_447 : memref<!tpu.dma_semaphore, #tpu.memory_space<semaphore_mem>>) src(%dma_wait3A_453 : memref<512x16xf32, #tpu.memory_space<vmem>>) dst(%dma_wait3A_449 : memref<512x16xf32, #tpu.memory_space<hbm>>)
    %dma_start3A_454 = arith.constant 9 : i32
    %dma_start3A_455 = arith.constant 1 : i32
    %dma_start3A_456 = arith.constant 1 : i32
    %dma_start3A_457 = arith.constant 0 : i32
    %dma_start3A_458 = arith.constant 0 : i32
    %dma_start3A_459 = tpu.memref_slice %arg6[%dma_start3A_455, %dma_start3A_457, %dma_start3A_458] : memref<4x512x16xf32, #tpu.memory_space<vmem>> -> memref<1x512x16xf32, #tpu.memory_space<vmem>>
    %dma_start3A_460 = tpu.memref_squeeze %dma_start3A_459 : memref<1x512x16xf32, #tpu.memory_space<vmem>> -> memref<512x16xf32, #tpu.memory_space<vmem>>
    %dma_start3A_461 = arith.constant 0 : i32
    %dma_start3A_462 = tpu.memref_slice %arg5[%dma_start3A_454, %dma_start3A_461] : memref<26x512xi32, #tpu.memory_space<vmem>> -> memref<1x512xi32, #tpu.memory_space<vmem>>
    %dma_start3A_463 = tpu.memref_squeeze %dma_start3A_462 : memref<1x512xi32, #tpu.memory_space<vmem>> -> memref<512xi32, #tpu.memory_space<vmem>>
    %dma_start3A_464 = arith.constant 0 : i32
    %dma_start3A_465 = arith.constant 0 : i32
    %dma_start3A_466 = tpu.memref_slice %arg2[%dma_start3A_464, %dma_start3A_465] : memref<2600000x16xf32, #tpu.memory_space<hbm>> -> memref<2600000x16xf32, #tpu.memory_space<hbm>>
    %dma_start3A_467 = tpu.memref_slice %arg7[%dma_start3A_456] : memref<4x!tpu.dma_semaphore, #tpu.memory_space<semaphore_mem>> -> memref<1x!tpu.dma_semaphore, #tpu.memory_space<semaphore_mem>>
    %dma_start3A_468 = tpu.memref_squeeze %dma_start3A_467 : memref<1x!tpu.dma_semaphore, #tpu.memory_space<semaphore_mem>> -> memref<!tpu.dma_semaphore, #tpu.memory_space<semaphore_mem>>
    tpu.enqueue_indirect_dma source(%dma_start3A_466 : memref<2600000x16xf32, #tpu.memory_space<hbm>>) target(%dma_start3A_460 : memref<512x16xf32, #tpu.memory_space<vmem>>) offsets(%dma_start3A_463 : memref<512xi32, #tpu.memory_space<vmem>>) semaphore(%dma_start3A_468 : memref<!tpu.dma_semaphore, #tpu.memory_space<semaphore_mem>>)
    %dma_wait3A_469 = arith.constant 7 : i32
    %dma_wait3A_470 = arith.constant 3 : i32
    %dma_wait3A_471 = arith.constant 3 : i32
    %dma_wait3A_472 = arith.constant 0 : i32
    %dma_wait3A_473 = arith.constant 0 : i32
    %dma_wait3A_474 = tpu.memref_slice %arg6[%dma_wait3A_470, %dma_wait3A_472, %dma_wait3A_473] : memref<4x512x16xf32, #tpu.memory_space<vmem>> -> memref<1x512x16xf32, #tpu.memory_space<vmem>>
    %dma_wait3A_475 = tpu.memref_squeeze %dma_wait3A_474 : memref<1x512x16xf32, #tpu.memory_space<vmem>> -> memref<512x16xf32, #tpu.memory_space<vmem>>
    %dma_wait3A_476 = arith.constant 0 : i32
    %dma_wait3A_477 = tpu.memref_slice %arg5[%dma_wait3A_469, %dma_wait3A_476] : memref<26x512xi32, #tpu.memory_space<vmem>> -> memref<1x512xi32, #tpu.memory_space<vmem>>
    %dma_wait3A_478 = tpu.memref_squeeze %dma_wait3A_477 : memref<1x512xi32, #tpu.memory_space<vmem>> -> memref<512xi32, #tpu.memory_space<vmem>>
    %dma_wait3A_479 = arith.constant 0 : i32
    %dma_wait3A_480 = arith.constant 0 : i32
    %dma_wait3A_481 = tpu.memref_slice %arg2[%dma_wait3A_479, %dma_wait3A_480] : memref<2600000x16xf32, #tpu.memory_space<hbm>> -> memref<2600000x16xf32, #tpu.memory_space<hbm>>
    %dma_wait3A_482 = tpu.memref_slice %arg7[%dma_wait3A_471] : memref<4x!tpu.dma_semaphore, #tpu.memory_space<semaphore_mem>> -> memref<1x!tpu.dma_semaphore, #tpu.memory_space<semaphore_mem>>
    %dma_wait3A_483 = tpu.memref_squeeze %dma_wait3A_482 : memref<1x!tpu.dma_semaphore, #tpu.memory_space<semaphore_mem>> -> memref<!tpu.dma_semaphore, #tpu.memory_space<semaphore_mem>>
    tpu.wait_indirect_dma semaphore(%dma_wait3A_483 : memref<!tpu.dma_semaphore, #tpu.memory_space<semaphore_mem>>) src(%dma_wait3A_481 : memref<2600000x16xf32, #tpu.memory_space<hbm>>) dst(%dma_wait3A_475 : memref<512x16xf32, #tpu.memory_space<vmem>>)
    %dma_start3A_484 = arith.constant 3 : i32
    %dma_start3A_485 = arith.constant 3 : i32
    %dma_start3A_486 = arith.constant 0 : i32
    %dma_start3A_487 = arith.constant 0 : i32
    %dma_start3A_488 = tpu.memref_slice %arg6[%dma_start3A_484, %dma_start3A_486, %dma_start3A_487] : memref<4x512x16xf32, #tpu.memory_space<vmem>> -> memref<1x512x16xf32, #tpu.memory_space<vmem>>
    %dma_start3A_489 = tpu.memref_squeeze %dma_start3A_488 : memref<1x512x16xf32, #tpu.memory_space<vmem>> -> memref<512x16xf32, #tpu.memory_space<vmem>>
    %dma_start3A_490 = arith.constant 112 : i32
    %dma_start3A_491 = tpu.memref_slice %arg4[%mul3A_2, %dma_start3A_490] : memref<16384x416xf32, #tpu.memory_space<hbm>> -> memref<512x16xf32, #tpu.memory_space<hbm>>
    %dma_start3A_492 = tpu.memref_slice %arg8[%dma_start3A_485] : memref<4x!tpu.dma_semaphore, #tpu.memory_space<semaphore_mem>> -> memref<1x!tpu.dma_semaphore, #tpu.memory_space<semaphore_mem>>
    %dma_start3A_493 = tpu.memref_squeeze %dma_start3A_492 : memref<1x!tpu.dma_semaphore, #tpu.memory_space<semaphore_mem>> -> memref<!tpu.dma_semaphore, #tpu.memory_space<semaphore_mem>>
    %dma_start3A_494 = arith.constant 112 : i32
    %dma_start3A_495 = tpu.memref_slice %arg4[%mul3A_2, %dma_start3A_494] : memref<16384x416xf32, #tpu.memory_space<hbm>> -> memref<512x16xf32, #tpu.memory_space<hbm>>
    %dma_start3A_496 = arith.constant 0 : i32
    %dma_start3A_497 = arith.constant 0 : i32
    %dma_start3A_498 = tpu.memref_slice %arg6[%dma_start3A_484, %dma_start3A_496, %dma_start3A_497] : memref<4x512x16xf32, #tpu.memory_space<vmem>> -> memref<1x512x16xf32, #tpu.memory_space<vmem>>
    %dma_start3A_499 = tpu.memref_squeeze %dma_start3A_498 : memref<1x512x16xf32, #tpu.memory_space<vmem>> -> memref<512x16xf32, #tpu.memory_space<vmem>>
    tpu.enqueue_dma source(%dma_start3A_499 : memref<512x16xf32, #tpu.memory_space<vmem>>) target(%dma_start3A_495 : memref<512x16xf32, #tpu.memory_space<hbm>>) target_semaphore(%dma_start3A_493 : memref<!tpu.dma_semaphore, #tpu.memory_space<semaphore_mem>>)
    %dma_wait3A_500 = arith.constant 2 : i32
    %dma_wait3A_501 = arith.constant 2 : i32
    %dma_wait3A_502 = arith.constant 0 : i32
    %dma_wait3A_503 = arith.constant 0 : i32
    %dma_wait3A_504 = tpu.memref_slice %arg6[%dma_wait3A_500, %dma_wait3A_502, %dma_wait3A_503] : memref<4x512x16xf32, #tpu.memory_space<vmem>> -> memref<1x512x16xf32, #tpu.memory_space<vmem>>
    %dma_wait3A_505 = tpu.memref_squeeze %dma_wait3A_504 : memref<1x512x16xf32, #tpu.memory_space<vmem>> -> memref<512x16xf32, #tpu.memory_space<vmem>>
    %dma_wait3A_506 = arith.constant 96 : i32
    %dma_wait3A_507 = tpu.memref_slice %arg4[%mul3A_2, %dma_wait3A_506] : memref<16384x416xf32, #tpu.memory_space<hbm>> -> memref<512x16xf32, #tpu.memory_space<hbm>>
    %dma_wait3A_508 = tpu.memref_slice %arg8[%dma_wait3A_501] : memref<4x!tpu.dma_semaphore, #tpu.memory_space<semaphore_mem>> -> memref<1x!tpu.dma_semaphore, #tpu.memory_space<semaphore_mem>>
    %dma_wait3A_509 = tpu.memref_squeeze %dma_wait3A_508 : memref<1x!tpu.dma_semaphore, #tpu.memory_space<semaphore_mem>> -> memref<!tpu.dma_semaphore, #tpu.memory_space<semaphore_mem>>
    %dma_wait3A_510 = arith.constant 96 : i32
    %dma_wait3A_511 = tpu.memref_slice %arg4[%mul3A_2, %dma_wait3A_510] : memref<16384x416xf32, #tpu.memory_space<hbm>> -> memref<512x16xf32, #tpu.memory_space<hbm>>
    %dma_wait3A_512 = arith.constant 0 : i32
    %dma_wait3A_513 = arith.constant 0 : i32
    %dma_wait3A_514 = tpu.memref_slice %arg6[%dma_wait3A_500, %dma_wait3A_512, %dma_wait3A_513] : memref<4x512x16xf32, #tpu.memory_space<vmem>> -> memref<1x512x16xf32, #tpu.memory_space<vmem>>
    %dma_wait3A_515 = tpu.memref_squeeze %dma_wait3A_514 : memref<1x512x16xf32, #tpu.memory_space<vmem>> -> memref<512x16xf32, #tpu.memory_space<vmem>>
    tpu.wait_dma2 semaphore(%dma_wait3A_509 : memref<!tpu.dma_semaphore, #tpu.memory_space<semaphore_mem>>) src(%dma_wait3A_515 : memref<512x16xf32, #tpu.memory_space<vmem>>) dst(%dma_wait3A_511 : memref<512x16xf32, #tpu.memory_space<hbm>>)
    %dma_start3A_516 = arith.constant 10 : i32
    %dma_start3A_517 = arith.constant 2 : i32
    %dma_start3A_518 = arith.constant 2 : i32
    %dma_start3A_519 = arith.constant 0 : i32
    %dma_start3A_520 = arith.constant 0 : i32
    %dma_start3A_521 = tpu.memref_slice %arg6[%dma_start3A_517, %dma_start3A_519, %dma_start3A_520] : memref<4x512x16xf32, #tpu.memory_space<vmem>> -> memref<1x512x16xf32, #tpu.memory_space<vmem>>
    %dma_start3A_522 = tpu.memref_squeeze %dma_start3A_521 : memref<1x512x16xf32, #tpu.memory_space<vmem>> -> memref<512x16xf32, #tpu.memory_space<vmem>>
    %dma_start3A_523 = arith.constant 0 : i32
    %dma_start3A_524 = tpu.memref_slice %arg5[%dma_start3A_516, %dma_start3A_523] : memref<26x512xi32, #tpu.memory_space<vmem>> -> memref<1x512xi32, #tpu.memory_space<vmem>>
    %dma_start3A_525 = tpu.memref_squeeze %dma_start3A_524 : memref<1x512xi32, #tpu.memory_space<vmem>> -> memref<512xi32, #tpu.memory_space<vmem>>
    %dma_start3A_526 = arith.constant 0 : i32
    %dma_start3A_527 = arith.constant 0 : i32
    %dma_start3A_528 = tpu.memref_slice %arg2[%dma_start3A_526, %dma_start3A_527] : memref<2600000x16xf32, #tpu.memory_space<hbm>> -> memref<2600000x16xf32, #tpu.memory_space<hbm>>
    %dma_start3A_529 = tpu.memref_slice %arg7[%dma_start3A_518] : memref<4x!tpu.dma_semaphore, #tpu.memory_space<semaphore_mem>> -> memref<1x!tpu.dma_semaphore, #tpu.memory_space<semaphore_mem>>
    %dma_start3A_530 = tpu.memref_squeeze %dma_start3A_529 : memref<1x!tpu.dma_semaphore, #tpu.memory_space<semaphore_mem>> -> memref<!tpu.dma_semaphore, #tpu.memory_space<semaphore_mem>>
    tpu.enqueue_indirect_dma source(%dma_start3A_528 : memref<2600000x16xf32, #tpu.memory_space<hbm>>) target(%dma_start3A_522 : memref<512x16xf32, #tpu.memory_space<vmem>>) offsets(%dma_start3A_525 : memref<512xi32, #tpu.memory_space<vmem>>) semaphore(%dma_start3A_530 : memref<!tpu.dma_semaphore, #tpu.memory_space<semaphore_mem>>)
    %dma_wait3A_531 = arith.constant 8 : i32
    %dma_wait3A_532 = arith.constant 0 : i32
    %dma_wait3A_533 = arith.constant 0 : i32
    %dma_wait3A_534 = arith.constant 0 : i32
    %dma_wait3A_535 = arith.constant 0 : i32
    %dma_wait3A_536 = tpu.memref_slice %arg6[%dma_wait3A_532, %dma_wait3A_534, %dma_wait3A_535] : memref<4x512x16xf32, #tpu.memory_space<vmem>> -> memref<1x512x16xf32, #tpu.memory_space<vmem>>
    %dma_wait3A_537 = tpu.memref_squeeze %dma_wait3A_536 : memref<1x512x16xf32, #tpu.memory_space<vmem>> -> memref<512x16xf32, #tpu.memory_space<vmem>>
    %dma_wait3A_538 = arith.constant 0 : i32
    %dma_wait3A_539 = tpu.memref_slice %arg5[%dma_wait3A_531, %dma_wait3A_538] : memref<26x512xi32, #tpu.memory_space<vmem>> -> memref<1x512xi32, #tpu.memory_space<vmem>>
    %dma_wait3A_540 = tpu.memref_squeeze %dma_wait3A_539 : memref<1x512xi32, #tpu.memory_space<vmem>> -> memref<512xi32, #tpu.memory_space<vmem>>
    %dma_wait3A_541 = arith.constant 0 : i32
    %dma_wait3A_542 = arith.constant 0 : i32
    %dma_wait3A_543 = tpu.memref_slice %arg2[%dma_wait3A_541, %dma_wait3A_542] : memref<2600000x16xf32, #tpu.memory_space<hbm>> -> memref<2600000x16xf32, #tpu.memory_space<hbm>>
    %dma_wait3A_544 = tpu.memref_slice %arg7[%dma_wait3A_533] : memref<4x!tpu.dma_semaphore, #tpu.memory_space<semaphore_mem>> -> memref<1x!tpu.dma_semaphore, #tpu.memory_space<semaphore_mem>>
    %dma_wait3A_545 = tpu.memref_squeeze %dma_wait3A_544 : memref<1x!tpu.dma_semaphore, #tpu.memory_space<semaphore_mem>> -> memref<!tpu.dma_semaphore, #tpu.memory_space<semaphore_mem>>
    tpu.wait_indirect_dma semaphore(%dma_wait3A_545 : memref<!tpu.dma_semaphore, #tpu.memory_space<semaphore_mem>>) src(%dma_wait3A_543 : memref<2600000x16xf32, #tpu.memory_space<hbm>>) dst(%dma_wait3A_537 : memref<512x16xf32, #tpu.memory_space<vmem>>)
    %dma_start3A_546 = arith.constant 0 : i32
    %dma_start3A_547 = arith.constant 0 : i32
    %dma_start3A_548 = arith.constant 0 : i32
    %dma_start3A_549 = arith.constant 0 : i32
    %dma_start3A_550 = tpu.memref_slice %arg6[%dma_start3A_546, %dma_start3A_548, %dma_start3A_549] : memref<4x512x16xf32, #tpu.memory_space<vmem>> -> memref<1x512x16xf32, #tpu.memory_space<vmem>>
    %dma_start3A_551 = tpu.memref_squeeze %dma_start3A_550 : memref<1x512x16xf32, #tpu.memory_space<vmem>> -> memref<512x16xf32, #tpu.memory_space<vmem>>
    %dma_start3A_552 = arith.constant 128 : i32
    %dma_start3A_553 = tpu.memref_slice %arg4[%mul3A_2, %dma_start3A_552] : memref<16384x416xf32, #tpu.memory_space<hbm>> -> memref<512x16xf32, #tpu.memory_space<hbm>>
    %dma_start3A_554 = tpu.memref_slice %arg8[%dma_start3A_547] : memref<4x!tpu.dma_semaphore, #tpu.memory_space<semaphore_mem>> -> memref<1x!tpu.dma_semaphore, #tpu.memory_space<semaphore_mem>>
    %dma_start3A_555 = tpu.memref_squeeze %dma_start3A_554 : memref<1x!tpu.dma_semaphore, #tpu.memory_space<semaphore_mem>> -> memref<!tpu.dma_semaphore, #tpu.memory_space<semaphore_mem>>
    %dma_start3A_556 = arith.constant 128 : i32
    %dma_start3A_557 = tpu.memref_slice %arg4[%mul3A_2, %dma_start3A_556] : memref<16384x416xf32, #tpu.memory_space<hbm>> -> memref<512x16xf32, #tpu.memory_space<hbm>>
    %dma_start3A_558 = arith.constant 0 : i32
    %dma_start3A_559 = arith.constant 0 : i32
    %dma_start3A_560 = tpu.memref_slice %arg6[%dma_start3A_546, %dma_start3A_558, %dma_start3A_559] : memref<4x512x16xf32, #tpu.memory_space<vmem>> -> memref<1x512x16xf32, #tpu.memory_space<vmem>>
    %dma_start3A_561 = tpu.memref_squeeze %dma_start3A_560 : memref<1x512x16xf32, #tpu.memory_space<vmem>> -> memref<512x16xf32, #tpu.memory_space<vmem>>
    tpu.enqueue_dma source(%dma_start3A_561 : memref<512x16xf32, #tpu.memory_space<vmem>>) target(%dma_start3A_557 : memref<512x16xf32, #tpu.memory_space<hbm>>) target_semaphore(%dma_start3A_555 : memref<!tpu.dma_semaphore, #tpu.memory_space<semaphore_mem>>)
    %dma_wait3A_562 = arith.constant 3 : i32
    %dma_wait3A_563 = arith.constant 3 : i32
    %dma_wait3A_564 = arith.constant 0 : i32
    %dma_wait3A_565 = arith.constant 0 : i32
    %dma_wait3A_566 = tpu.memref_slice %arg6[%dma_wait3A_562, %dma_wait3A_564, %dma_wait3A_565] : memref<4x512x16xf32, #tpu.memory_space<vmem>> -> memref<1x512x16xf32, #tpu.memory_space<vmem>>
    %dma_wait3A_567 = tpu.memref_squeeze %dma_wait3A_566 : memref<1x512x16xf32, #tpu.memory_space<vmem>> -> memref<512x16xf32, #tpu.memory_space<vmem>>
    %dma_wait3A_568 = arith.constant 112 : i32
    %dma_wait3A_569 = tpu.memref_slice %arg4[%mul3A_2, %dma_wait3A_568] : memref<16384x416xf32, #tpu.memory_space<hbm>> -> memref<512x16xf32, #tpu.memory_space<hbm>>
    %dma_wait3A_570 = tpu.memref_slice %arg8[%dma_wait3A_563] : memref<4x!tpu.dma_semaphore, #tpu.memory_space<semaphore_mem>> -> memref<1x!tpu.dma_semaphore, #tpu.memory_space<semaphore_mem>>
    %dma_wait3A_571 = tpu.memref_squeeze %dma_wait3A_570 : memref<1x!tpu.dma_semaphore, #tpu.memory_space<semaphore_mem>> -> memref<!tpu.dma_semaphore, #tpu.memory_space<semaphore_mem>>
    %dma_wait3A_572 = arith.constant 112 : i32
    %dma_wait3A_573 = tpu.memref_slice %arg4[%mul3A_2, %dma_wait3A_572] : memref<16384x416xf32, #tpu.memory_space<hbm>> -> memref<512x16xf32, #tpu.memory_space<hbm>>
    %dma_wait3A_574 = arith.constant 0 : i32
    %dma_wait3A_575 = arith.constant 0 : i32
    %dma_wait3A_576 = tpu.memref_slice %arg6[%dma_wait3A_562, %dma_wait3A_574, %dma_wait3A_575] : memref<4x512x16xf32, #tpu.memory_space<vmem>> -> memref<1x512x16xf32, #tpu.memory_space<vmem>>
    %dma_wait3A_577 = tpu.memref_squeeze %dma_wait3A_576 : memref<1x512x16xf32, #tpu.memory_space<vmem>> -> memref<512x16xf32, #tpu.memory_space<vmem>>
    tpu.wait_dma2 semaphore(%dma_wait3A_571 : memref<!tpu.dma_semaphore, #tpu.memory_space<semaphore_mem>>) src(%dma_wait3A_577 : memref<512x16xf32, #tpu.memory_space<vmem>>) dst(%dma_wait3A_573 : memref<512x16xf32, #tpu.memory_space<hbm>>)
    %dma_start3A_578 = arith.constant 11 : i32
    %dma_start3A_579 = arith.constant 3 : i32
    %dma_start3A_580 = arith.constant 3 : i32
    %dma_start3A_581 = arith.constant 0 : i32
    %dma_start3A_582 = arith.constant 0 : i32
    %dma_start3A_583 = tpu.memref_slice %arg6[%dma_start3A_579, %dma_start3A_581, %dma_start3A_582] : memref<4x512x16xf32, #tpu.memory_space<vmem>> -> memref<1x512x16xf32, #tpu.memory_space<vmem>>
    %dma_start3A_584 = tpu.memref_squeeze %dma_start3A_583 : memref<1x512x16xf32, #tpu.memory_space<vmem>> -> memref<512x16xf32, #tpu.memory_space<vmem>>
    %dma_start3A_585 = arith.constant 0 : i32
    %dma_start3A_586 = tpu.memref_slice %arg5[%dma_start3A_578, %dma_start3A_585] : memref<26x512xi32, #tpu.memory_space<vmem>> -> memref<1x512xi32, #tpu.memory_space<vmem>>
    %dma_start3A_587 = tpu.memref_squeeze %dma_start3A_586 : memref<1x512xi32, #tpu.memory_space<vmem>> -> memref<512xi32, #tpu.memory_space<vmem>>
    %dma_start3A_588 = arith.constant 0 : i32
    %dma_start3A_589 = arith.constant 0 : i32
    %dma_start3A_590 = tpu.memref_slice %arg2[%dma_start3A_588, %dma_start3A_589] : memref<2600000x16xf32, #tpu.memory_space<hbm>> -> memref<2600000x16xf32, #tpu.memory_space<hbm>>
    %dma_start3A_591 = tpu.memref_slice %arg7[%dma_start3A_580] : memref<4x!tpu.dma_semaphore, #tpu.memory_space<semaphore_mem>> -> memref<1x!tpu.dma_semaphore, #tpu.memory_space<semaphore_mem>>
    %dma_start3A_592 = tpu.memref_squeeze %dma_start3A_591 : memref<1x!tpu.dma_semaphore, #tpu.memory_space<semaphore_mem>> -> memref<!tpu.dma_semaphore, #tpu.memory_space<semaphore_mem>>
    tpu.enqueue_indirect_dma source(%dma_start3A_590 : memref<2600000x16xf32, #tpu.memory_space<hbm>>) target(%dma_start3A_584 : memref<512x16xf32, #tpu.memory_space<vmem>>) offsets(%dma_start3A_587 : memref<512xi32, #tpu.memory_space<vmem>>) semaphore(%dma_start3A_592 : memref<!tpu.dma_semaphore, #tpu.memory_space<semaphore_mem>>)
    %dma_wait3A_593 = arith.constant 9 : i32
    %dma_wait3A_594 = arith.constant 1 : i32
    %dma_wait3A_595 = arith.constant 1 : i32
    %dma_wait3A_596 = arith.constant 0 : i32
    %dma_wait3A_597 = arith.constant 0 : i32
    %dma_wait3A_598 = tpu.memref_slice %arg6[%dma_wait3A_594, %dma_wait3A_596, %dma_wait3A_597] : memref<4x512x16xf32, #tpu.memory_space<vmem>> -> memref<1x512x16xf32, #tpu.memory_space<vmem>>
    %dma_wait3A_599 = tpu.memref_squeeze %dma_wait3A_598 : memref<1x512x16xf32, #tpu.memory_space<vmem>> -> memref<512x16xf32, #tpu.memory_space<vmem>>
    %dma_wait3A_600 = arith.constant 0 : i32
    %dma_wait3A_601 = tpu.memref_slice %arg5[%dma_wait3A_593, %dma_wait3A_600] : memref<26x512xi32, #tpu.memory_space<vmem>> -> memref<1x512xi32, #tpu.memory_space<vmem>>
    %dma_wait3A_602 = tpu.memref_squeeze %dma_wait3A_601 : memref<1x512xi32, #tpu.memory_space<vmem>> -> memref<512xi32, #tpu.memory_space<vmem>>
    %dma_wait3A_603 = arith.constant 0 : i32
    %dma_wait3A_604 = arith.constant 0 : i32
    %dma_wait3A_605 = tpu.memref_slice %arg2[%dma_wait3A_603, %dma_wait3A_604] : memref<2600000x16xf32, #tpu.memory_space<hbm>> -> memref<2600000x16xf32, #tpu.memory_space<hbm>>
    %dma_wait3A_606 = tpu.memref_slice %arg7[%dma_wait3A_595] : memref<4x!tpu.dma_semaphore, #tpu.memory_space<semaphore_mem>> -> memref<1x!tpu.dma_semaphore, #tpu.memory_space<semaphore_mem>>
    %dma_wait3A_607 = tpu.memref_squeeze %dma_wait3A_606 : memref<1x!tpu.dma_semaphore, #tpu.memory_space<semaphore_mem>> -> memref<!tpu.dma_semaphore, #tpu.memory_space<semaphore_mem>>
    tpu.wait_indirect_dma semaphore(%dma_wait3A_607 : memref<!tpu.dma_semaphore, #tpu.memory_space<semaphore_mem>>) src(%dma_wait3A_605 : memref<2600000x16xf32, #tpu.memory_space<hbm>>) dst(%dma_wait3A_599 : memref<512x16xf32, #tpu.memory_space<vmem>>)
    %dma_start3A_608 = arith.constant 1 : i32
    %dma_start3A_609 = arith.constant 1 : i32
    %dma_start3A_610 = arith.constant 0 : i32
    %dma_start3A_611 = arith.constant 0 : i32
    %dma_start3A_612 = tpu.memref_slice %arg6[%dma_start3A_608, %dma_start3A_610, %dma_start3A_611] : memref<4x512x16xf32, #tpu.memory_space<vmem>> -> memref<1x512x16xf32, #tpu.memory_space<vmem>>
    %dma_start3A_613 = tpu.memref_squeeze %dma_start3A_612 : memref<1x512x16xf32, #tpu.memory_space<vmem>> -> memref<512x16xf32, #tpu.memory_space<vmem>>
    %dma_start3A_614 = arith.constant 144 : i32
    %dma_start3A_615 = tpu.memref_slice %arg4[%mul3A_2, %dma_start3A_614] : memref<16384x416xf32, #tpu.memory_space<hbm>> -> memref<512x16xf32, #tpu.memory_space<hbm>>
    %dma_start3A_616 = tpu.memref_slice %arg8[%dma_start3A_609] : memref<4x!tpu.dma_semaphore, #tpu.memory_space<semaphore_mem>> -> memref<1x!tpu.dma_semaphore, #tpu.memory_space<semaphore_mem>>
    %dma_start3A_617 = tpu.memref_squeeze %dma_start3A_616 : memref<1x!tpu.dma_semaphore, #tpu.memory_space<semaphore_mem>> -> memref<!tpu.dma_semaphore, #tpu.memory_space<semaphore_mem>>
    %dma_start3A_618 = arith.constant 144 : i32
    %dma_start3A_619 = tpu.memref_slice %arg4[%mul3A_2, %dma_start3A_618] : memref<16384x416xf32, #tpu.memory_space<hbm>> -> memref<512x16xf32, #tpu.memory_space<hbm>>
    %dma_start3A_620 = arith.constant 0 : i32
    %dma_start3A_621 = arith.constant 0 : i32
    %dma_start3A_622 = tpu.memref_slice %arg6[%dma_start3A_608, %dma_start3A_620, %dma_start3A_621] : memref<4x512x16xf32, #tpu.memory_space<vmem>> -> memref<1x512x16xf32, #tpu.memory_space<vmem>>
    %dma_start3A_623 = tpu.memref_squeeze %dma_start3A_622 : memref<1x512x16xf32, #tpu.memory_space<vmem>> -> memref<512x16xf32, #tpu.memory_space<vmem>>
    tpu.enqueue_dma source(%dma_start3A_623 : memref<512x16xf32, #tpu.memory_space<vmem>>) target(%dma_start3A_619 : memref<512x16xf32, #tpu.memory_space<hbm>>) target_semaphore(%dma_start3A_617 : memref<!tpu.dma_semaphore, #tpu.memory_space<semaphore_mem>>)
    %dma_wait3A_624 = arith.constant 0 : i32
    %dma_wait3A_625 = arith.constant 0 : i32
    %dma_wait3A_626 = arith.constant 0 : i32
    %dma_wait3A_627 = arith.constant 0 : i32
    %dma_wait3A_628 = tpu.memref_slice %arg6[%dma_wait3A_624, %dma_wait3A_626, %dma_wait3A_627] : memref<4x512x16xf32, #tpu.memory_space<vmem>> -> memref<1x512x16xf32, #tpu.memory_space<vmem>>
    %dma_wait3A_629 = tpu.memref_squeeze %dma_wait3A_628 : memref<1x512x16xf32, #tpu.memory_space<vmem>> -> memref<512x16xf32, #tpu.memory_space<vmem>>
    %dma_wait3A_630 = arith.constant 128 : i32
    %dma_wait3A_631 = tpu.memref_slice %arg4[%mul3A_2, %dma_wait3A_630] : memref<16384x416xf32, #tpu.memory_space<hbm>> -> memref<512x16xf32, #tpu.memory_space<hbm>>
    %dma_wait3A_632 = tpu.memref_slice %arg8[%dma_wait3A_625] : memref<4x!tpu.dma_semaphore, #tpu.memory_space<semaphore_mem>> -> memref<1x!tpu.dma_semaphore, #tpu.memory_space<semaphore_mem>>
    %dma_wait3A_633 = tpu.memref_squeeze %dma_wait3A_632 : memref<1x!tpu.dma_semaphore, #tpu.memory_space<semaphore_mem>> -> memref<!tpu.dma_semaphore, #tpu.memory_space<semaphore_mem>>
    %dma_wait3A_634 = arith.constant 128 : i32
    %dma_wait3A_635 = tpu.memref_slice %arg4[%mul3A_2, %dma_wait3A_634] : memref<16384x416xf32, #tpu.memory_space<hbm>> -> memref<512x16xf32, #tpu.memory_space<hbm>>
    %dma_wait3A_636 = arith.constant 0 : i32
    %dma_wait3A_637 = arith.constant 0 : i32
    %dma_wait3A_638 = tpu.memref_slice %arg6[%dma_wait3A_624, %dma_wait3A_636, %dma_wait3A_637] : memref<4x512x16xf32, #tpu.memory_space<vmem>> -> memref<1x512x16xf32, #tpu.memory_space<vmem>>
    %dma_wait3A_639 = tpu.memref_squeeze %dma_wait3A_638 : memref<1x512x16xf32, #tpu.memory_space<vmem>> -> memref<512x16xf32, #tpu.memory_space<vmem>>
    tpu.wait_dma2 semaphore(%dma_wait3A_633 : memref<!tpu.dma_semaphore, #tpu.memory_space<semaphore_mem>>) src(%dma_wait3A_639 : memref<512x16xf32, #tpu.memory_space<vmem>>) dst(%dma_wait3A_635 : memref<512x16xf32, #tpu.memory_space<hbm>>)
    %dma_start3A_640 = arith.constant 12 : i32
    %dma_start3A_641 = arith.constant 0 : i32
    %dma_start3A_642 = arith.constant 0 : i32
    %dma_start3A_643 = arith.constant 0 : i32
    %dma_start3A_644 = arith.constant 0 : i32
    %dma_start3A_645 = tpu.memref_slice %arg6[%dma_start3A_641, %dma_start3A_643, %dma_start3A_644] : memref<4x512x16xf32, #tpu.memory_space<vmem>> -> memref<1x512x16xf32, #tpu.memory_space<vmem>>
    %dma_start3A_646 = tpu.memref_squeeze %dma_start3A_645 : memref<1x512x16xf32, #tpu.memory_space<vmem>> -> memref<512x16xf32, #tpu.memory_space<vmem>>
    %dma_start3A_647 = arith.constant 0 : i32
    %dma_start3A_648 = tpu.memref_slice %arg5[%dma_start3A_640, %dma_start3A_647] : memref<26x512xi32, #tpu.memory_space<vmem>> -> memref<1x512xi32, #tpu.memory_space<vmem>>
    %dma_start3A_649 = tpu.memref_squeeze %dma_start3A_648 : memref<1x512xi32, #tpu.memory_space<vmem>> -> memref<512xi32, #tpu.memory_space<vmem>>
    %dma_start3A_650 = arith.constant 0 : i32
    %dma_start3A_651 = arith.constant 0 : i32
    %dma_start3A_652 = tpu.memref_slice %arg2[%dma_start3A_650, %dma_start3A_651] : memref<2600000x16xf32, #tpu.memory_space<hbm>> -> memref<2600000x16xf32, #tpu.memory_space<hbm>>
    %dma_start3A_653 = tpu.memref_slice %arg7[%dma_start3A_642] : memref<4x!tpu.dma_semaphore, #tpu.memory_space<semaphore_mem>> -> memref<1x!tpu.dma_semaphore, #tpu.memory_space<semaphore_mem>>
    %dma_start3A_654 = tpu.memref_squeeze %dma_start3A_653 : memref<1x!tpu.dma_semaphore, #tpu.memory_space<semaphore_mem>> -> memref<!tpu.dma_semaphore, #tpu.memory_space<semaphore_mem>>
    tpu.enqueue_indirect_dma source(%dma_start3A_652 : memref<2600000x16xf32, #tpu.memory_space<hbm>>) target(%dma_start3A_646 : memref<512x16xf32, #tpu.memory_space<vmem>>) offsets(%dma_start3A_649 : memref<512xi32, #tpu.memory_space<vmem>>) semaphore(%dma_start3A_654 : memref<!tpu.dma_semaphore, #tpu.memory_space<semaphore_mem>>)
    %dma_wait3A_655 = arith.constant 10 : i32
    %dma_wait3A_656 = arith.constant 2 : i32
    %dma_wait3A_657 = arith.constant 2 : i32
    %dma_wait3A_658 = arith.constant 0 : i32
    %dma_wait3A_659 = arith.constant 0 : i32
    %dma_wait3A_660 = tpu.memref_slice %arg6[%dma_wait3A_656, %dma_wait3A_658, %dma_wait3A_659] : memref<4x512x16xf32, #tpu.memory_space<vmem>> -> memref<1x512x16xf32, #tpu.memory_space<vmem>>
    %dma_wait3A_661 = tpu.memref_squeeze %dma_wait3A_660 : memref<1x512x16xf32, #tpu.memory_space<vmem>> -> memref<512x16xf32, #tpu.memory_space<vmem>>
    %dma_wait3A_662 = arith.constant 0 : i32
    %dma_wait3A_663 = tpu.memref_slice %arg5[%dma_wait3A_655, %dma_wait3A_662] : memref<26x512xi32, #tpu.memory_space<vmem>> -> memref<1x512xi32, #tpu.memory_space<vmem>>
    %dma_wait3A_664 = tpu.memref_squeeze %dma_wait3A_663 : memref<1x512xi32, #tpu.memory_space<vmem>> -> memref<512xi32, #tpu.memory_space<vmem>>
    %dma_wait3A_665 = arith.constant 0 : i32
    %dma_wait3A_666 = arith.constant 0 : i32
    %dma_wait3A_667 = tpu.memref_slice %arg2[%dma_wait3A_665, %dma_wait3A_666] : memref<2600000x16xf32, #tpu.memory_space<hbm>> -> memref<2600000x16xf32, #tpu.memory_space<hbm>>
    %dma_wait3A_668 = tpu.memref_slice %arg7[%dma_wait3A_657] : memref<4x!tpu.dma_semaphore, #tpu.memory_space<semaphore_mem>> -> memref<1x!tpu.dma_semaphore, #tpu.memory_space<semaphore_mem>>
    %dma_wait3A_669 = tpu.memref_squeeze %dma_wait3A_668 : memref<1x!tpu.dma_semaphore, #tpu.memory_space<semaphore_mem>> -> memref<!tpu.dma_semaphore, #tpu.memory_space<semaphore_mem>>
    tpu.wait_indirect_dma semaphore(%dma_wait3A_669 : memref<!tpu.dma_semaphore, #tpu.memory_space<semaphore_mem>>) src(%dma_wait3A_667 : memref<2600000x16xf32, #tpu.memory_space<hbm>>) dst(%dma_wait3A_661 : memref<512x16xf32, #tpu.memory_space<vmem>>)
    %dma_start3A_670 = arith.constant 2 : i32
    %dma_start3A_671 = arith.constant 2 : i32
    %dma_start3A_672 = arith.constant 0 : i32
    %dma_start3A_673 = arith.constant 0 : i32
    %dma_start3A_674 = tpu.memref_slice %arg6[%dma_start3A_670, %dma_start3A_672, %dma_start3A_673] : memref<4x512x16xf32, #tpu.memory_space<vmem>> -> memref<1x512x16xf32, #tpu.memory_space<vmem>>
    %dma_start3A_675 = tpu.memref_squeeze %dma_start3A_674 : memref<1x512x16xf32, #tpu.memory_space<vmem>> -> memref<512x16xf32, #tpu.memory_space<vmem>>
    %dma_start3A_676 = arith.constant 160 : i32
    %dma_start3A_677 = tpu.memref_slice %arg4[%mul3A_2, %dma_start3A_676] : memref<16384x416xf32, #tpu.memory_space<hbm>> -> memref<512x16xf32, #tpu.memory_space<hbm>>
    %dma_start3A_678 = tpu.memref_slice %arg8[%dma_start3A_671] : memref<4x!tpu.dma_semaphore, #tpu.memory_space<semaphore_mem>> -> memref<1x!tpu.dma_semaphore, #tpu.memory_space<semaphore_mem>>
    %dma_start3A_679 = tpu.memref_squeeze %dma_start3A_678 : memref<1x!tpu.dma_semaphore, #tpu.memory_space<semaphore_mem>> -> memref<!tpu.dma_semaphore, #tpu.memory_space<semaphore_mem>>
    %dma_start3A_680 = arith.constant 160 : i32
    %dma_start3A_681 = tpu.memref_slice %arg4[%mul3A_2, %dma_start3A_680] : memref<16384x416xf32, #tpu.memory_space<hbm>> -> memref<512x16xf32, #tpu.memory_space<hbm>>
    %dma_start3A_682 = arith.constant 0 : i32
    %dma_start3A_683 = arith.constant 0 : i32
    %dma_start3A_684 = tpu.memref_slice %arg6[%dma_start3A_670, %dma_start3A_682, %dma_start3A_683] : memref<4x512x16xf32, #tpu.memory_space<vmem>> -> memref<1x512x16xf32, #tpu.memory_space<vmem>>
    %dma_start3A_685 = tpu.memref_squeeze %dma_start3A_684 : memref<1x512x16xf32, #tpu.memory_space<vmem>> -> memref<512x16xf32, #tpu.memory_space<vmem>>
    tpu.enqueue_dma source(%dma_start3A_685 : memref<512x16xf32, #tpu.memory_space<vmem>>) target(%dma_start3A_681 : memref<512x16xf32, #tpu.memory_space<hbm>>) target_semaphore(%dma_start3A_679 : memref<!tpu.dma_semaphore, #tpu.memory_space<semaphore_mem>>)
    %dma_wait3A_686 = arith.constant 1 : i32
    %dma_wait3A_687 = arith.constant 1 : i32
    %dma_wait3A_688 = arith.constant 0 : i32
    %dma_wait3A_689 = arith.constant 0 : i32
    %dma_wait3A_690 = tpu.memref_slice %arg6[%dma_wait3A_686, %dma_wait3A_688, %dma_wait3A_689] : memref<4x512x16xf32, #tpu.memory_space<vmem>> -> memref<1x512x16xf32, #tpu.memory_space<vmem>>
    %dma_wait3A_691 = tpu.memref_squeeze %dma_wait3A_690 : memref<1x512x16xf32, #tpu.memory_space<vmem>> -> memref<512x16xf32, #tpu.memory_space<vmem>>
    %dma_wait3A_692 = arith.constant 144 : i32
    %dma_wait3A_693 = tpu.memref_slice %arg4[%mul3A_2, %dma_wait3A_692] : memref<16384x416xf32, #tpu.memory_space<hbm>> -> memref<512x16xf32, #tpu.memory_space<hbm>>
    %dma_wait3A_694 = tpu.memref_slice %arg8[%dma_wait3A_687] : memref<4x!tpu.dma_semaphore, #tpu.memory_space<semaphore_mem>> -> memref<1x!tpu.dma_semaphore, #tpu.memory_space<semaphore_mem>>
    %dma_wait3A_695 = tpu.memref_squeeze %dma_wait3A_694 : memref<1x!tpu.dma_semaphore, #tpu.memory_space<semaphore_mem>> -> memref<!tpu.dma_semaphore, #tpu.memory_space<semaphore_mem>>
    %dma_wait3A_696 = arith.constant 144 : i32
    %dma_wait3A_697 = tpu.memref_slice %arg4[%mul3A_2, %dma_wait3A_696] : memref<16384x416xf32, #tpu.memory_space<hbm>> -> memref<512x16xf32, #tpu.memory_space<hbm>>
    %dma_wait3A_698 = arith.constant 0 : i32
    %dma_wait3A_699 = arith.constant 0 : i32
    %dma_wait3A_700 = tpu.memref_slice %arg6[%dma_wait3A_686, %dma_wait3A_698, %dma_wait3A_699] : memref<4x512x16xf32, #tpu.memory_space<vmem>> -> memref<1x512x16xf32, #tpu.memory_space<vmem>>
    %dma_wait3A_701 = tpu.memref_squeeze %dma_wait3A_700 : memref<1x512x16xf32, #tpu.memory_space<vmem>> -> memref<512x16xf32, #tpu.memory_space<vmem>>
    tpu.wait_dma2 semaphore(%dma_wait3A_695 : memref<!tpu.dma_semaphore, #tpu.memory_space<semaphore_mem>>) src(%dma_wait3A_701 : memref<512x16xf32, #tpu.memory_space<vmem>>) dst(%dma_wait3A_697 : memref<512x16xf32, #tpu.memory_space<hbm>>)
    %dma_start3A_702 = arith.constant 13 : i32
    %dma_start3A_703 = arith.constant 1 : i32
    %dma_start3A_704 = arith.constant 1 : i32
    %dma_start3A_705 = arith.constant 0 : i32
    %dma_start3A_706 = arith.constant 0 : i32
    %dma_start3A_707 = tpu.memref_slice %arg6[%dma_start3A_703, %dma_start3A_705, %dma_start3A_706] : memref<4x512x16xf32, #tpu.memory_space<vmem>> -> memref<1x512x16xf32, #tpu.memory_space<vmem>>
    %dma_start3A_708 = tpu.memref_squeeze %dma_start3A_707 : memref<1x512x16xf32, #tpu.memory_space<vmem>> -> memref<512x16xf32, #tpu.memory_space<vmem>>
    %dma_start3A_709 = arith.constant 0 : i32
    %dma_start3A_710 = tpu.memref_slice %arg5[%dma_start3A_702, %dma_start3A_709] : memref<26x512xi32, #tpu.memory_space<vmem>> -> memref<1x512xi32, #tpu.memory_space<vmem>>
    %dma_start3A_711 = tpu.memref_squeeze %dma_start3A_710 : memref<1x512xi32, #tpu.memory_space<vmem>> -> memref<512xi32, #tpu.memory_space<vmem>>
    %dma_start3A_712 = arith.constant 0 : i32
    %dma_start3A_713 = arith.constant 0 : i32
    %dma_start3A_714 = tpu.memref_slice %arg2[%dma_start3A_712, %dma_start3A_713] : memref<2600000x16xf32, #tpu.memory_space<hbm>> -> memref<2600000x16xf32, #tpu.memory_space<hbm>>
    %dma_start3A_715 = tpu.memref_slice %arg7[%dma_start3A_704] : memref<4x!tpu.dma_semaphore, #tpu.memory_space<semaphore_mem>> -> memref<1x!tpu.dma_semaphore, #tpu.memory_space<semaphore_mem>>
    %dma_start3A_716 = tpu.memref_squeeze %dma_start3A_715 : memref<1x!tpu.dma_semaphore, #tpu.memory_space<semaphore_mem>> -> memref<!tpu.dma_semaphore, #tpu.memory_space<semaphore_mem>>
    tpu.enqueue_indirect_dma source(%dma_start3A_714 : memref<2600000x16xf32, #tpu.memory_space<hbm>>) target(%dma_start3A_708 : memref<512x16xf32, #tpu.memory_space<vmem>>) offsets(%dma_start3A_711 : memref<512xi32, #tpu.memory_space<vmem>>) semaphore(%dma_start3A_716 : memref<!tpu.dma_semaphore, #tpu.memory_space<semaphore_mem>>)
    %dma_wait3A_717 = arith.constant 11 : i32
    %dma_wait3A_718 = arith.constant 3 : i32
    %dma_wait3A_719 = arith.constant 3 : i32
    %dma_wait3A_720 = arith.constant 0 : i32
    %dma_wait3A_721 = arith.constant 0 : i32
    %dma_wait3A_722 = tpu.memref_slice %arg6[%dma_wait3A_718, %dma_wait3A_720, %dma_wait3A_721] : memref<4x512x16xf32, #tpu.memory_space<vmem>> -> memref<1x512x16xf32, #tpu.memory_space<vmem>>
    %dma_wait3A_723 = tpu.memref_squeeze %dma_wait3A_722 : memref<1x512x16xf32, #tpu.memory_space<vmem>> -> memref<512x16xf32, #tpu.memory_space<vmem>>
    %dma_wait3A_724 = arith.constant 0 : i32
    %dma_wait3A_725 = tpu.memref_slice %arg5[%dma_wait3A_717, %dma_wait3A_724] : memref<26x512xi32, #tpu.memory_space<vmem>> -> memref<1x512xi32, #tpu.memory_space<vmem>>
    %dma_wait3A_726 = tpu.memref_squeeze %dma_wait3A_725 : memref<1x512xi32, #tpu.memory_space<vmem>> -> memref<512xi32, #tpu.memory_space<vmem>>
    %dma_wait3A_727 = arith.constant 0 : i32
    %dma_wait3A_728 = arith.constant 0 : i32
    %dma_wait3A_729 = tpu.memref_slice %arg2[%dma_wait3A_727, %dma_wait3A_728] : memref<2600000x16xf32, #tpu.memory_space<hbm>> -> memref<2600000x16xf32, #tpu.memory_space<hbm>>
    %dma_wait3A_730 = tpu.memref_slice %arg7[%dma_wait3A_719] : memref<4x!tpu.dma_semaphore, #tpu.memory_space<semaphore_mem>> -> memref<1x!tpu.dma_semaphore, #tpu.memory_space<semaphore_mem>>
    %dma_wait3A_731 = tpu.memref_squeeze %dma_wait3A_730 : memref<1x!tpu.dma_semaphore, #tpu.memory_space<semaphore_mem>> -> memref<!tpu.dma_semaphore, #tpu.memory_space<semaphore_mem>>
    tpu.wait_indirect_dma semaphore(%dma_wait3A_731 : memref<!tpu.dma_semaphore, #tpu.memory_space<semaphore_mem>>) src(%dma_wait3A_729 : memref<2600000x16xf32, #tpu.memory_space<hbm>>) dst(%dma_wait3A_723 : memref<512x16xf32, #tpu.memory_space<vmem>>)
    %dma_start3A_732 = arith.constant 3 : i32
    %dma_start3A_733 = arith.constant 3 : i32
    %dma_start3A_734 = arith.constant 0 : i32
    %dma_start3A_735 = arith.constant 0 : i32
    %dma_start3A_736 = tpu.memref_slice %arg6[%dma_start3A_732, %dma_start3A_734, %dma_start3A_735] : memref<4x512x16xf32, #tpu.memory_space<vmem>> -> memref<1x512x16xf32, #tpu.memory_space<vmem>>
    %dma_start3A_737 = tpu.memref_squeeze %dma_start3A_736 : memref<1x512x16xf32, #tpu.memory_space<vmem>> -> memref<512x16xf32, #tpu.memory_space<vmem>>
    %dma_start3A_738 = arith.constant 176 : i32
    %dma_start3A_739 = tpu.memref_slice %arg4[%mul3A_2, %dma_start3A_738] : memref<16384x416xf32, #tpu.memory_space<hbm>> -> memref<512x16xf32, #tpu.memory_space<hbm>>
    %dma_start3A_740 = tpu.memref_slice %arg8[%dma_start3A_733] : memref<4x!tpu.dma_semaphore, #tpu.memory_space<semaphore_mem>> -> memref<1x!tpu.dma_semaphore, #tpu.memory_space<semaphore_mem>>
    %dma_start3A_741 = tpu.memref_squeeze %dma_start3A_740 : memref<1x!tpu.dma_semaphore, #tpu.memory_space<semaphore_mem>> -> memref<!tpu.dma_semaphore, #tpu.memory_space<semaphore_mem>>
    %dma_start3A_742 = arith.constant 176 : i32
    %dma_start3A_743 = tpu.memref_slice %arg4[%mul3A_2, %dma_start3A_742] : memref<16384x416xf32, #tpu.memory_space<hbm>> -> memref<512x16xf32, #tpu.memory_space<hbm>>
    %dma_start3A_744 = arith.constant 0 : i32
    %dma_start3A_745 = arith.constant 0 : i32
    %dma_start3A_746 = tpu.memref_slice %arg6[%dma_start3A_732, %dma_start3A_744, %dma_start3A_745] : memref<4x512x16xf32, #tpu.memory_space<vmem>> -> memref<1x512x16xf32, #tpu.memory_space<vmem>>
    %dma_start3A_747 = tpu.memref_squeeze %dma_start3A_746 : memref<1x512x16xf32, #tpu.memory_space<vmem>> -> memref<512x16xf32, #tpu.memory_space<vmem>>
    tpu.enqueue_dma source(%dma_start3A_747 : memref<512x16xf32, #tpu.memory_space<vmem>>) target(%dma_start3A_743 : memref<512x16xf32, #tpu.memory_space<hbm>>) target_semaphore(%dma_start3A_741 : memref<!tpu.dma_semaphore, #tpu.memory_space<semaphore_mem>>)
    %dma_wait3A_748 = arith.constant 2 : i32
    %dma_wait3A_749 = arith.constant 2 : i32
    %dma_wait3A_750 = arith.constant 0 : i32
    %dma_wait3A_751 = arith.constant 0 : i32
    %dma_wait3A_752 = tpu.memref_slice %arg6[%dma_wait3A_748, %dma_wait3A_750, %dma_wait3A_751] : memref<4x512x16xf32, #tpu.memory_space<vmem>> -> memref<1x512x16xf32, #tpu.memory_space<vmem>>
    %dma_wait3A_753 = tpu.memref_squeeze %dma_wait3A_752 : memref<1x512x16xf32, #tpu.memory_space<vmem>> -> memref<512x16xf32, #tpu.memory_space<vmem>>
    %dma_wait3A_754 = arith.constant 160 : i32
    %dma_wait3A_755 = tpu.memref_slice %arg4[%mul3A_2, %dma_wait3A_754] : memref<16384x416xf32, #tpu.memory_space<hbm>> -> memref<512x16xf32, #tpu.memory_space<hbm>>
    %dma_wait3A_756 = tpu.memref_slice %arg8[%dma_wait3A_749] : memref<4x!tpu.dma_semaphore, #tpu.memory_space<semaphore_mem>> -> memref<1x!tpu.dma_semaphore, #tpu.memory_space<semaphore_mem>>
    %dma_wait3A_757 = tpu.memref_squeeze %dma_wait3A_756 : memref<1x!tpu.dma_semaphore, #tpu.memory_space<semaphore_mem>> -> memref<!tpu.dma_semaphore, #tpu.memory_space<semaphore_mem>>
    %dma_wait3A_758 = arith.constant 160 : i32
    %dma_wait3A_759 = tpu.memref_slice %arg4[%mul3A_2, %dma_wait3A_758] : memref<16384x416xf32, #tpu.memory_space<hbm>> -> memref<512x16xf32, #tpu.memory_space<hbm>>
    %dma_wait3A_760 = arith.constant 0 : i32
    %dma_wait3A_761 = arith.constant 0 : i32
    %dma_wait3A_762 = tpu.memref_slice %arg6[%dma_wait3A_748, %dma_wait3A_760, %dma_wait3A_761] : memref<4x512x16xf32, #tpu.memory_space<vmem>> -> memref<1x512x16xf32, #tpu.memory_space<vmem>>
    %dma_wait3A_763 = tpu.memref_squeeze %dma_wait3A_762 : memref<1x512x16xf32, #tpu.memory_space<vmem>> -> memref<512x16xf32, #tpu.memory_space<vmem>>
    tpu.wait_dma2 semaphore(%dma_wait3A_757 : memref<!tpu.dma_semaphore, #tpu.memory_space<semaphore_mem>>) src(%dma_wait3A_763 : memref<512x16xf32, #tpu.memory_space<vmem>>) dst(%dma_wait3A_759 : memref<512x16xf32, #tpu.memory_space<hbm>>)
    %dma_start3A_764 = arith.constant 14 : i32
    %dma_start3A_765 = arith.constant 2 : i32
    %dma_start3A_766 = arith.constant 2 : i32
    %dma_start3A_767 = arith.constant 0 : i32
    %dma_start3A_768 = arith.constant 0 : i32
    %dma_start3A_769 = tpu.memref_slice %arg6[%dma_start3A_765, %dma_start3A_767, %dma_start3A_768] : memref<4x512x16xf32, #tpu.memory_space<vmem>> -> memref<1x512x16xf32, #tpu.memory_space<vmem>>
    %dma_start3A_770 = tpu.memref_squeeze %dma_start3A_769 : memref<1x512x16xf32, #tpu.memory_space<vmem>> -> memref<512x16xf32, #tpu.memory_space<vmem>>
    %dma_start3A_771 = arith.constant 0 : i32
    %dma_start3A_772 = tpu.memref_slice %arg5[%dma_start3A_764, %dma_start3A_771] : memref<26x512xi32, #tpu.memory_space<vmem>> -> memref<1x512xi32, #tpu.memory_space<vmem>>
    %dma_start3A_773 = tpu.memref_squeeze %dma_start3A_772 : memref<1x512xi32, #tpu.memory_space<vmem>> -> memref<512xi32, #tpu.memory_space<vmem>>
    %dma_start3A_774 = arith.constant 0 : i32
    %dma_start3A_775 = arith.constant 0 : i32
    %dma_start3A_776 = tpu.memref_slice %arg2[%dma_start3A_774, %dma_start3A_775] : memref<2600000x16xf32, #tpu.memory_space<hbm>> -> memref<2600000x16xf32, #tpu.memory_space<hbm>>
    %dma_start3A_777 = tpu.memref_slice %arg7[%dma_start3A_766] : memref<4x!tpu.dma_semaphore, #tpu.memory_space<semaphore_mem>> -> memref<1x!tpu.dma_semaphore, #tpu.memory_space<semaphore_mem>>
    %dma_start3A_778 = tpu.memref_squeeze %dma_start3A_777 : memref<1x!tpu.dma_semaphore, #tpu.memory_space<semaphore_mem>> -> memref<!tpu.dma_semaphore, #tpu.memory_space<semaphore_mem>>
    tpu.enqueue_indirect_dma source(%dma_start3A_776 : memref<2600000x16xf32, #tpu.memory_space<hbm>>) target(%dma_start3A_770 : memref<512x16xf32, #tpu.memory_space<vmem>>) offsets(%dma_start3A_773 : memref<512xi32, #tpu.memory_space<vmem>>) semaphore(%dma_start3A_778 : memref<!tpu.dma_semaphore, #tpu.memory_space<semaphore_mem>>)
    %dma_wait3A_779 = arith.constant 12 : i32
    %dma_wait3A_780 = arith.constant 0 : i32
    %dma_wait3A_781 = arith.constant 0 : i32
    %dma_wait3A_782 = arith.constant 0 : i32
    %dma_wait3A_783 = arith.constant 0 : i32
    %dma_wait3A_784 = tpu.memref_slice %arg6[%dma_wait3A_780, %dma_wait3A_782, %dma_wait3A_783] : memref<4x512x16xf32, #tpu.memory_space<vmem>> -> memref<1x512x16xf32, #tpu.memory_space<vmem>>
    %dma_wait3A_785 = tpu.memref_squeeze %dma_wait3A_784 : memref<1x512x16xf32, #tpu.memory_space<vmem>> -> memref<512x16xf32, #tpu.memory_space<vmem>>
    %dma_wait3A_786 = arith.constant 0 : i32
    %dma_wait3A_787 = tpu.memref_slice %arg5[%dma_wait3A_779, %dma_wait3A_786] : memref<26x512xi32, #tpu.memory_space<vmem>> -> memref<1x512xi32, #tpu.memory_space<vmem>>
    %dma_wait3A_788 = tpu.memref_squeeze %dma_wait3A_787 : memref<1x512xi32, #tpu.memory_space<vmem>> -> memref<512xi32, #tpu.memory_space<vmem>>
    %dma_wait3A_789 = arith.constant 0 : i32
    %dma_wait3A_790 = arith.constant 0 : i32
    %dma_wait3A_791 = tpu.memref_slice %arg2[%dma_wait3A_789, %dma_wait3A_790] : memref<2600000x16xf32, #tpu.memory_space<hbm>> -> memref<2600000x16xf32, #tpu.memory_space<hbm>>
    %dma_wait3A_792 = tpu.memref_slice %arg7[%dma_wait3A_781] : memref<4x!tpu.dma_semaphore, #tpu.memory_space<semaphore_mem>> -> memref<1x!tpu.dma_semaphore, #tpu.memory_space<semaphore_mem>>
    %dma_wait3A_793 = tpu.memref_squeeze %dma_wait3A_792 : memref<1x!tpu.dma_semaphore, #tpu.memory_space<semaphore_mem>> -> memref<!tpu.dma_semaphore, #tpu.memory_space<semaphore_mem>>
    tpu.wait_indirect_dma semaphore(%dma_wait3A_793 : memref<!tpu.dma_semaphore, #tpu.memory_space<semaphore_mem>>) src(%dma_wait3A_791 : memref<2600000x16xf32, #tpu.memory_space<hbm>>) dst(%dma_wait3A_785 : memref<512x16xf32, #tpu.memory_space<vmem>>)
    %dma_start3A_794 = arith.constant 0 : i32
    %dma_start3A_795 = arith.constant 0 : i32
    %dma_start3A_796 = arith.constant 0 : i32
    %dma_start3A_797 = arith.constant 0 : i32
    %dma_start3A_798 = tpu.memref_slice %arg6[%dma_start3A_794, %dma_start3A_796, %dma_start3A_797] : memref<4x512x16xf32, #tpu.memory_space<vmem>> -> memref<1x512x16xf32, #tpu.memory_space<vmem>>
    %dma_start3A_799 = tpu.memref_squeeze %dma_start3A_798 : memref<1x512x16xf32, #tpu.memory_space<vmem>> -> memref<512x16xf32, #tpu.memory_space<vmem>>
    %dma_start3A_800 = arith.constant 192 : i32
    %dma_start3A_801 = tpu.memref_slice %arg4[%mul3A_2, %dma_start3A_800] : memref<16384x416xf32, #tpu.memory_space<hbm>> -> memref<512x16xf32, #tpu.memory_space<hbm>>
    %dma_start3A_802 = tpu.memref_slice %arg8[%dma_start3A_795] : memref<4x!tpu.dma_semaphore, #tpu.memory_space<semaphore_mem>> -> memref<1x!tpu.dma_semaphore, #tpu.memory_space<semaphore_mem>>
    %dma_start3A_803 = tpu.memref_squeeze %dma_start3A_802 : memref<1x!tpu.dma_semaphore, #tpu.memory_space<semaphore_mem>> -> memref<!tpu.dma_semaphore, #tpu.memory_space<semaphore_mem>>
    %dma_start3A_804 = arith.constant 192 : i32
    %dma_start3A_805 = tpu.memref_slice %arg4[%mul3A_2, %dma_start3A_804] : memref<16384x416xf32, #tpu.memory_space<hbm>> -> memref<512x16xf32, #tpu.memory_space<hbm>>
    %dma_start3A_806 = arith.constant 0 : i32
    %dma_start3A_807 = arith.constant 0 : i32
    %dma_start3A_808 = tpu.memref_slice %arg6[%dma_start3A_794, %dma_start3A_806, %dma_start3A_807] : memref<4x512x16xf32, #tpu.memory_space<vmem>> -> memref<1x512x16xf32, #tpu.memory_space<vmem>>
    %dma_start3A_809 = tpu.memref_squeeze %dma_start3A_808 : memref<1x512x16xf32, #tpu.memory_space<vmem>> -> memref<512x16xf32, #tpu.memory_space<vmem>>
    tpu.enqueue_dma source(%dma_start3A_809 : memref<512x16xf32, #tpu.memory_space<vmem>>) target(%dma_start3A_805 : memref<512x16xf32, #tpu.memory_space<hbm>>) target_semaphore(%dma_start3A_803 : memref<!tpu.dma_semaphore, #tpu.memory_space<semaphore_mem>>)
    %dma_wait3A_810 = arith.constant 3 : i32
    %dma_wait3A_811 = arith.constant 3 : i32
    %dma_wait3A_812 = arith.constant 0 : i32
    %dma_wait3A_813 = arith.constant 0 : i32
    %dma_wait3A_814 = tpu.memref_slice %arg6[%dma_wait3A_810, %dma_wait3A_812, %dma_wait3A_813] : memref<4x512x16xf32, #tpu.memory_space<vmem>> -> memref<1x512x16xf32, #tpu.memory_space<vmem>>
    %dma_wait3A_815 = tpu.memref_squeeze %dma_wait3A_814 : memref<1x512x16xf32, #tpu.memory_space<vmem>> -> memref<512x16xf32, #tpu.memory_space<vmem>>
    %dma_wait3A_816 = arith.constant 176 : i32
    %dma_wait3A_817 = tpu.memref_slice %arg4[%mul3A_2, %dma_wait3A_816] : memref<16384x416xf32, #tpu.memory_space<hbm>> -> memref<512x16xf32, #tpu.memory_space<hbm>>
    %dma_wait3A_818 = tpu.memref_slice %arg8[%dma_wait3A_811] : memref<4x!tpu.dma_semaphore, #tpu.memory_space<semaphore_mem>> -> memref<1x!tpu.dma_semaphore, #tpu.memory_space<semaphore_mem>>
    %dma_wait3A_819 = tpu.memref_squeeze %dma_wait3A_818 : memref<1x!tpu.dma_semaphore, #tpu.memory_space<semaphore_mem>> -> memref<!tpu.dma_semaphore, #tpu.memory_space<semaphore_mem>>
    %dma_wait3A_820 = arith.constant 176 : i32
    %dma_wait3A_821 = tpu.memref_slice %arg4[%mul3A_2, %dma_wait3A_820] : memref<16384x416xf32, #tpu.memory_space<hbm>> -> memref<512x16xf32, #tpu.memory_space<hbm>>
    %dma_wait3A_822 = arith.constant 0 : i32
    %dma_wait3A_823 = arith.constant 0 : i32
    %dma_wait3A_824 = tpu.memref_slice %arg6[%dma_wait3A_810, %dma_wait3A_822, %dma_wait3A_823] : memref<4x512x16xf32, #tpu.memory_space<vmem>> -> memref<1x512x16xf32, #tpu.memory_space<vmem>>
    %dma_wait3A_825 = tpu.memref_squeeze %dma_wait3A_824 : memref<1x512x16xf32, #tpu.memory_space<vmem>> -> memref<512x16xf32, #tpu.memory_space<vmem>>
    tpu.wait_dma2 semaphore(%dma_wait3A_819 : memref<!tpu.dma_semaphore, #tpu.memory_space<semaphore_mem>>) src(%dma_wait3A_825 : memref<512x16xf32, #tpu.memory_space<vmem>>) dst(%dma_wait3A_821 : memref<512x16xf32, #tpu.memory_space<hbm>>)
    %dma_start3A_826 = arith.constant 15 : i32
    %dma_start3A_827 = arith.constant 3 : i32
    %dma_start3A_828 = arith.constant 3 : i32
    %dma_start3A_829 = arith.constant 0 : i32
    %dma_start3A_830 = arith.constant 0 : i32
    %dma_start3A_831 = tpu.memref_slice %arg6[%dma_start3A_827, %dma_start3A_829, %dma_start3A_830] : memref<4x512x16xf32, #tpu.memory_space<vmem>> -> memref<1x512x16xf32, #tpu.memory_space<vmem>>
    %dma_start3A_832 = tpu.memref_squeeze %dma_start3A_831 : memref<1x512x16xf32, #tpu.memory_space<vmem>> -> memref<512x16xf32, #tpu.memory_space<vmem>>
    %dma_start3A_833 = arith.constant 0 : i32
    %dma_start3A_834 = tpu.memref_slice %arg5[%dma_start3A_826, %dma_start3A_833] : memref<26x512xi32, #tpu.memory_space<vmem>> -> memref<1x512xi32, #tpu.memory_space<vmem>>
    %dma_start3A_835 = tpu.memref_squeeze %dma_start3A_834 : memref<1x512xi32, #tpu.memory_space<vmem>> -> memref<512xi32, #tpu.memory_space<vmem>>
    %dma_start3A_836 = arith.constant 0 : i32
    %dma_start3A_837 = arith.constant 0 : i32
    %dma_start3A_838 = tpu.memref_slice %arg2[%dma_start3A_836, %dma_start3A_837] : memref<2600000x16xf32, #tpu.memory_space<hbm>> -> memref<2600000x16xf32, #tpu.memory_space<hbm>>
    %dma_start3A_839 = tpu.memref_slice %arg7[%dma_start3A_828] : memref<4x!tpu.dma_semaphore, #tpu.memory_space<semaphore_mem>> -> memref<1x!tpu.dma_semaphore, #tpu.memory_space<semaphore_mem>>
    %dma_start3A_840 = tpu.memref_squeeze %dma_start3A_839 : memref<1x!tpu.dma_semaphore, #tpu.memory_space<semaphore_mem>> -> memref<!tpu.dma_semaphore, #tpu.memory_space<semaphore_mem>>
    tpu.enqueue_indirect_dma source(%dma_start3A_838 : memref<2600000x16xf32, #tpu.memory_space<hbm>>) target(%dma_start3A_832 : memref<512x16xf32, #tpu.memory_space<vmem>>) offsets(%dma_start3A_835 : memref<512xi32, #tpu.memory_space<vmem>>) semaphore(%dma_start3A_840 : memref<!tpu.dma_semaphore, #tpu.memory_space<semaphore_mem>>)
    %dma_wait3A_841 = arith.constant 13 : i32
    %dma_wait3A_842 = arith.constant 1 : i32
    %dma_wait3A_843 = arith.constant 1 : i32
    %dma_wait3A_844 = arith.constant 0 : i32
    %dma_wait3A_845 = arith.constant 0 : i32
    %dma_wait3A_846 = tpu.memref_slice %arg6[%dma_wait3A_842, %dma_wait3A_844, %dma_wait3A_845] : memref<4x512x16xf32, #tpu.memory_space<vmem>> -> memref<1x512x16xf32, #tpu.memory_space<vmem>>
    %dma_wait3A_847 = tpu.memref_squeeze %dma_wait3A_846 : memref<1x512x16xf32, #tpu.memory_space<vmem>> -> memref<512x16xf32, #tpu.memory_space<vmem>>
    %dma_wait3A_848 = arith.constant 0 : i32
    %dma_wait3A_849 = tpu.memref_slice %arg5[%dma_wait3A_841, %dma_wait3A_848] : memref<26x512xi32, #tpu.memory_space<vmem>> -> memref<1x512xi32, #tpu.memory_space<vmem>>
    %dma_wait3A_850 = tpu.memref_squeeze %dma_wait3A_849 : memref<1x512xi32, #tpu.memory_space<vmem>> -> memref<512xi32, #tpu.memory_space<vmem>>
    %dma_wait3A_851 = arith.constant 0 : i32
    %dma_wait3A_852 = arith.constant 0 : i32
    %dma_wait3A_853 = tpu.memref_slice %arg2[%dma_wait3A_851, %dma_wait3A_852] : memref<2600000x16xf32, #tpu.memory_space<hbm>> -> memref<2600000x16xf32, #tpu.memory_space<hbm>>
    %dma_wait3A_854 = tpu.memref_slice %arg7[%dma_wait3A_843] : memref<4x!tpu.dma_semaphore, #tpu.memory_space<semaphore_mem>> -> memref<1x!tpu.dma_semaphore, #tpu.memory_space<semaphore_mem>>
    %dma_wait3A_855 = tpu.memref_squeeze %dma_wait3A_854 : memref<1x!tpu.dma_semaphore, #tpu.memory_space<semaphore_mem>> -> memref<!tpu.dma_semaphore, #tpu.memory_space<semaphore_mem>>
    tpu.wait_indirect_dma semaphore(%dma_wait3A_855 : memref<!tpu.dma_semaphore, #tpu.memory_space<semaphore_mem>>) src(%dma_wait3A_853 : memref<2600000x16xf32, #tpu.memory_space<hbm>>) dst(%dma_wait3A_847 : memref<512x16xf32, #tpu.memory_space<vmem>>)
    %dma_start3A_856 = arith.constant 1 : i32
    %dma_start3A_857 = arith.constant 1 : i32
    %dma_start3A_858 = arith.constant 0 : i32
    %dma_start3A_859 = arith.constant 0 : i32
    %dma_start3A_860 = tpu.memref_slice %arg6[%dma_start3A_856, %dma_start3A_858, %dma_start3A_859] : memref<4x512x16xf32, #tpu.memory_space<vmem>> -> memref<1x512x16xf32, #tpu.memory_space<vmem>>
    %dma_start3A_861 = tpu.memref_squeeze %dma_start3A_860 : memref<1x512x16xf32, #tpu.memory_space<vmem>> -> memref<512x16xf32, #tpu.memory_space<vmem>>
    %dma_start3A_862 = arith.constant 208 : i32
    %dma_start3A_863 = tpu.memref_slice %arg4[%mul3A_2, %dma_start3A_862] : memref<16384x416xf32, #tpu.memory_space<hbm>> -> memref<512x16xf32, #tpu.memory_space<hbm>>
    %dma_start3A_864 = tpu.memref_slice %arg8[%dma_start3A_857] : memref<4x!tpu.dma_semaphore, #tpu.memory_space<semaphore_mem>> -> memref<1x!tpu.dma_semaphore, #tpu.memory_space<semaphore_mem>>
    %dma_start3A_865 = tpu.memref_squeeze %dma_start3A_864 : memref<1x!tpu.dma_semaphore, #tpu.memory_space<semaphore_mem>> -> memref<!tpu.dma_semaphore, #tpu.memory_space<semaphore_mem>>
    %dma_start3A_866 = arith.constant 208 : i32
    %dma_start3A_867 = tpu.memref_slice %arg4[%mul3A_2, %dma_start3A_866] : memref<16384x416xf32, #tpu.memory_space<hbm>> -> memref<512x16xf32, #tpu.memory_space<hbm>>
    %dma_start3A_868 = arith.constant 0 : i32
    %dma_start3A_869 = arith.constant 0 : i32
    %dma_start3A_870 = tpu.memref_slice %arg6[%dma_start3A_856, %dma_start3A_868, %dma_start3A_869] : memref<4x512x16xf32, #tpu.memory_space<vmem>> -> memref<1x512x16xf32, #tpu.memory_space<vmem>>
    %dma_start3A_871 = tpu.memref_squeeze %dma_start3A_870 : memref<1x512x16xf32, #tpu.memory_space<vmem>> -> memref<512x16xf32, #tpu.memory_space<vmem>>
    tpu.enqueue_dma source(%dma_start3A_871 : memref<512x16xf32, #tpu.memory_space<vmem>>) target(%dma_start3A_867 : memref<512x16xf32, #tpu.memory_space<hbm>>) target_semaphore(%dma_start3A_865 : memref<!tpu.dma_semaphore, #tpu.memory_space<semaphore_mem>>)
    %dma_wait3A_872 = arith.constant 0 : i32
    %dma_wait3A_873 = arith.constant 0 : i32
    %dma_wait3A_874 = arith.constant 0 : i32
    %dma_wait3A_875 = arith.constant 0 : i32
    %dma_wait3A_876 = tpu.memref_slice %arg6[%dma_wait3A_872, %dma_wait3A_874, %dma_wait3A_875] : memref<4x512x16xf32, #tpu.memory_space<vmem>> -> memref<1x512x16xf32, #tpu.memory_space<vmem>>
    %dma_wait3A_877 = tpu.memref_squeeze %dma_wait3A_876 : memref<1x512x16xf32, #tpu.memory_space<vmem>> -> memref<512x16xf32, #tpu.memory_space<vmem>>
    %dma_wait3A_878 = arith.constant 192 : i32
    %dma_wait3A_879 = tpu.memref_slice %arg4[%mul3A_2, %dma_wait3A_878] : memref<16384x416xf32, #tpu.memory_space<hbm>> -> memref<512x16xf32, #tpu.memory_space<hbm>>
    %dma_wait3A_880 = tpu.memref_slice %arg8[%dma_wait3A_873] : memref<4x!tpu.dma_semaphore, #tpu.memory_space<semaphore_mem>> -> memref<1x!tpu.dma_semaphore, #tpu.memory_space<semaphore_mem>>
    %dma_wait3A_881 = tpu.memref_squeeze %dma_wait3A_880 : memref<1x!tpu.dma_semaphore, #tpu.memory_space<semaphore_mem>> -> memref<!tpu.dma_semaphore, #tpu.memory_space<semaphore_mem>>
    %dma_wait3A_882 = arith.constant 192 : i32
    %dma_wait3A_883 = tpu.memref_slice %arg4[%mul3A_2, %dma_wait3A_882] : memref<16384x416xf32, #tpu.memory_space<hbm>> -> memref<512x16xf32, #tpu.memory_space<hbm>>
    %dma_wait3A_884 = arith.constant 0 : i32
    %dma_wait3A_885 = arith.constant 0 : i32
    %dma_wait3A_886 = tpu.memref_slice %arg6[%dma_wait3A_872, %dma_wait3A_884, %dma_wait3A_885] : memref<4x512x16xf32, #tpu.memory_space<vmem>> -> memref<1x512x16xf32, #tpu.memory_space<vmem>>
    %dma_wait3A_887 = tpu.memref_squeeze %dma_wait3A_886 : memref<1x512x16xf32, #tpu.memory_space<vmem>> -> memref<512x16xf32, #tpu.memory_space<vmem>>
    tpu.wait_dma2 semaphore(%dma_wait3A_881 : memref<!tpu.dma_semaphore, #tpu.memory_space<semaphore_mem>>) src(%dma_wait3A_887 : memref<512x16xf32, #tpu.memory_space<vmem>>) dst(%dma_wait3A_883 : memref<512x16xf32, #tpu.memory_space<hbm>>)
    %dma_start3A_888 = arith.constant 16 : i32
    %dma_start3A_889 = arith.constant 0 : i32
    %dma_start3A_890 = arith.constant 0 : i32
    %dma_start3A_891 = arith.constant 0 : i32
    %dma_start3A_892 = arith.constant 0 : i32
    %dma_start3A_893 = tpu.memref_slice %arg6[%dma_start3A_889, %dma_start3A_891, %dma_start3A_892] : memref<4x512x16xf32, #tpu.memory_space<vmem>> -> memref<1x512x16xf32, #tpu.memory_space<vmem>>
    %dma_start3A_894 = tpu.memref_squeeze %dma_start3A_893 : memref<1x512x16xf32, #tpu.memory_space<vmem>> -> memref<512x16xf32, #tpu.memory_space<vmem>>
    %dma_start3A_895 = arith.constant 0 : i32
    %dma_start3A_896 = tpu.memref_slice %arg5[%dma_start3A_888, %dma_start3A_895] : memref<26x512xi32, #tpu.memory_space<vmem>> -> memref<1x512xi32, #tpu.memory_space<vmem>>
    %dma_start3A_897 = tpu.memref_squeeze %dma_start3A_896 : memref<1x512xi32, #tpu.memory_space<vmem>> -> memref<512xi32, #tpu.memory_space<vmem>>
    %dma_start3A_898 = arith.constant 0 : i32
    %dma_start3A_899 = arith.constant 0 : i32
    %dma_start3A_900 = tpu.memref_slice %arg2[%dma_start3A_898, %dma_start3A_899] : memref<2600000x16xf32, #tpu.memory_space<hbm>> -> memref<2600000x16xf32, #tpu.memory_space<hbm>>
    %dma_start3A_901 = tpu.memref_slice %arg7[%dma_start3A_890] : memref<4x!tpu.dma_semaphore, #tpu.memory_space<semaphore_mem>> -> memref<1x!tpu.dma_semaphore, #tpu.memory_space<semaphore_mem>>
    %dma_start3A_902 = tpu.memref_squeeze %dma_start3A_901 : memref<1x!tpu.dma_semaphore, #tpu.memory_space<semaphore_mem>> -> memref<!tpu.dma_semaphore, #tpu.memory_space<semaphore_mem>>
    tpu.enqueue_indirect_dma source(%dma_start3A_900 : memref<2600000x16xf32, #tpu.memory_space<hbm>>) target(%dma_start3A_894 : memref<512x16xf32, #tpu.memory_space<vmem>>) offsets(%dma_start3A_897 : memref<512xi32, #tpu.memory_space<vmem>>) semaphore(%dma_start3A_902 : memref<!tpu.dma_semaphore, #tpu.memory_space<semaphore_mem>>)
    %dma_wait3A_903 = arith.constant 14 : i32
    %dma_wait3A_904 = arith.constant 2 : i32
    %dma_wait3A_905 = arith.constant 2 : i32
    %dma_wait3A_906 = arith.constant 0 : i32
    %dma_wait3A_907 = arith.constant 0 : i32
    %dma_wait3A_908 = tpu.memref_slice %arg6[%dma_wait3A_904, %dma_wait3A_906, %dma_wait3A_907] : memref<4x512x16xf32, #tpu.memory_space<vmem>> -> memref<1x512x16xf32, #tpu.memory_space<vmem>>
    %dma_wait3A_909 = tpu.memref_squeeze %dma_wait3A_908 : memref<1x512x16xf32, #tpu.memory_space<vmem>> -> memref<512x16xf32, #tpu.memory_space<vmem>>
    %dma_wait3A_910 = arith.constant 0 : i32
    %dma_wait3A_911 = tpu.memref_slice %arg5[%dma_wait3A_903, %dma_wait3A_910] : memref<26x512xi32, #tpu.memory_space<vmem>> -> memref<1x512xi32, #tpu.memory_space<vmem>>
    %dma_wait3A_912 = tpu.memref_squeeze %dma_wait3A_911 : memref<1x512xi32, #tpu.memory_space<vmem>> -> memref<512xi32, #tpu.memory_space<vmem>>
    %dma_wait3A_913 = arith.constant 0 : i32
    %dma_wait3A_914 = arith.constant 0 : i32
    %dma_wait3A_915 = tpu.memref_slice %arg2[%dma_wait3A_913, %dma_wait3A_914] : memref<2600000x16xf32, #tpu.memory_space<hbm>> -> memref<2600000x16xf32, #tpu.memory_space<hbm>>
    %dma_wait3A_916 = tpu.memref_slice %arg7[%dma_wait3A_905] : memref<4x!tpu.dma_semaphore, #tpu.memory_space<semaphore_mem>> -> memref<1x!tpu.dma_semaphore, #tpu.memory_space<semaphore_mem>>
    %dma_wait3A_917 = tpu.memref_squeeze %dma_wait3A_916 : memref<1x!tpu.dma_semaphore, #tpu.memory_space<semaphore_mem>> -> memref<!tpu.dma_semaphore, #tpu.memory_space<semaphore_mem>>
    tpu.wait_indirect_dma semaphore(%dma_wait3A_917 : memref<!tpu.dma_semaphore, #tpu.memory_space<semaphore_mem>>) src(%dma_wait3A_915 : memref<2600000x16xf32, #tpu.memory_space<hbm>>) dst(%dma_wait3A_909 : memref<512x16xf32, #tpu.memory_space<vmem>>)
    %dma_start3A_918 = arith.constant 2 : i32
    %dma_start3A_919 = arith.constant 2 : i32
    %dma_start3A_920 = arith.constant 0 : i32
    %dma_start3A_921 = arith.constant 0 : i32
    %dma_start3A_922 = tpu.memref_slice %arg6[%dma_start3A_918, %dma_start3A_920, %dma_start3A_921] : memref<4x512x16xf32, #tpu.memory_space<vmem>> -> memref<1x512x16xf32, #tpu.memory_space<vmem>>
    %dma_start3A_923 = tpu.memref_squeeze %dma_start3A_922 : memref<1x512x16xf32, #tpu.memory_space<vmem>> -> memref<512x16xf32, #tpu.memory_space<vmem>>
    %dma_start3A_924 = arith.constant 224 : i32
    %dma_start3A_925 = tpu.memref_slice %arg4[%mul3A_2, %dma_start3A_924] : memref<16384x416xf32, #tpu.memory_space<hbm>> -> memref<512x16xf32, #tpu.memory_space<hbm>>
    %dma_start3A_926 = tpu.memref_slice %arg8[%dma_start3A_919] : memref<4x!tpu.dma_semaphore, #tpu.memory_space<semaphore_mem>> -> memref<1x!tpu.dma_semaphore, #tpu.memory_space<semaphore_mem>>
    %dma_start3A_927 = tpu.memref_squeeze %dma_start3A_926 : memref<1x!tpu.dma_semaphore, #tpu.memory_space<semaphore_mem>> -> memref<!tpu.dma_semaphore, #tpu.memory_space<semaphore_mem>>
    %dma_start3A_928 = arith.constant 224 : i32
    %dma_start3A_929 = tpu.memref_slice %arg4[%mul3A_2, %dma_start3A_928] : memref<16384x416xf32, #tpu.memory_space<hbm>> -> memref<512x16xf32, #tpu.memory_space<hbm>>
    %dma_start3A_930 = arith.constant 0 : i32
    %dma_start3A_931 = arith.constant 0 : i32
    %dma_start3A_932 = tpu.memref_slice %arg6[%dma_start3A_918, %dma_start3A_930, %dma_start3A_931] : memref<4x512x16xf32, #tpu.memory_space<vmem>> -> memref<1x512x16xf32, #tpu.memory_space<vmem>>
    %dma_start3A_933 = tpu.memref_squeeze %dma_start3A_932 : memref<1x512x16xf32, #tpu.memory_space<vmem>> -> memref<512x16xf32, #tpu.memory_space<vmem>>
    tpu.enqueue_dma source(%dma_start3A_933 : memref<512x16xf32, #tpu.memory_space<vmem>>) target(%dma_start3A_929 : memref<512x16xf32, #tpu.memory_space<hbm>>) target_semaphore(%dma_start3A_927 : memref<!tpu.dma_semaphore, #tpu.memory_space<semaphore_mem>>)
    %dma_wait3A_934 = arith.constant 1 : i32
    %dma_wait3A_935 = arith.constant 1 : i32
    %dma_wait3A_936 = arith.constant 0 : i32
    %dma_wait3A_937 = arith.constant 0 : i32
    %dma_wait3A_938 = tpu.memref_slice %arg6[%dma_wait3A_934, %dma_wait3A_936, %dma_wait3A_937] : memref<4x512x16xf32, #tpu.memory_space<vmem>> -> memref<1x512x16xf32, #tpu.memory_space<vmem>>
    %dma_wait3A_939 = tpu.memref_squeeze %dma_wait3A_938 : memref<1x512x16xf32, #tpu.memory_space<vmem>> -> memref<512x16xf32, #tpu.memory_space<vmem>>
    %dma_wait3A_940 = arith.constant 208 : i32
    %dma_wait3A_941 = tpu.memref_slice %arg4[%mul3A_2, %dma_wait3A_940] : memref<16384x416xf32, #tpu.memory_space<hbm>> -> memref<512x16xf32, #tpu.memory_space<hbm>>
    %dma_wait3A_942 = tpu.memref_slice %arg8[%dma_wait3A_935] : memref<4x!tpu.dma_semaphore, #tpu.memory_space<semaphore_mem>> -> memref<1x!tpu.dma_semaphore, #tpu.memory_space<semaphore_mem>>
    %dma_wait3A_943 = tpu.memref_squeeze %dma_wait3A_942 : memref<1x!tpu.dma_semaphore, #tpu.memory_space<semaphore_mem>> -> memref<!tpu.dma_semaphore, #tpu.memory_space<semaphore_mem>>
    %dma_wait3A_944 = arith.constant 208 : i32
    %dma_wait3A_945 = tpu.memref_slice %arg4[%mul3A_2, %dma_wait3A_944] : memref<16384x416xf32, #tpu.memory_space<hbm>> -> memref<512x16xf32, #tpu.memory_space<hbm>>
    %dma_wait3A_946 = arith.constant 0 : i32
    %dma_wait3A_947 = arith.constant 0 : i32
    %dma_wait3A_948 = tpu.memref_slice %arg6[%dma_wait3A_934, %dma_wait3A_946, %dma_wait3A_947] : memref<4x512x16xf32, #tpu.memory_space<vmem>> -> memref<1x512x16xf32, #tpu.memory_space<vmem>>
    %dma_wait3A_949 = tpu.memref_squeeze %dma_wait3A_948 : memref<1x512x16xf32, #tpu.memory_space<vmem>> -> memref<512x16xf32, #tpu.memory_space<vmem>>
    tpu.wait_dma2 semaphore(%dma_wait3A_943 : memref<!tpu.dma_semaphore, #tpu.memory_space<semaphore_mem>>) src(%dma_wait3A_949 : memref<512x16xf32, #tpu.memory_space<vmem>>) dst(%dma_wait3A_945 : memref<512x16xf32, #tpu.memory_space<hbm>>)
    %dma_start3A_950 = arith.constant 17 : i32
    %dma_start3A_951 = arith.constant 1 : i32
    %dma_start3A_952 = arith.constant 1 : i32
    %dma_start3A_953 = arith.constant 0 : i32
    %dma_start3A_954 = arith.constant 0 : i32
    %dma_start3A_955 = tpu.memref_slice %arg6[%dma_start3A_951, %dma_start3A_953, %dma_start3A_954] : memref<4x512x16xf32, #tpu.memory_space<vmem>> -> memref<1x512x16xf32, #tpu.memory_space<vmem>>
    %dma_start3A_956 = tpu.memref_squeeze %dma_start3A_955 : memref<1x512x16xf32, #tpu.memory_space<vmem>> -> memref<512x16xf32, #tpu.memory_space<vmem>>
    %dma_start3A_957 = arith.constant 0 : i32
    %dma_start3A_958 = tpu.memref_slice %arg5[%dma_start3A_950, %dma_start3A_957] : memref<26x512xi32, #tpu.memory_space<vmem>> -> memref<1x512xi32, #tpu.memory_space<vmem>>
    %dma_start3A_959 = tpu.memref_squeeze %dma_start3A_958 : memref<1x512xi32, #tpu.memory_space<vmem>> -> memref<512xi32, #tpu.memory_space<vmem>>
    %dma_start3A_960 = arith.constant 0 : i32
    %dma_start3A_961 = arith.constant 0 : i32
    %dma_start3A_962 = tpu.memref_slice %arg2[%dma_start3A_960, %dma_start3A_961] : memref<2600000x16xf32, #tpu.memory_space<hbm>> -> memref<2600000x16xf32, #tpu.memory_space<hbm>>
    %dma_start3A_963 = tpu.memref_slice %arg7[%dma_start3A_952] : memref<4x!tpu.dma_semaphore, #tpu.memory_space<semaphore_mem>> -> memref<1x!tpu.dma_semaphore, #tpu.memory_space<semaphore_mem>>
    %dma_start3A_964 = tpu.memref_squeeze %dma_start3A_963 : memref<1x!tpu.dma_semaphore, #tpu.memory_space<semaphore_mem>> -> memref<!tpu.dma_semaphore, #tpu.memory_space<semaphore_mem>>
    tpu.enqueue_indirect_dma source(%dma_start3A_962 : memref<2600000x16xf32, #tpu.memory_space<hbm>>) target(%dma_start3A_956 : memref<512x16xf32, #tpu.memory_space<vmem>>) offsets(%dma_start3A_959 : memref<512xi32, #tpu.memory_space<vmem>>) semaphore(%dma_start3A_964 : memref<!tpu.dma_semaphore, #tpu.memory_space<semaphore_mem>>)
    %dma_wait3A_965 = arith.constant 15 : i32
    %dma_wait3A_966 = arith.constant 3 : i32
    %dma_wait3A_967 = arith.constant 3 : i32
    %dma_wait3A_968 = arith.constant 0 : i32
    %dma_wait3A_969 = arith.constant 0 : i32
    %dma_wait3A_970 = tpu.memref_slice %arg6[%dma_wait3A_966, %dma_wait3A_968, %dma_wait3A_969] : memref<4x512x16xf32, #tpu.memory_space<vmem>> -> memref<1x512x16xf32, #tpu.memory_space<vmem>>
    %dma_wait3A_971 = tpu.memref_squeeze %dma_wait3A_970 : memref<1x512x16xf32, #tpu.memory_space<vmem>> -> memref<512x16xf32, #tpu.memory_space<vmem>>
    %dma_wait3A_972 = arith.constant 0 : i32
    %dma_wait3A_973 = tpu.memref_slice %arg5[%dma_wait3A_965, %dma_wait3A_972] : memref<26x512xi32, #tpu.memory_space<vmem>> -> memref<1x512xi32, #tpu.memory_space<vmem>>
    %dma_wait3A_974 = tpu.memref_squeeze %dma_wait3A_973 : memref<1x512xi32, #tpu.memory_space<vmem>> -> memref<512xi32, #tpu.memory_space<vmem>>
    %dma_wait3A_975 = arith.constant 0 : i32
    %dma_wait3A_976 = arith.constant 0 : i32
    %dma_wait3A_977 = tpu.memref_slice %arg2[%dma_wait3A_975, %dma_wait3A_976] : memref<2600000x16xf32, #tpu.memory_space<hbm>> -> memref<2600000x16xf32, #tpu.memory_space<hbm>>
    %dma_wait3A_978 = tpu.memref_slice %arg7[%dma_wait3A_967] : memref<4x!tpu.dma_semaphore, #tpu.memory_space<semaphore_mem>> -> memref<1x!tpu.dma_semaphore, #tpu.memory_space<semaphore_mem>>
    %dma_wait3A_979 = tpu.memref_squeeze %dma_wait3A_978 : memref<1x!tpu.dma_semaphore, #tpu.memory_space<semaphore_mem>> -> memref<!tpu.dma_semaphore, #tpu.memory_space<semaphore_mem>>
    tpu.wait_indirect_dma semaphore(%dma_wait3A_979 : memref<!tpu.dma_semaphore, #tpu.memory_space<semaphore_mem>>) src(%dma_wait3A_977 : memref<2600000x16xf32, #tpu.memory_space<hbm>>) dst(%dma_wait3A_971 : memref<512x16xf32, #tpu.memory_space<vmem>>)
    %dma_start3A_980 = arith.constant 3 : i32
    %dma_start3A_981 = arith.constant 3 : i32
    %dma_start3A_982 = arith.constant 0 : i32
    %dma_start3A_983 = arith.constant 0 : i32
    %dma_start3A_984 = tpu.memref_slice %arg6[%dma_start3A_980, %dma_start3A_982, %dma_start3A_983] : memref<4x512x16xf32, #tpu.memory_space<vmem>> -> memref<1x512x16xf32, #tpu.memory_space<vmem>>
    %dma_start3A_985 = tpu.memref_squeeze %dma_start3A_984 : memref<1x512x16xf32, #tpu.memory_space<vmem>> -> memref<512x16xf32, #tpu.memory_space<vmem>>
    %dma_start3A_986 = arith.constant 240 : i32
    %dma_start3A_987 = tpu.memref_slice %arg4[%mul3A_2, %dma_start3A_986] : memref<16384x416xf32, #tpu.memory_space<hbm>> -> memref<512x16xf32, #tpu.memory_space<hbm>>
    %dma_start3A_988 = tpu.memref_slice %arg8[%dma_start3A_981] : memref<4x!tpu.dma_semaphore, #tpu.memory_space<semaphore_mem>> -> memref<1x!tpu.dma_semaphore, #tpu.memory_space<semaphore_mem>>
    %dma_start3A_989 = tpu.memref_squeeze %dma_start3A_988 : memref<1x!tpu.dma_semaphore, #tpu.memory_space<semaphore_mem>> -> memref<!tpu.dma_semaphore, #tpu.memory_space<semaphore_mem>>
    %dma_start3A_990 = arith.constant 240 : i32
    %dma_start3A_991 = tpu.memref_slice %arg4[%mul3A_2, %dma_start3A_990] : memref<16384x416xf32, #tpu.memory_space<hbm>> -> memref<512x16xf32, #tpu.memory_space<hbm>>
    %dma_start3A_992 = arith.constant 0 : i32
    %dma_start3A_993 = arith.constant 0 : i32
    %dma_start3A_994 = tpu.memref_slice %arg6[%dma_start3A_980, %dma_start3A_992, %dma_start3A_993] : memref<4x512x16xf32, #tpu.memory_space<vmem>> -> memref<1x512x16xf32, #tpu.memory_space<vmem>>
    %dma_start3A_995 = tpu.memref_squeeze %dma_start3A_994 : memref<1x512x16xf32, #tpu.memory_space<vmem>> -> memref<512x16xf32, #tpu.memory_space<vmem>>
    tpu.enqueue_dma source(%dma_start3A_995 : memref<512x16xf32, #tpu.memory_space<vmem>>) target(%dma_start3A_991 : memref<512x16xf32, #tpu.memory_space<hbm>>) target_semaphore(%dma_start3A_989 : memref<!tpu.dma_semaphore, #tpu.memory_space<semaphore_mem>>)
    %dma_wait3A_996 = arith.constant 2 : i32
    %dma_wait3A_997 = arith.constant 2 : i32
    %dma_wait3A_998 = arith.constant 0 : i32
    %dma_wait3A_999 = arith.constant 0 : i32
    %dma_wait3A_1000 = tpu.memref_slice %arg6[%dma_wait3A_996, %dma_wait3A_998, %dma_wait3A_999] : memref<4x512x16xf32, #tpu.memory_space<vmem>> -> memref<1x512x16xf32, #tpu.memory_space<vmem>>
    %dma_wait3A_1001 = tpu.memref_squeeze %dma_wait3A_1000 : memref<1x512x16xf32, #tpu.memory_space<vmem>> -> memref<512x16xf32, #tpu.memory_space<vmem>>
    %dma_wait3A_1002 = arith.constant 224 : i32
    %dma_wait3A_1003 = tpu.memref_slice %arg4[%mul3A_2, %dma_wait3A_1002] : memref<16384x416xf32, #tpu.memory_space<hbm>> -> memref<512x16xf32, #tpu.memory_space<hbm>>
    %dma_wait3A_1004 = tpu.memref_slice %arg8[%dma_wait3A_997] : memref<4x!tpu.dma_semaphore, #tpu.memory_space<semaphore_mem>> -> memref<1x!tpu.dma_semaphore, #tpu.memory_space<semaphore_mem>>
    %dma_wait3A_1005 = tpu.memref_squeeze %dma_wait3A_1004 : memref<1x!tpu.dma_semaphore, #tpu.memory_space<semaphore_mem>> -> memref<!tpu.dma_semaphore, #tpu.memory_space<semaphore_mem>>
    %dma_wait3A_1006 = arith.constant 224 : i32
    %dma_wait3A_1007 = tpu.memref_slice %arg4[%mul3A_2, %dma_wait3A_1006] : memref<16384x416xf32, #tpu.memory_space<hbm>> -> memref<512x16xf32, #tpu.memory_space<hbm>>
    %dma_wait3A_1008 = arith.constant 0 : i32
    %dma_wait3A_1009 = arith.constant 0 : i32
    %dma_wait3A_1010 = tpu.memref_slice %arg6[%dma_wait3A_996, %dma_wait3A_1008, %dma_wait3A_1009] : memref<4x512x16xf32, #tpu.memory_space<vmem>> -> memref<1x512x16xf32, #tpu.memory_space<vmem>>
    %dma_wait3A_1011 = tpu.memref_squeeze %dma_wait3A_1010 : memref<1x512x16xf32, #tpu.memory_space<vmem>> -> memref<512x16xf32, #tpu.memory_space<vmem>>
    tpu.wait_dma2 semaphore(%dma_wait3A_1005 : memref<!tpu.dma_semaphore, #tpu.memory_space<semaphore_mem>>) src(%dma_wait3A_1011 : memref<512x16xf32, #tpu.memory_space<vmem>>) dst(%dma_wait3A_1007 : memref<512x16xf32, #tpu.memory_space<hbm>>)
    %dma_start3A_1012 = arith.constant 18 : i32
    %dma_start3A_1013 = arith.constant 2 : i32
    %dma_start3A_1014 = arith.constant 2 : i32
    %dma_start3A_1015 = arith.constant 0 : i32
    %dma_start3A_1016 = arith.constant 0 : i32
    %dma_start3A_1017 = tpu.memref_slice %arg6[%dma_start3A_1013, %dma_start3A_1015, %dma_start3A_1016] : memref<4x512x16xf32, #tpu.memory_space<vmem>> -> memref<1x512x16xf32, #tpu.memory_space<vmem>>
    %dma_start3A_1018 = tpu.memref_squeeze %dma_start3A_1017 : memref<1x512x16xf32, #tpu.memory_space<vmem>> -> memref<512x16xf32, #tpu.memory_space<vmem>>
    %dma_start3A_1019 = arith.constant 0 : i32
    %dma_start3A_1020 = tpu.memref_slice %arg5[%dma_start3A_1012, %dma_start3A_1019] : memref<26x512xi32, #tpu.memory_space<vmem>> -> memref<1x512xi32, #tpu.memory_space<vmem>>
    %dma_start3A_1021 = tpu.memref_squeeze %dma_start3A_1020 : memref<1x512xi32, #tpu.memory_space<vmem>> -> memref<512xi32, #tpu.memory_space<vmem>>
    %dma_start3A_1022 = arith.constant 0 : i32
    %dma_start3A_1023 = arith.constant 0 : i32
    %dma_start3A_1024 = tpu.memref_slice %arg2[%dma_start3A_1022, %dma_start3A_1023] : memref<2600000x16xf32, #tpu.memory_space<hbm>> -> memref<2600000x16xf32, #tpu.memory_space<hbm>>
    %dma_start3A_1025 = tpu.memref_slice %arg7[%dma_start3A_1014] : memref<4x!tpu.dma_semaphore, #tpu.memory_space<semaphore_mem>> -> memref<1x!tpu.dma_semaphore, #tpu.memory_space<semaphore_mem>>
    %dma_start3A_1026 = tpu.memref_squeeze %dma_start3A_1025 : memref<1x!tpu.dma_semaphore, #tpu.memory_space<semaphore_mem>> -> memref<!tpu.dma_semaphore, #tpu.memory_space<semaphore_mem>>
    tpu.enqueue_indirect_dma source(%dma_start3A_1024 : memref<2600000x16xf32, #tpu.memory_space<hbm>>) target(%dma_start3A_1018 : memref<512x16xf32, #tpu.memory_space<vmem>>) offsets(%dma_start3A_1021 : memref<512xi32, #tpu.memory_space<vmem>>) semaphore(%dma_start3A_1026 : memref<!tpu.dma_semaphore, #tpu.memory_space<semaphore_mem>>)
    %dma_wait3A_1027 = arith.constant 16 : i32
    %dma_wait3A_1028 = arith.constant 0 : i32
    %dma_wait3A_1029 = arith.constant 0 : i32
    %dma_wait3A_1030 = arith.constant 0 : i32
    %dma_wait3A_1031 = arith.constant 0 : i32
    %dma_wait3A_1032 = tpu.memref_slice %arg6[%dma_wait3A_1028, %dma_wait3A_1030, %dma_wait3A_1031] : memref<4x512x16xf32, #tpu.memory_space<vmem>> -> memref<1x512x16xf32, #tpu.memory_space<vmem>>
    %dma_wait3A_1033 = tpu.memref_squeeze %dma_wait3A_1032 : memref<1x512x16xf32, #tpu.memory_space<vmem>> -> memref<512x16xf32, #tpu.memory_space<vmem>>
    %dma_wait3A_1034 = arith.constant 0 : i32
    %dma_wait3A_1035 = tpu.memref_slice %arg5[%dma_wait3A_1027, %dma_wait3A_1034] : memref<26x512xi32, #tpu.memory_space<vmem>> -> memref<1x512xi32, #tpu.memory_space<vmem>>
    %dma_wait3A_1036 = tpu.memref_squeeze %dma_wait3A_1035 : memref<1x512xi32, #tpu.memory_space<vmem>> -> memref<512xi32, #tpu.memory_space<vmem>>
    %dma_wait3A_1037 = arith.constant 0 : i32
    %dma_wait3A_1038 = arith.constant 0 : i32
    %dma_wait3A_1039 = tpu.memref_slice %arg2[%dma_wait3A_1037, %dma_wait3A_1038] : memref<2600000x16xf32, #tpu.memory_space<hbm>> -> memref<2600000x16xf32, #tpu.memory_space<hbm>>
    %dma_wait3A_1040 = tpu.memref_slice %arg7[%dma_wait3A_1029] : memref<4x!tpu.dma_semaphore, #tpu.memory_space<semaphore_mem>> -> memref<1x!tpu.dma_semaphore, #tpu.memory_space<semaphore_mem>>
    %dma_wait3A_1041 = tpu.memref_squeeze %dma_wait3A_1040 : memref<1x!tpu.dma_semaphore, #tpu.memory_space<semaphore_mem>> -> memref<!tpu.dma_semaphore, #tpu.memory_space<semaphore_mem>>
    tpu.wait_indirect_dma semaphore(%dma_wait3A_1041 : memref<!tpu.dma_semaphore, #tpu.memory_space<semaphore_mem>>) src(%dma_wait3A_1039 : memref<2600000x16xf32, #tpu.memory_space<hbm>>) dst(%dma_wait3A_1033 : memref<512x16xf32, #tpu.memory_space<vmem>>)
    %dma_start3A_1042 = arith.constant 0 : i32
    %dma_start3A_1043 = arith.constant 0 : i32
    %dma_start3A_1044 = arith.constant 0 : i32
    %dma_start3A_1045 = arith.constant 0 : i32
    %dma_start3A_1046 = tpu.memref_slice %arg6[%dma_start3A_1042, %dma_start3A_1044, %dma_start3A_1045] : memref<4x512x16xf32, #tpu.memory_space<vmem>> -> memref<1x512x16xf32, #tpu.memory_space<vmem>>
    %dma_start3A_1047 = tpu.memref_squeeze %dma_start3A_1046 : memref<1x512x16xf32, #tpu.memory_space<vmem>> -> memref<512x16xf32, #tpu.memory_space<vmem>>
    %dma_start3A_1048 = arith.constant 256 : i32
    %dma_start3A_1049 = tpu.memref_slice %arg4[%mul3A_2, %dma_start3A_1048] : memref<16384x416xf32, #tpu.memory_space<hbm>> -> memref<512x16xf32, #tpu.memory_space<hbm>>
    %dma_start3A_1050 = tpu.memref_slice %arg8[%dma_start3A_1043] : memref<4x!tpu.dma_semaphore, #tpu.memory_space<semaphore_mem>> -> memref<1x!tpu.dma_semaphore, #tpu.memory_space<semaphore_mem>>
    %dma_start3A_1051 = tpu.memref_squeeze %dma_start3A_1050 : memref<1x!tpu.dma_semaphore, #tpu.memory_space<semaphore_mem>> -> memref<!tpu.dma_semaphore, #tpu.memory_space<semaphore_mem>>
    %dma_start3A_1052 = arith.constant 256 : i32
    %dma_start3A_1053 = tpu.memref_slice %arg4[%mul3A_2, %dma_start3A_1052] : memref<16384x416xf32, #tpu.memory_space<hbm>> -> memref<512x16xf32, #tpu.memory_space<hbm>>
    %dma_start3A_1054 = arith.constant 0 : i32
    %dma_start3A_1055 = arith.constant 0 : i32
    %dma_start3A_1056 = tpu.memref_slice %arg6[%dma_start3A_1042, %dma_start3A_1054, %dma_start3A_1055] : memref<4x512x16xf32, #tpu.memory_space<vmem>> -> memref<1x512x16xf32, #tpu.memory_space<vmem>>
    %dma_start3A_1057 = tpu.memref_squeeze %dma_start3A_1056 : memref<1x512x16xf32, #tpu.memory_space<vmem>> -> memref<512x16xf32, #tpu.memory_space<vmem>>
    tpu.enqueue_dma source(%dma_start3A_1057 : memref<512x16xf32, #tpu.memory_space<vmem>>) target(%dma_start3A_1053 : memref<512x16xf32, #tpu.memory_space<hbm>>) target_semaphore(%dma_start3A_1051 : memref<!tpu.dma_semaphore, #tpu.memory_space<semaphore_mem>>)
    %dma_wait3A_1058 = arith.constant 3 : i32
    %dma_wait3A_1059 = arith.constant 3 : i32
    %dma_wait3A_1060 = arith.constant 0 : i32
    %dma_wait3A_1061 = arith.constant 0 : i32
    %dma_wait3A_1062 = tpu.memref_slice %arg6[%dma_wait3A_1058, %dma_wait3A_1060, %dma_wait3A_1061] : memref<4x512x16xf32, #tpu.memory_space<vmem>> -> memref<1x512x16xf32, #tpu.memory_space<vmem>>
    %dma_wait3A_1063 = tpu.memref_squeeze %dma_wait3A_1062 : memref<1x512x16xf32, #tpu.memory_space<vmem>> -> memref<512x16xf32, #tpu.memory_space<vmem>>
    %dma_wait3A_1064 = arith.constant 240 : i32
    %dma_wait3A_1065 = tpu.memref_slice %arg4[%mul3A_2, %dma_wait3A_1064] : memref<16384x416xf32, #tpu.memory_space<hbm>> -> memref<512x16xf32, #tpu.memory_space<hbm>>
    %dma_wait3A_1066 = tpu.memref_slice %arg8[%dma_wait3A_1059] : memref<4x!tpu.dma_semaphore, #tpu.memory_space<semaphore_mem>> -> memref<1x!tpu.dma_semaphore, #tpu.memory_space<semaphore_mem>>
    %dma_wait3A_1067 = tpu.memref_squeeze %dma_wait3A_1066 : memref<1x!tpu.dma_semaphore, #tpu.memory_space<semaphore_mem>> -> memref<!tpu.dma_semaphore, #tpu.memory_space<semaphore_mem>>
    %dma_wait3A_1068 = arith.constant 240 : i32
    %dma_wait3A_1069 = tpu.memref_slice %arg4[%mul3A_2, %dma_wait3A_1068] : memref<16384x416xf32, #tpu.memory_space<hbm>> -> memref<512x16xf32, #tpu.memory_space<hbm>>
    %dma_wait3A_1070 = arith.constant 0 : i32
    %dma_wait3A_1071 = arith.constant 0 : i32
    %dma_wait3A_1072 = tpu.memref_slice %arg6[%dma_wait3A_1058, %dma_wait3A_1070, %dma_wait3A_1071] : memref<4x512x16xf32, #tpu.memory_space<vmem>> -> memref<1x512x16xf32, #tpu.memory_space<vmem>>
    %dma_wait3A_1073 = tpu.memref_squeeze %dma_wait3A_1072 : memref<1x512x16xf32, #tpu.memory_space<vmem>> -> memref<512x16xf32, #tpu.memory_space<vmem>>
    tpu.wait_dma2 semaphore(%dma_wait3A_1067 : memref<!tpu.dma_semaphore, #tpu.memory_space<semaphore_mem>>) src(%dma_wait3A_1073 : memref<512x16xf32, #tpu.memory_space<vmem>>) dst(%dma_wait3A_1069 : memref<512x16xf32, #tpu.memory_space<hbm>>)
    %dma_start3A_1074 = arith.constant 19 : i32
    %dma_start3A_1075 = arith.constant 3 : i32
    %dma_start3A_1076 = arith.constant 3 : i32
    %dma_start3A_1077 = arith.constant 0 : i32
    %dma_start3A_1078 = arith.constant 0 : i32
    %dma_start3A_1079 = tpu.memref_slice %arg6[%dma_start3A_1075, %dma_start3A_1077, %dma_start3A_1078] : memref<4x512x16xf32, #tpu.memory_space<vmem>> -> memref<1x512x16xf32, #tpu.memory_space<vmem>>
    %dma_start3A_1080 = tpu.memref_squeeze %dma_start3A_1079 : memref<1x512x16xf32, #tpu.memory_space<vmem>> -> memref<512x16xf32, #tpu.memory_space<vmem>>
    %dma_start3A_1081 = arith.constant 0 : i32
    %dma_start3A_1082 = tpu.memref_slice %arg5[%dma_start3A_1074, %dma_start3A_1081] : memref<26x512xi32, #tpu.memory_space<vmem>> -> memref<1x512xi32, #tpu.memory_space<vmem>>
    %dma_start3A_1083 = tpu.memref_squeeze %dma_start3A_1082 : memref<1x512xi32, #tpu.memory_space<vmem>> -> memref<512xi32, #tpu.memory_space<vmem>>
    %dma_start3A_1084 = arith.constant 0 : i32
    %dma_start3A_1085 = arith.constant 0 : i32
    %dma_start3A_1086 = tpu.memref_slice %arg2[%dma_start3A_1084, %dma_start3A_1085] : memref<2600000x16xf32, #tpu.memory_space<hbm>> -> memref<2600000x16xf32, #tpu.memory_space<hbm>>
    %dma_start3A_1087 = tpu.memref_slice %arg7[%dma_start3A_1076] : memref<4x!tpu.dma_semaphore, #tpu.memory_space<semaphore_mem>> -> memref<1x!tpu.dma_semaphore, #tpu.memory_space<semaphore_mem>>
    %dma_start3A_1088 = tpu.memref_squeeze %dma_start3A_1087 : memref<1x!tpu.dma_semaphore, #tpu.memory_space<semaphore_mem>> -> memref<!tpu.dma_semaphore, #tpu.memory_space<semaphore_mem>>
    tpu.enqueue_indirect_dma source(%dma_start3A_1086 : memref<2600000x16xf32, #tpu.memory_space<hbm>>) target(%dma_start3A_1080 : memref<512x16xf32, #tpu.memory_space<vmem>>) offsets(%dma_start3A_1083 : memref<512xi32, #tpu.memory_space<vmem>>) semaphore(%dma_start3A_1088 : memref<!tpu.dma_semaphore, #tpu.memory_space<semaphore_mem>>)
    %dma_wait3A_1089 = arith.constant 17 : i32
    %dma_wait3A_1090 = arith.constant 1 : i32
    %dma_wait3A_1091 = arith.constant 1 : i32
    %dma_wait3A_1092 = arith.constant 0 : i32
    %dma_wait3A_1093 = arith.constant 0 : i32
    %dma_wait3A_1094 = tpu.memref_slice %arg6[%dma_wait3A_1090, %dma_wait3A_1092, %dma_wait3A_1093] : memref<4x512x16xf32, #tpu.memory_space<vmem>> -> memref<1x512x16xf32, #tpu.memory_space<vmem>>
    %dma_wait3A_1095 = tpu.memref_squeeze %dma_wait3A_1094 : memref<1x512x16xf32, #tpu.memory_space<vmem>> -> memref<512x16xf32, #tpu.memory_space<vmem>>
    %dma_wait3A_1096 = arith.constant 0 : i32
    %dma_wait3A_1097 = tpu.memref_slice %arg5[%dma_wait3A_1089, %dma_wait3A_1096] : memref<26x512xi32, #tpu.memory_space<vmem>> -> memref<1x512xi32, #tpu.memory_space<vmem>>
    %dma_wait3A_1098 = tpu.memref_squeeze %dma_wait3A_1097 : memref<1x512xi32, #tpu.memory_space<vmem>> -> memref<512xi32, #tpu.memory_space<vmem>>
    %dma_wait3A_1099 = arith.constant 0 : i32
    %dma_wait3A_1100 = arith.constant 0 : i32
    %dma_wait3A_1101 = tpu.memref_slice %arg2[%dma_wait3A_1099, %dma_wait3A_1100] : memref<2600000x16xf32, #tpu.memory_space<hbm>> -> memref<2600000x16xf32, #tpu.memory_space<hbm>>
    %dma_wait3A_1102 = tpu.memref_slice %arg7[%dma_wait3A_1091] : memref<4x!tpu.dma_semaphore, #tpu.memory_space<semaphore_mem>> -> memref<1x!tpu.dma_semaphore, #tpu.memory_space<semaphore_mem>>
    %dma_wait3A_1103 = tpu.memref_squeeze %dma_wait3A_1102 : memref<1x!tpu.dma_semaphore, #tpu.memory_space<semaphore_mem>> -> memref<!tpu.dma_semaphore, #tpu.memory_space<semaphore_mem>>
    tpu.wait_indirect_dma semaphore(%dma_wait3A_1103 : memref<!tpu.dma_semaphore, #tpu.memory_space<semaphore_mem>>) src(%dma_wait3A_1101 : memref<2600000x16xf32, #tpu.memory_space<hbm>>) dst(%dma_wait3A_1095 : memref<512x16xf32, #tpu.memory_space<vmem>>)
    %dma_start3A_1104 = arith.constant 1 : i32
    %dma_start3A_1105 = arith.constant 1 : i32
    %dma_start3A_1106 = arith.constant 0 : i32
    %dma_start3A_1107 = arith.constant 0 : i32
    %dma_start3A_1108 = tpu.memref_slice %arg6[%dma_start3A_1104, %dma_start3A_1106, %dma_start3A_1107] : memref<4x512x16xf32, #tpu.memory_space<vmem>> -> memref<1x512x16xf32, #tpu.memory_space<vmem>>
    %dma_start3A_1109 = tpu.memref_squeeze %dma_start3A_1108 : memref<1x512x16xf32, #tpu.memory_space<vmem>> -> memref<512x16xf32, #tpu.memory_space<vmem>>
    %dma_start3A_1110 = arith.constant 272 : i32
    %dma_start3A_1111 = tpu.memref_slice %arg4[%mul3A_2, %dma_start3A_1110] : memref<16384x416xf32, #tpu.memory_space<hbm>> -> memref<512x16xf32, #tpu.memory_space<hbm>>
    %dma_start3A_1112 = tpu.memref_slice %arg8[%dma_start3A_1105] : memref<4x!tpu.dma_semaphore, #tpu.memory_space<semaphore_mem>> -> memref<1x!tpu.dma_semaphore, #tpu.memory_space<semaphore_mem>>
    %dma_start3A_1113 = tpu.memref_squeeze %dma_start3A_1112 : memref<1x!tpu.dma_semaphore, #tpu.memory_space<semaphore_mem>> -> memref<!tpu.dma_semaphore, #tpu.memory_space<semaphore_mem>>
    %dma_start3A_1114 = arith.constant 272 : i32
    %dma_start3A_1115 = tpu.memref_slice %arg4[%mul3A_2, %dma_start3A_1114] : memref<16384x416xf32, #tpu.memory_space<hbm>> -> memref<512x16xf32, #tpu.memory_space<hbm>>
    %dma_start3A_1116 = arith.constant 0 : i32
    %dma_start3A_1117 = arith.constant 0 : i32
    %dma_start3A_1118 = tpu.memref_slice %arg6[%dma_start3A_1104, %dma_start3A_1116, %dma_start3A_1117] : memref<4x512x16xf32, #tpu.memory_space<vmem>> -> memref<1x512x16xf32, #tpu.memory_space<vmem>>
    %dma_start3A_1119 = tpu.memref_squeeze %dma_start3A_1118 : memref<1x512x16xf32, #tpu.memory_space<vmem>> -> memref<512x16xf32, #tpu.memory_space<vmem>>
    tpu.enqueue_dma source(%dma_start3A_1119 : memref<512x16xf32, #tpu.memory_space<vmem>>) target(%dma_start3A_1115 : memref<512x16xf32, #tpu.memory_space<hbm>>) target_semaphore(%dma_start3A_1113 : memref<!tpu.dma_semaphore, #tpu.memory_space<semaphore_mem>>)
    %dma_wait3A_1120 = arith.constant 0 : i32
    %dma_wait3A_1121 = arith.constant 0 : i32
    %dma_wait3A_1122 = arith.constant 0 : i32
    %dma_wait3A_1123 = arith.constant 0 : i32
    %dma_wait3A_1124 = tpu.memref_slice %arg6[%dma_wait3A_1120, %dma_wait3A_1122, %dma_wait3A_1123] : memref<4x512x16xf32, #tpu.memory_space<vmem>> -> memref<1x512x16xf32, #tpu.memory_space<vmem>>
    %dma_wait3A_1125 = tpu.memref_squeeze %dma_wait3A_1124 : memref<1x512x16xf32, #tpu.memory_space<vmem>> -> memref<512x16xf32, #tpu.memory_space<vmem>>
    %dma_wait3A_1126 = arith.constant 256 : i32
    %dma_wait3A_1127 = tpu.memref_slice %arg4[%mul3A_2, %dma_wait3A_1126] : memref<16384x416xf32, #tpu.memory_space<hbm>> -> memref<512x16xf32, #tpu.memory_space<hbm>>
    %dma_wait3A_1128 = tpu.memref_slice %arg8[%dma_wait3A_1121] : memref<4x!tpu.dma_semaphore, #tpu.memory_space<semaphore_mem>> -> memref<1x!tpu.dma_semaphore, #tpu.memory_space<semaphore_mem>>
    %dma_wait3A_1129 = tpu.memref_squeeze %dma_wait3A_1128 : memref<1x!tpu.dma_semaphore, #tpu.memory_space<semaphore_mem>> -> memref<!tpu.dma_semaphore, #tpu.memory_space<semaphore_mem>>
    %dma_wait3A_1130 = arith.constant 256 : i32
    %dma_wait3A_1131 = tpu.memref_slice %arg4[%mul3A_2, %dma_wait3A_1130] : memref<16384x416xf32, #tpu.memory_space<hbm>> -> memref<512x16xf32, #tpu.memory_space<hbm>>
    %dma_wait3A_1132 = arith.constant 0 : i32
    %dma_wait3A_1133 = arith.constant 0 : i32
    %dma_wait3A_1134 = tpu.memref_slice %arg6[%dma_wait3A_1120, %dma_wait3A_1132, %dma_wait3A_1133] : memref<4x512x16xf32, #tpu.memory_space<vmem>> -> memref<1x512x16xf32, #tpu.memory_space<vmem>>
    %dma_wait3A_1135 = tpu.memref_squeeze %dma_wait3A_1134 : memref<1x512x16xf32, #tpu.memory_space<vmem>> -> memref<512x16xf32, #tpu.memory_space<vmem>>
    tpu.wait_dma2 semaphore(%dma_wait3A_1129 : memref<!tpu.dma_semaphore, #tpu.memory_space<semaphore_mem>>) src(%dma_wait3A_1135 : memref<512x16xf32, #tpu.memory_space<vmem>>) dst(%dma_wait3A_1131 : memref<512x16xf32, #tpu.memory_space<hbm>>)
    %dma_start3A_1136 = arith.constant 20 : i32
    %dma_start3A_1137 = arith.constant 0 : i32
    %dma_start3A_1138 = arith.constant 0 : i32
    %dma_start3A_1139 = arith.constant 0 : i32
    %dma_start3A_1140 = arith.constant 0 : i32
    %dma_start3A_1141 = tpu.memref_slice %arg6[%dma_start3A_1137, %dma_start3A_1139, %dma_start3A_1140] : memref<4x512x16xf32, #tpu.memory_space<vmem>> -> memref<1x512x16xf32, #tpu.memory_space<vmem>>
    %dma_start3A_1142 = tpu.memref_squeeze %dma_start3A_1141 : memref<1x512x16xf32, #tpu.memory_space<vmem>> -> memref<512x16xf32, #tpu.memory_space<vmem>>
    %dma_start3A_1143 = arith.constant 0 : i32
    %dma_start3A_1144 = tpu.memref_slice %arg5[%dma_start3A_1136, %dma_start3A_1143] : memref<26x512xi32, #tpu.memory_space<vmem>> -> memref<1x512xi32, #tpu.memory_space<vmem>>
    %dma_start3A_1145 = tpu.memref_squeeze %dma_start3A_1144 : memref<1x512xi32, #tpu.memory_space<vmem>> -> memref<512xi32, #tpu.memory_space<vmem>>
    %dma_start3A_1146 = arith.constant 0 : i32
    %dma_start3A_1147 = arith.constant 0 : i32
    %dma_start3A_1148 = tpu.memref_slice %arg2[%dma_start3A_1146, %dma_start3A_1147] : memref<2600000x16xf32, #tpu.memory_space<hbm>> -> memref<2600000x16xf32, #tpu.memory_space<hbm>>
    %dma_start3A_1149 = tpu.memref_slice %arg7[%dma_start3A_1138] : memref<4x!tpu.dma_semaphore, #tpu.memory_space<semaphore_mem>> -> memref<1x!tpu.dma_semaphore, #tpu.memory_space<semaphore_mem>>
    %dma_start3A_1150 = tpu.memref_squeeze %dma_start3A_1149 : memref<1x!tpu.dma_semaphore, #tpu.memory_space<semaphore_mem>> -> memref<!tpu.dma_semaphore, #tpu.memory_space<semaphore_mem>>
    tpu.enqueue_indirect_dma source(%dma_start3A_1148 : memref<2600000x16xf32, #tpu.memory_space<hbm>>) target(%dma_start3A_1142 : memref<512x16xf32, #tpu.memory_space<vmem>>) offsets(%dma_start3A_1145 : memref<512xi32, #tpu.memory_space<vmem>>) semaphore(%dma_start3A_1150 : memref<!tpu.dma_semaphore, #tpu.memory_space<semaphore_mem>>)
    %dma_wait3A_1151 = arith.constant 18 : i32
    %dma_wait3A_1152 = arith.constant 2 : i32
    %dma_wait3A_1153 = arith.constant 2 : i32
    %dma_wait3A_1154 = arith.constant 0 : i32
    %dma_wait3A_1155 = arith.constant 0 : i32
    %dma_wait3A_1156 = tpu.memref_slice %arg6[%dma_wait3A_1152, %dma_wait3A_1154, %dma_wait3A_1155] : memref<4x512x16xf32, #tpu.memory_space<vmem>> -> memref<1x512x16xf32, #tpu.memory_space<vmem>>
    %dma_wait3A_1157 = tpu.memref_squeeze %dma_wait3A_1156 : memref<1x512x16xf32, #tpu.memory_space<vmem>> -> memref<512x16xf32, #tpu.memory_space<vmem>>
    %dma_wait3A_1158 = arith.constant 0 : i32
    %dma_wait3A_1159 = tpu.memref_slice %arg5[%dma_wait3A_1151, %dma_wait3A_1158] : memref<26x512xi32, #tpu.memory_space<vmem>> -> memref<1x512xi32, #tpu.memory_space<vmem>>
    %dma_wait3A_1160 = tpu.memref_squeeze %dma_wait3A_1159 : memref<1x512xi32, #tpu.memory_space<vmem>> -> memref<512xi32, #tpu.memory_space<vmem>>
    %dma_wait3A_1161 = arith.constant 0 : i32
    %dma_wait3A_1162 = arith.constant 0 : i32
    %dma_wait3A_1163 = tpu.memref_slice %arg2[%dma_wait3A_1161, %dma_wait3A_1162] : memref<2600000x16xf32, #tpu.memory_space<hbm>> -> memref<2600000x16xf32, #tpu.memory_space<hbm>>
    %dma_wait3A_1164 = tpu.memref_slice %arg7[%dma_wait3A_1153] : memref<4x!tpu.dma_semaphore, #tpu.memory_space<semaphore_mem>> -> memref<1x!tpu.dma_semaphore, #tpu.memory_space<semaphore_mem>>
    %dma_wait3A_1165 = tpu.memref_squeeze %dma_wait3A_1164 : memref<1x!tpu.dma_semaphore, #tpu.memory_space<semaphore_mem>> -> memref<!tpu.dma_semaphore, #tpu.memory_space<semaphore_mem>>
    tpu.wait_indirect_dma semaphore(%dma_wait3A_1165 : memref<!tpu.dma_semaphore, #tpu.memory_space<semaphore_mem>>) src(%dma_wait3A_1163 : memref<2600000x16xf32, #tpu.memory_space<hbm>>) dst(%dma_wait3A_1157 : memref<512x16xf32, #tpu.memory_space<vmem>>)
    %dma_start3A_1166 = arith.constant 2 : i32
    %dma_start3A_1167 = arith.constant 2 : i32
    %dma_start3A_1168 = arith.constant 0 : i32
    %dma_start3A_1169 = arith.constant 0 : i32
    %dma_start3A_1170 = tpu.memref_slice %arg6[%dma_start3A_1166, %dma_start3A_1168, %dma_start3A_1169] : memref<4x512x16xf32, #tpu.memory_space<vmem>> -> memref<1x512x16xf32, #tpu.memory_space<vmem>>
    %dma_start3A_1171 = tpu.memref_squeeze %dma_start3A_1170 : memref<1x512x16xf32, #tpu.memory_space<vmem>> -> memref<512x16xf32, #tpu.memory_space<vmem>>
    %dma_start3A_1172 = arith.constant 288 : i32
    %dma_start3A_1173 = tpu.memref_slice %arg4[%mul3A_2, %dma_start3A_1172] : memref<16384x416xf32, #tpu.memory_space<hbm>> -> memref<512x16xf32, #tpu.memory_space<hbm>>
    %dma_start3A_1174 = tpu.memref_slice %arg8[%dma_start3A_1167] : memref<4x!tpu.dma_semaphore, #tpu.memory_space<semaphore_mem>> -> memref<1x!tpu.dma_semaphore, #tpu.memory_space<semaphore_mem>>
    %dma_start3A_1175 = tpu.memref_squeeze %dma_start3A_1174 : memref<1x!tpu.dma_semaphore, #tpu.memory_space<semaphore_mem>> -> memref<!tpu.dma_semaphore, #tpu.memory_space<semaphore_mem>>
    %dma_start3A_1176 = arith.constant 288 : i32
    %dma_start3A_1177 = tpu.memref_slice %arg4[%mul3A_2, %dma_start3A_1176] : memref<16384x416xf32, #tpu.memory_space<hbm>> -> memref<512x16xf32, #tpu.memory_space<hbm>>
    %dma_start3A_1178 = arith.constant 0 : i32
    %dma_start3A_1179 = arith.constant 0 : i32
    %dma_start3A_1180 = tpu.memref_slice %arg6[%dma_start3A_1166, %dma_start3A_1178, %dma_start3A_1179] : memref<4x512x16xf32, #tpu.memory_space<vmem>> -> memref<1x512x16xf32, #tpu.memory_space<vmem>>
    %dma_start3A_1181 = tpu.memref_squeeze %dma_start3A_1180 : memref<1x512x16xf32, #tpu.memory_space<vmem>> -> memref<512x16xf32, #tpu.memory_space<vmem>>
    tpu.enqueue_dma source(%dma_start3A_1181 : memref<512x16xf32, #tpu.memory_space<vmem>>) target(%dma_start3A_1177 : memref<512x16xf32, #tpu.memory_space<hbm>>) target_semaphore(%dma_start3A_1175 : memref<!tpu.dma_semaphore, #tpu.memory_space<semaphore_mem>>)
    %dma_wait3A_1182 = arith.constant 1 : i32
    %dma_wait3A_1183 = arith.constant 1 : i32
    %dma_wait3A_1184 = arith.constant 0 : i32
    %dma_wait3A_1185 = arith.constant 0 : i32
    %dma_wait3A_1186 = tpu.memref_slice %arg6[%dma_wait3A_1182, %dma_wait3A_1184, %dma_wait3A_1185] : memref<4x512x16xf32, #tpu.memory_space<vmem>> -> memref<1x512x16xf32, #tpu.memory_space<vmem>>
    %dma_wait3A_1187 = tpu.memref_squeeze %dma_wait3A_1186 : memref<1x512x16xf32, #tpu.memory_space<vmem>> -> memref<512x16xf32, #tpu.memory_space<vmem>>
    %dma_wait3A_1188 = arith.constant 272 : i32
    %dma_wait3A_1189 = tpu.memref_slice %arg4[%mul3A_2, %dma_wait3A_1188] : memref<16384x416xf32, #tpu.memory_space<hbm>> -> memref<512x16xf32, #tpu.memory_space<hbm>>
    %dma_wait3A_1190 = tpu.memref_slice %arg8[%dma_wait3A_1183] : memref<4x!tpu.dma_semaphore, #tpu.memory_space<semaphore_mem>> -> memref<1x!tpu.dma_semaphore, #tpu.memory_space<semaphore_mem>>
    %dma_wait3A_1191 = tpu.memref_squeeze %dma_wait3A_1190 : memref<1x!tpu.dma_semaphore, #tpu.memory_space<semaphore_mem>> -> memref<!tpu.dma_semaphore, #tpu.memory_space<semaphore_mem>>
    %dma_wait3A_1192 = arith.constant 272 : i32
    %dma_wait3A_1193 = tpu.memref_slice %arg4[%mul3A_2, %dma_wait3A_1192] : memref<16384x416xf32, #tpu.memory_space<hbm>> -> memref<512x16xf32, #tpu.memory_space<hbm>>
    %dma_wait3A_1194 = arith.constant 0 : i32
    %dma_wait3A_1195 = arith.constant 0 : i32
    %dma_wait3A_1196 = tpu.memref_slice %arg6[%dma_wait3A_1182, %dma_wait3A_1194, %dma_wait3A_1195] : memref<4x512x16xf32, #tpu.memory_space<vmem>> -> memref<1x512x16xf32, #tpu.memory_space<vmem>>
    %dma_wait3A_1197 = tpu.memref_squeeze %dma_wait3A_1196 : memref<1x512x16xf32, #tpu.memory_space<vmem>> -> memref<512x16xf32, #tpu.memory_space<vmem>>
    tpu.wait_dma2 semaphore(%dma_wait3A_1191 : memref<!tpu.dma_semaphore, #tpu.memory_space<semaphore_mem>>) src(%dma_wait3A_1197 : memref<512x16xf32, #tpu.memory_space<vmem>>) dst(%dma_wait3A_1193 : memref<512x16xf32, #tpu.memory_space<hbm>>)
    %dma_start3A_1198 = arith.constant 21 : i32
    %dma_start3A_1199 = arith.constant 1 : i32
    %dma_start3A_1200 = arith.constant 1 : i32
    %dma_start3A_1201 = arith.constant 0 : i32
    %dma_start3A_1202 = arith.constant 0 : i32
    %dma_start3A_1203 = tpu.memref_slice %arg6[%dma_start3A_1199, %dma_start3A_1201, %dma_start3A_1202] : memref<4x512x16xf32, #tpu.memory_space<vmem>> -> memref<1x512x16xf32, #tpu.memory_space<vmem>>
    %dma_start3A_1204 = tpu.memref_squeeze %dma_start3A_1203 : memref<1x512x16xf32, #tpu.memory_space<vmem>> -> memref<512x16xf32, #tpu.memory_space<vmem>>
    %dma_start3A_1205 = arith.constant 0 : i32
    %dma_start3A_1206 = tpu.memref_slice %arg5[%dma_start3A_1198, %dma_start3A_1205] : memref<26x512xi32, #tpu.memory_space<vmem>> -> memref<1x512xi32, #tpu.memory_space<vmem>>
    %dma_start3A_1207 = tpu.memref_squeeze %dma_start3A_1206 : memref<1x512xi32, #tpu.memory_space<vmem>> -> memref<512xi32, #tpu.memory_space<vmem>>
    %dma_start3A_1208 = arith.constant 0 : i32
    %dma_start3A_1209 = arith.constant 0 : i32
    %dma_start3A_1210 = tpu.memref_slice %arg2[%dma_start3A_1208, %dma_start3A_1209] : memref<2600000x16xf32, #tpu.memory_space<hbm>> -> memref<2600000x16xf32, #tpu.memory_space<hbm>>
    %dma_start3A_1211 = tpu.memref_slice %arg7[%dma_start3A_1200] : memref<4x!tpu.dma_semaphore, #tpu.memory_space<semaphore_mem>> -> memref<1x!tpu.dma_semaphore, #tpu.memory_space<semaphore_mem>>
    %dma_start3A_1212 = tpu.memref_squeeze %dma_start3A_1211 : memref<1x!tpu.dma_semaphore, #tpu.memory_space<semaphore_mem>> -> memref<!tpu.dma_semaphore, #tpu.memory_space<semaphore_mem>>
    tpu.enqueue_indirect_dma source(%dma_start3A_1210 : memref<2600000x16xf32, #tpu.memory_space<hbm>>) target(%dma_start3A_1204 : memref<512x16xf32, #tpu.memory_space<vmem>>) offsets(%dma_start3A_1207 : memref<512xi32, #tpu.memory_space<vmem>>) semaphore(%dma_start3A_1212 : memref<!tpu.dma_semaphore, #tpu.memory_space<semaphore_mem>>)
    %dma_wait3A_1213 = arith.constant 19 : i32
    %dma_wait3A_1214 = arith.constant 3 : i32
    %dma_wait3A_1215 = arith.constant 3 : i32
    %dma_wait3A_1216 = arith.constant 0 : i32
    %dma_wait3A_1217 = arith.constant 0 : i32
    %dma_wait3A_1218 = tpu.memref_slice %arg6[%dma_wait3A_1214, %dma_wait3A_1216, %dma_wait3A_1217] : memref<4x512x16xf32, #tpu.memory_space<vmem>> -> memref<1x512x16xf32, #tpu.memory_space<vmem>>
    %dma_wait3A_1219 = tpu.memref_squeeze %dma_wait3A_1218 : memref<1x512x16xf32, #tpu.memory_space<vmem>> -> memref<512x16xf32, #tpu.memory_space<vmem>>
    %dma_wait3A_1220 = arith.constant 0 : i32
    %dma_wait3A_1221 = tpu.memref_slice %arg5[%dma_wait3A_1213, %dma_wait3A_1220] : memref<26x512xi32, #tpu.memory_space<vmem>> -> memref<1x512xi32, #tpu.memory_space<vmem>>
    %dma_wait3A_1222 = tpu.memref_squeeze %dma_wait3A_1221 : memref<1x512xi32, #tpu.memory_space<vmem>> -> memref<512xi32, #tpu.memory_space<vmem>>
    %dma_wait3A_1223 = arith.constant 0 : i32
    %dma_wait3A_1224 = arith.constant 0 : i32
    %dma_wait3A_1225 = tpu.memref_slice %arg2[%dma_wait3A_1223, %dma_wait3A_1224] : memref<2600000x16xf32, #tpu.memory_space<hbm>> -> memref<2600000x16xf32, #tpu.memory_space<hbm>>
    %dma_wait3A_1226 = tpu.memref_slice %arg7[%dma_wait3A_1215] : memref<4x!tpu.dma_semaphore, #tpu.memory_space<semaphore_mem>> -> memref<1x!tpu.dma_semaphore, #tpu.memory_space<semaphore_mem>>
    %dma_wait3A_1227 = tpu.memref_squeeze %dma_wait3A_1226 : memref<1x!tpu.dma_semaphore, #tpu.memory_space<semaphore_mem>> -> memref<!tpu.dma_semaphore, #tpu.memory_space<semaphore_mem>>
    tpu.wait_indirect_dma semaphore(%dma_wait3A_1227 : memref<!tpu.dma_semaphore, #tpu.memory_space<semaphore_mem>>) src(%dma_wait3A_1225 : memref<2600000x16xf32, #tpu.memory_space<hbm>>) dst(%dma_wait3A_1219 : memref<512x16xf32, #tpu.memory_space<vmem>>)
    %dma_start3A_1228 = arith.constant 3 : i32
    %dma_start3A_1229 = arith.constant 3 : i32
    %dma_start3A_1230 = arith.constant 0 : i32
    %dma_start3A_1231 = arith.constant 0 : i32
    %dma_start3A_1232 = tpu.memref_slice %arg6[%dma_start3A_1228, %dma_start3A_1230, %dma_start3A_1231] : memref<4x512x16xf32, #tpu.memory_space<vmem>> -> memref<1x512x16xf32, #tpu.memory_space<vmem>>
    %dma_start3A_1233 = tpu.memref_squeeze %dma_start3A_1232 : memref<1x512x16xf32, #tpu.memory_space<vmem>> -> memref<512x16xf32, #tpu.memory_space<vmem>>
    %dma_start3A_1234 = arith.constant 304 : i32
    %dma_start3A_1235 = tpu.memref_slice %arg4[%mul3A_2, %dma_start3A_1234] : memref<16384x416xf32, #tpu.memory_space<hbm>> -> memref<512x16xf32, #tpu.memory_space<hbm>>
    %dma_start3A_1236 = tpu.memref_slice %arg8[%dma_start3A_1229] : memref<4x!tpu.dma_semaphore, #tpu.memory_space<semaphore_mem>> -> memref<1x!tpu.dma_semaphore, #tpu.memory_space<semaphore_mem>>
    %dma_start3A_1237 = tpu.memref_squeeze %dma_start3A_1236 : memref<1x!tpu.dma_semaphore, #tpu.memory_space<semaphore_mem>> -> memref<!tpu.dma_semaphore, #tpu.memory_space<semaphore_mem>>
    %dma_start3A_1238 = arith.constant 304 : i32
    %dma_start3A_1239 = tpu.memref_slice %arg4[%mul3A_2, %dma_start3A_1238] : memref<16384x416xf32, #tpu.memory_space<hbm>> -> memref<512x16xf32, #tpu.memory_space<hbm>>
    %dma_start3A_1240 = arith.constant 0 : i32
    %dma_start3A_1241 = arith.constant 0 : i32
    %dma_start3A_1242 = tpu.memref_slice %arg6[%dma_start3A_1228, %dma_start3A_1240, %dma_start3A_1241] : memref<4x512x16xf32, #tpu.memory_space<vmem>> -> memref<1x512x16xf32, #tpu.memory_space<vmem>>
    %dma_start3A_1243 = tpu.memref_squeeze %dma_start3A_1242 : memref<1x512x16xf32, #tpu.memory_space<vmem>> -> memref<512x16xf32, #tpu.memory_space<vmem>>
    tpu.enqueue_dma source(%dma_start3A_1243 : memref<512x16xf32, #tpu.memory_space<vmem>>) target(%dma_start3A_1239 : memref<512x16xf32, #tpu.memory_space<hbm>>) target_semaphore(%dma_start3A_1237 : memref<!tpu.dma_semaphore, #tpu.memory_space<semaphore_mem>>)
    %dma_wait3A_1244 = arith.constant 2 : i32
    %dma_wait3A_1245 = arith.constant 2 : i32
    %dma_wait3A_1246 = arith.constant 0 : i32
    %dma_wait3A_1247 = arith.constant 0 : i32
    %dma_wait3A_1248 = tpu.memref_slice %arg6[%dma_wait3A_1244, %dma_wait3A_1246, %dma_wait3A_1247] : memref<4x512x16xf32, #tpu.memory_space<vmem>> -> memref<1x512x16xf32, #tpu.memory_space<vmem>>
    %dma_wait3A_1249 = tpu.memref_squeeze %dma_wait3A_1248 : memref<1x512x16xf32, #tpu.memory_space<vmem>> -> memref<512x16xf32, #tpu.memory_space<vmem>>
    %dma_wait3A_1250 = arith.constant 288 : i32
    %dma_wait3A_1251 = tpu.memref_slice %arg4[%mul3A_2, %dma_wait3A_1250] : memref<16384x416xf32, #tpu.memory_space<hbm>> -> memref<512x16xf32, #tpu.memory_space<hbm>>
    %dma_wait3A_1252 = tpu.memref_slice %arg8[%dma_wait3A_1245] : memref<4x!tpu.dma_semaphore, #tpu.memory_space<semaphore_mem>> -> memref<1x!tpu.dma_semaphore, #tpu.memory_space<semaphore_mem>>
    %dma_wait3A_1253 = tpu.memref_squeeze %dma_wait3A_1252 : memref<1x!tpu.dma_semaphore, #tpu.memory_space<semaphore_mem>> -> memref<!tpu.dma_semaphore, #tpu.memory_space<semaphore_mem>>
    %dma_wait3A_1254 = arith.constant 288 : i32
    %dma_wait3A_1255 = tpu.memref_slice %arg4[%mul3A_2, %dma_wait3A_1254] : memref<16384x416xf32, #tpu.memory_space<hbm>> -> memref<512x16xf32, #tpu.memory_space<hbm>>
    %dma_wait3A_1256 = arith.constant 0 : i32
    %dma_wait3A_1257 = arith.constant 0 : i32
    %dma_wait3A_1258 = tpu.memref_slice %arg6[%dma_wait3A_1244, %dma_wait3A_1256, %dma_wait3A_1257] : memref<4x512x16xf32, #tpu.memory_space<vmem>> -> memref<1x512x16xf32, #tpu.memory_space<vmem>>
    %dma_wait3A_1259 = tpu.memref_squeeze %dma_wait3A_1258 : memref<1x512x16xf32, #tpu.memory_space<vmem>> -> memref<512x16xf32, #tpu.memory_space<vmem>>
    tpu.wait_dma2 semaphore(%dma_wait3A_1253 : memref<!tpu.dma_semaphore, #tpu.memory_space<semaphore_mem>>) src(%dma_wait3A_1259 : memref<512x16xf32, #tpu.memory_space<vmem>>) dst(%dma_wait3A_1255 : memref<512x16xf32, #tpu.memory_space<hbm>>)
    %dma_start3A_1260 = arith.constant 22 : i32
    %dma_start3A_1261 = arith.constant 2 : i32
    %dma_start3A_1262 = arith.constant 2 : i32
    %dma_start3A_1263 = arith.constant 0 : i32
    %dma_start3A_1264 = arith.constant 0 : i32
    %dma_start3A_1265 = tpu.memref_slice %arg6[%dma_start3A_1261, %dma_start3A_1263, %dma_start3A_1264] : memref<4x512x16xf32, #tpu.memory_space<vmem>> -> memref<1x512x16xf32, #tpu.memory_space<vmem>>
    %dma_start3A_1266 = tpu.memref_squeeze %dma_start3A_1265 : memref<1x512x16xf32, #tpu.memory_space<vmem>> -> memref<512x16xf32, #tpu.memory_space<vmem>>
    %dma_start3A_1267 = arith.constant 0 : i32
    %dma_start3A_1268 = tpu.memref_slice %arg5[%dma_start3A_1260, %dma_start3A_1267] : memref<26x512xi32, #tpu.memory_space<vmem>> -> memref<1x512xi32, #tpu.memory_space<vmem>>
    %dma_start3A_1269 = tpu.memref_squeeze %dma_start3A_1268 : memref<1x512xi32, #tpu.memory_space<vmem>> -> memref<512xi32, #tpu.memory_space<vmem>>
    %dma_start3A_1270 = arith.constant 0 : i32
    %dma_start3A_1271 = arith.constant 0 : i32
    %dma_start3A_1272 = tpu.memref_slice %arg2[%dma_start3A_1270, %dma_start3A_1271] : memref<2600000x16xf32, #tpu.memory_space<hbm>> -> memref<2600000x16xf32, #tpu.memory_space<hbm>>
    %dma_start3A_1273 = tpu.memref_slice %arg7[%dma_start3A_1262] : memref<4x!tpu.dma_semaphore, #tpu.memory_space<semaphore_mem>> -> memref<1x!tpu.dma_semaphore, #tpu.memory_space<semaphore_mem>>
    %dma_start3A_1274 = tpu.memref_squeeze %dma_start3A_1273 : memref<1x!tpu.dma_semaphore, #tpu.memory_space<semaphore_mem>> -> memref<!tpu.dma_semaphore, #tpu.memory_space<semaphore_mem>>
    tpu.enqueue_indirect_dma source(%dma_start3A_1272 : memref<2600000x16xf32, #tpu.memory_space<hbm>>) target(%dma_start3A_1266 : memref<512x16xf32, #tpu.memory_space<vmem>>) offsets(%dma_start3A_1269 : memref<512xi32, #tpu.memory_space<vmem>>) semaphore(%dma_start3A_1274 : memref<!tpu.dma_semaphore, #tpu.memory_space<semaphore_mem>>)
    %dma_wait3A_1275 = arith.constant 20 : i32
    %dma_wait3A_1276 = arith.constant 0 : i32
    %dma_wait3A_1277 = arith.constant 0 : i32
    %dma_wait3A_1278 = arith.constant 0 : i32
    %dma_wait3A_1279 = arith.constant 0 : i32
    %dma_wait3A_1280 = tpu.memref_slice %arg6[%dma_wait3A_1276, %dma_wait3A_1278, %dma_wait3A_1279] : memref<4x512x16xf32, #tpu.memory_space<vmem>> -> memref<1x512x16xf32, #tpu.memory_space<vmem>>
    %dma_wait3A_1281 = tpu.memref_squeeze %dma_wait3A_1280 : memref<1x512x16xf32, #tpu.memory_space<vmem>> -> memref<512x16xf32, #tpu.memory_space<vmem>>
    %dma_wait3A_1282 = arith.constant 0 : i32
    %dma_wait3A_1283 = tpu.memref_slice %arg5[%dma_wait3A_1275, %dma_wait3A_1282] : memref<26x512xi32, #tpu.memory_space<vmem>> -> memref<1x512xi32, #tpu.memory_space<vmem>>
    %dma_wait3A_1284 = tpu.memref_squeeze %dma_wait3A_1283 : memref<1x512xi32, #tpu.memory_space<vmem>> -> memref<512xi32, #tpu.memory_space<vmem>>
    %dma_wait3A_1285 = arith.constant 0 : i32
    %dma_wait3A_1286 = arith.constant 0 : i32
    %dma_wait3A_1287 = tpu.memref_slice %arg2[%dma_wait3A_1285, %dma_wait3A_1286] : memref<2600000x16xf32, #tpu.memory_space<hbm>> -> memref<2600000x16xf32, #tpu.memory_space<hbm>>
    %dma_wait3A_1288 = tpu.memref_slice %arg7[%dma_wait3A_1277] : memref<4x!tpu.dma_semaphore, #tpu.memory_space<semaphore_mem>> -> memref<1x!tpu.dma_semaphore, #tpu.memory_space<semaphore_mem>>
    %dma_wait3A_1289 = tpu.memref_squeeze %dma_wait3A_1288 : memref<1x!tpu.dma_semaphore, #tpu.memory_space<semaphore_mem>> -> memref<!tpu.dma_semaphore, #tpu.memory_space<semaphore_mem>>
    tpu.wait_indirect_dma semaphore(%dma_wait3A_1289 : memref<!tpu.dma_semaphore, #tpu.memory_space<semaphore_mem>>) src(%dma_wait3A_1287 : memref<2600000x16xf32, #tpu.memory_space<hbm>>) dst(%dma_wait3A_1281 : memref<512x16xf32, #tpu.memory_space<vmem>>)
    %dma_start3A_1290 = arith.constant 0 : i32
    %dma_start3A_1291 = arith.constant 0 : i32
    %dma_start3A_1292 = arith.constant 0 : i32
    %dma_start3A_1293 = arith.constant 0 : i32
    %dma_start3A_1294 = tpu.memref_slice %arg6[%dma_start3A_1290, %dma_start3A_1292, %dma_start3A_1293] : memref<4x512x16xf32, #tpu.memory_space<vmem>> -> memref<1x512x16xf32, #tpu.memory_space<vmem>>
    %dma_start3A_1295 = tpu.memref_squeeze %dma_start3A_1294 : memref<1x512x16xf32, #tpu.memory_space<vmem>> -> memref<512x16xf32, #tpu.memory_space<vmem>>
    %dma_start3A_1296 = arith.constant 320 : i32
    %dma_start3A_1297 = tpu.memref_slice %arg4[%mul3A_2, %dma_start3A_1296] : memref<16384x416xf32, #tpu.memory_space<hbm>> -> memref<512x16xf32, #tpu.memory_space<hbm>>
    %dma_start3A_1298 = tpu.memref_slice %arg8[%dma_start3A_1291] : memref<4x!tpu.dma_semaphore, #tpu.memory_space<semaphore_mem>> -> memref<1x!tpu.dma_semaphore, #tpu.memory_space<semaphore_mem>>
    %dma_start3A_1299 = tpu.memref_squeeze %dma_start3A_1298 : memref<1x!tpu.dma_semaphore, #tpu.memory_space<semaphore_mem>> -> memref<!tpu.dma_semaphore, #tpu.memory_space<semaphore_mem>>
    %dma_start3A_1300 = arith.constant 320 : i32
    %dma_start3A_1301 = tpu.memref_slice %arg4[%mul3A_2, %dma_start3A_1300] : memref<16384x416xf32, #tpu.memory_space<hbm>> -> memref<512x16xf32, #tpu.memory_space<hbm>>
    %dma_start3A_1302 = arith.constant 0 : i32
    %dma_start3A_1303 = arith.constant 0 : i32
    %dma_start3A_1304 = tpu.memref_slice %arg6[%dma_start3A_1290, %dma_start3A_1302, %dma_start3A_1303] : memref<4x512x16xf32, #tpu.memory_space<vmem>> -> memref<1x512x16xf32, #tpu.memory_space<vmem>>
    %dma_start3A_1305 = tpu.memref_squeeze %dma_start3A_1304 : memref<1x512x16xf32, #tpu.memory_space<vmem>> -> memref<512x16xf32, #tpu.memory_space<vmem>>
    tpu.enqueue_dma source(%dma_start3A_1305 : memref<512x16xf32, #tpu.memory_space<vmem>>) target(%dma_start3A_1301 : memref<512x16xf32, #tpu.memory_space<hbm>>) target_semaphore(%dma_start3A_1299 : memref<!tpu.dma_semaphore, #tpu.memory_space<semaphore_mem>>)
    %dma_wait3A_1306 = arith.constant 3 : i32
    %dma_wait3A_1307 = arith.constant 3 : i32
    %dma_wait3A_1308 = arith.constant 0 : i32
    %dma_wait3A_1309 = arith.constant 0 : i32
    %dma_wait3A_1310 = tpu.memref_slice %arg6[%dma_wait3A_1306, %dma_wait3A_1308, %dma_wait3A_1309] : memref<4x512x16xf32, #tpu.memory_space<vmem>> -> memref<1x512x16xf32, #tpu.memory_space<vmem>>
    %dma_wait3A_1311 = tpu.memref_squeeze %dma_wait3A_1310 : memref<1x512x16xf32, #tpu.memory_space<vmem>> -> memref<512x16xf32, #tpu.memory_space<vmem>>
    %dma_wait3A_1312 = arith.constant 304 : i32
    %dma_wait3A_1313 = tpu.memref_slice %arg4[%mul3A_2, %dma_wait3A_1312] : memref<16384x416xf32, #tpu.memory_space<hbm>> -> memref<512x16xf32, #tpu.memory_space<hbm>>
    %dma_wait3A_1314 = tpu.memref_slice %arg8[%dma_wait3A_1307] : memref<4x!tpu.dma_semaphore, #tpu.memory_space<semaphore_mem>> -> memref<1x!tpu.dma_semaphore, #tpu.memory_space<semaphore_mem>>
    %dma_wait3A_1315 = tpu.memref_squeeze %dma_wait3A_1314 : memref<1x!tpu.dma_semaphore, #tpu.memory_space<semaphore_mem>> -> memref<!tpu.dma_semaphore, #tpu.memory_space<semaphore_mem>>
    %dma_wait3A_1316 = arith.constant 304 : i32
    %dma_wait3A_1317 = tpu.memref_slice %arg4[%mul3A_2, %dma_wait3A_1316] : memref<16384x416xf32, #tpu.memory_space<hbm>> -> memref<512x16xf32, #tpu.memory_space<hbm>>
    %dma_wait3A_1318 = arith.constant 0 : i32
    %dma_wait3A_1319 = arith.constant 0 : i32
    %dma_wait3A_1320 = tpu.memref_slice %arg6[%dma_wait3A_1306, %dma_wait3A_1318, %dma_wait3A_1319] : memref<4x512x16xf32, #tpu.memory_space<vmem>> -> memref<1x512x16xf32, #tpu.memory_space<vmem>>
    %dma_wait3A_1321 = tpu.memref_squeeze %dma_wait3A_1320 : memref<1x512x16xf32, #tpu.memory_space<vmem>> -> memref<512x16xf32, #tpu.memory_space<vmem>>
    tpu.wait_dma2 semaphore(%dma_wait3A_1315 : memref<!tpu.dma_semaphore, #tpu.memory_space<semaphore_mem>>) src(%dma_wait3A_1321 : memref<512x16xf32, #tpu.memory_space<vmem>>) dst(%dma_wait3A_1317 : memref<512x16xf32, #tpu.memory_space<hbm>>)
    %dma_start3A_1322 = arith.constant 23 : i32
    %dma_start3A_1323 = arith.constant 3 : i32
    %dma_start3A_1324 = arith.constant 3 : i32
    %dma_start3A_1325 = arith.constant 0 : i32
    %dma_start3A_1326 = arith.constant 0 : i32
    %dma_start3A_1327 = tpu.memref_slice %arg6[%dma_start3A_1323, %dma_start3A_1325, %dma_start3A_1326] : memref<4x512x16xf32, #tpu.memory_space<vmem>> -> memref<1x512x16xf32, #tpu.memory_space<vmem>>
    %dma_start3A_1328 = tpu.memref_squeeze %dma_start3A_1327 : memref<1x512x16xf32, #tpu.memory_space<vmem>> -> memref<512x16xf32, #tpu.memory_space<vmem>>
    %dma_start3A_1329 = arith.constant 0 : i32
    %dma_start3A_1330 = tpu.memref_slice %arg5[%dma_start3A_1322, %dma_start3A_1329] : memref<26x512xi32, #tpu.memory_space<vmem>> -> memref<1x512xi32, #tpu.memory_space<vmem>>
    %dma_start3A_1331 = tpu.memref_squeeze %dma_start3A_1330 : memref<1x512xi32, #tpu.memory_space<vmem>> -> memref<512xi32, #tpu.memory_space<vmem>>
    %dma_start3A_1332 = arith.constant 0 : i32
    %dma_start3A_1333 = arith.constant 0 : i32
    %dma_start3A_1334 = tpu.memref_slice %arg2[%dma_start3A_1332, %dma_start3A_1333] : memref<2600000x16xf32, #tpu.memory_space<hbm>> -> memref<2600000x16xf32, #tpu.memory_space<hbm>>
    %dma_start3A_1335 = tpu.memref_slice %arg7[%dma_start3A_1324] : memref<4x!tpu.dma_semaphore, #tpu.memory_space<semaphore_mem>> -> memref<1x!tpu.dma_semaphore, #tpu.memory_space<semaphore_mem>>
    %dma_start3A_1336 = tpu.memref_squeeze %dma_start3A_1335 : memref<1x!tpu.dma_semaphore, #tpu.memory_space<semaphore_mem>> -> memref<!tpu.dma_semaphore, #tpu.memory_space<semaphore_mem>>
    tpu.enqueue_indirect_dma source(%dma_start3A_1334 : memref<2600000x16xf32, #tpu.memory_space<hbm>>) target(%dma_start3A_1328 : memref<512x16xf32, #tpu.memory_space<vmem>>) offsets(%dma_start3A_1331 : memref<512xi32, #tpu.memory_space<vmem>>) semaphore(%dma_start3A_1336 : memref<!tpu.dma_semaphore, #tpu.memory_space<semaphore_mem>>)
    %dma_wait3A_1337 = arith.constant 21 : i32
    %dma_wait3A_1338 = arith.constant 1 : i32
    %dma_wait3A_1339 = arith.constant 1 : i32
    %dma_wait3A_1340 = arith.constant 0 : i32
    %dma_wait3A_1341 = arith.constant 0 : i32
    %dma_wait3A_1342 = tpu.memref_slice %arg6[%dma_wait3A_1338, %dma_wait3A_1340, %dma_wait3A_1341] : memref<4x512x16xf32, #tpu.memory_space<vmem>> -> memref<1x512x16xf32, #tpu.memory_space<vmem>>
    %dma_wait3A_1343 = tpu.memref_squeeze %dma_wait3A_1342 : memref<1x512x16xf32, #tpu.memory_space<vmem>> -> memref<512x16xf32, #tpu.memory_space<vmem>>
    %dma_wait3A_1344 = arith.constant 0 : i32
    %dma_wait3A_1345 = tpu.memref_slice %arg5[%dma_wait3A_1337, %dma_wait3A_1344] : memref<26x512xi32, #tpu.memory_space<vmem>> -> memref<1x512xi32, #tpu.memory_space<vmem>>
    %dma_wait3A_1346 = tpu.memref_squeeze %dma_wait3A_1345 : memref<1x512xi32, #tpu.memory_space<vmem>> -> memref<512xi32, #tpu.memory_space<vmem>>
    %dma_wait3A_1347 = arith.constant 0 : i32
    %dma_wait3A_1348 = arith.constant 0 : i32
    %dma_wait3A_1349 = tpu.memref_slice %arg2[%dma_wait3A_1347, %dma_wait3A_1348] : memref<2600000x16xf32, #tpu.memory_space<hbm>> -> memref<2600000x16xf32, #tpu.memory_space<hbm>>
    %dma_wait3A_1350 = tpu.memref_slice %arg7[%dma_wait3A_1339] : memref<4x!tpu.dma_semaphore, #tpu.memory_space<semaphore_mem>> -> memref<1x!tpu.dma_semaphore, #tpu.memory_space<semaphore_mem>>
    %dma_wait3A_1351 = tpu.memref_squeeze %dma_wait3A_1350 : memref<1x!tpu.dma_semaphore, #tpu.memory_space<semaphore_mem>> -> memref<!tpu.dma_semaphore, #tpu.memory_space<semaphore_mem>>
    tpu.wait_indirect_dma semaphore(%dma_wait3A_1351 : memref<!tpu.dma_semaphore, #tpu.memory_space<semaphore_mem>>) src(%dma_wait3A_1349 : memref<2600000x16xf32, #tpu.memory_space<hbm>>) dst(%dma_wait3A_1343 : memref<512x16xf32, #tpu.memory_space<vmem>>)
    %dma_start3A_1352 = arith.constant 1 : i32
    %dma_start3A_1353 = arith.constant 1 : i32
    %dma_start3A_1354 = arith.constant 0 : i32
    %dma_start3A_1355 = arith.constant 0 : i32
    %dma_start3A_1356 = tpu.memref_slice %arg6[%dma_start3A_1352, %dma_start3A_1354, %dma_start3A_1355] : memref<4x512x16xf32, #tpu.memory_space<vmem>> -> memref<1x512x16xf32, #tpu.memory_space<vmem>>
    %dma_start3A_1357 = tpu.memref_squeeze %dma_start3A_1356 : memref<1x512x16xf32, #tpu.memory_space<vmem>> -> memref<512x16xf32, #tpu.memory_space<vmem>>
    %dma_start3A_1358 = arith.constant 336 : i32
    %dma_start3A_1359 = tpu.memref_slice %arg4[%mul3A_2, %dma_start3A_1358] : memref<16384x416xf32, #tpu.memory_space<hbm>> -> memref<512x16xf32, #tpu.memory_space<hbm>>
    %dma_start3A_1360 = tpu.memref_slice %arg8[%dma_start3A_1353] : memref<4x!tpu.dma_semaphore, #tpu.memory_space<semaphore_mem>> -> memref<1x!tpu.dma_semaphore, #tpu.memory_space<semaphore_mem>>
    %dma_start3A_1361 = tpu.memref_squeeze %dma_start3A_1360 : memref<1x!tpu.dma_semaphore, #tpu.memory_space<semaphore_mem>> -> memref<!tpu.dma_semaphore, #tpu.memory_space<semaphore_mem>>
    %dma_start3A_1362 = arith.constant 336 : i32
    %dma_start3A_1363 = tpu.memref_slice %arg4[%mul3A_2, %dma_start3A_1362] : memref<16384x416xf32, #tpu.memory_space<hbm>> -> memref<512x16xf32, #tpu.memory_space<hbm>>
    %dma_start3A_1364 = arith.constant 0 : i32
    %dma_start3A_1365 = arith.constant 0 : i32
    %dma_start3A_1366 = tpu.memref_slice %arg6[%dma_start3A_1352, %dma_start3A_1364, %dma_start3A_1365] : memref<4x512x16xf32, #tpu.memory_space<vmem>> -> memref<1x512x16xf32, #tpu.memory_space<vmem>>
    %dma_start3A_1367 = tpu.memref_squeeze %dma_start3A_1366 : memref<1x512x16xf32, #tpu.memory_space<vmem>> -> memref<512x16xf32, #tpu.memory_space<vmem>>
    tpu.enqueue_dma source(%dma_start3A_1367 : memref<512x16xf32, #tpu.memory_space<vmem>>) target(%dma_start3A_1363 : memref<512x16xf32, #tpu.memory_space<hbm>>) target_semaphore(%dma_start3A_1361 : memref<!tpu.dma_semaphore, #tpu.memory_space<semaphore_mem>>)
    %dma_wait3A_1368 = arith.constant 0 : i32
    %dma_wait3A_1369 = arith.constant 0 : i32
    %dma_wait3A_1370 = arith.constant 0 : i32
    %dma_wait3A_1371 = arith.constant 0 : i32
    %dma_wait3A_1372 = tpu.memref_slice %arg6[%dma_wait3A_1368, %dma_wait3A_1370, %dma_wait3A_1371] : memref<4x512x16xf32, #tpu.memory_space<vmem>> -> memref<1x512x16xf32, #tpu.memory_space<vmem>>
    %dma_wait3A_1373 = tpu.memref_squeeze %dma_wait3A_1372 : memref<1x512x16xf32, #tpu.memory_space<vmem>> -> memref<512x16xf32, #tpu.memory_space<vmem>>
    %dma_wait3A_1374 = arith.constant 320 : i32
    %dma_wait3A_1375 = tpu.memref_slice %arg4[%mul3A_2, %dma_wait3A_1374] : memref<16384x416xf32, #tpu.memory_space<hbm>> -> memref<512x16xf32, #tpu.memory_space<hbm>>
    %dma_wait3A_1376 = tpu.memref_slice %arg8[%dma_wait3A_1369] : memref<4x!tpu.dma_semaphore, #tpu.memory_space<semaphore_mem>> -> memref<1x!tpu.dma_semaphore, #tpu.memory_space<semaphore_mem>>
    %dma_wait3A_1377 = tpu.memref_squeeze %dma_wait3A_1376 : memref<1x!tpu.dma_semaphore, #tpu.memory_space<semaphore_mem>> -> memref<!tpu.dma_semaphore, #tpu.memory_space<semaphore_mem>>
    %dma_wait3A_1378 = arith.constant 320 : i32
    %dma_wait3A_1379 = tpu.memref_slice %arg4[%mul3A_2, %dma_wait3A_1378] : memref<16384x416xf32, #tpu.memory_space<hbm>> -> memref<512x16xf32, #tpu.memory_space<hbm>>
    %dma_wait3A_1380 = arith.constant 0 : i32
    %dma_wait3A_1381 = arith.constant 0 : i32
    %dma_wait3A_1382 = tpu.memref_slice %arg6[%dma_wait3A_1368, %dma_wait3A_1380, %dma_wait3A_1381] : memref<4x512x16xf32, #tpu.memory_space<vmem>> -> memref<1x512x16xf32, #tpu.memory_space<vmem>>
    %dma_wait3A_1383 = tpu.memref_squeeze %dma_wait3A_1382 : memref<1x512x16xf32, #tpu.memory_space<vmem>> -> memref<512x16xf32, #tpu.memory_space<vmem>>
    tpu.wait_dma2 semaphore(%dma_wait3A_1377 : memref<!tpu.dma_semaphore, #tpu.memory_space<semaphore_mem>>) src(%dma_wait3A_1383 : memref<512x16xf32, #tpu.memory_space<vmem>>) dst(%dma_wait3A_1379 : memref<512x16xf32, #tpu.memory_space<hbm>>)
    %dma_start3A_1384 = arith.constant 24 : i32
    %dma_start3A_1385 = arith.constant 0 : i32
    %dma_start3A_1386 = arith.constant 0 : i32
    %dma_start3A_1387 = arith.constant 0 : i32
    %dma_start3A_1388 = arith.constant 0 : i32
    %dma_start3A_1389 = tpu.memref_slice %arg6[%dma_start3A_1385, %dma_start3A_1387, %dma_start3A_1388] : memref<4x512x16xf32, #tpu.memory_space<vmem>> -> memref<1x512x16xf32, #tpu.memory_space<vmem>>
    %dma_start3A_1390 = tpu.memref_squeeze %dma_start3A_1389 : memref<1x512x16xf32, #tpu.memory_space<vmem>> -> memref<512x16xf32, #tpu.memory_space<vmem>>
    %dma_start3A_1391 = arith.constant 0 : i32
    %dma_start3A_1392 = tpu.memref_slice %arg5[%dma_start3A_1384, %dma_start3A_1391] : memref<26x512xi32, #tpu.memory_space<vmem>> -> memref<1x512xi32, #tpu.memory_space<vmem>>
    %dma_start3A_1393 = tpu.memref_squeeze %dma_start3A_1392 : memref<1x512xi32, #tpu.memory_space<vmem>> -> memref<512xi32, #tpu.memory_space<vmem>>
    %dma_start3A_1394 = arith.constant 0 : i32
    %dma_start3A_1395 = arith.constant 0 : i32
    %dma_start3A_1396 = tpu.memref_slice %arg2[%dma_start3A_1394, %dma_start3A_1395] : memref<2600000x16xf32, #tpu.memory_space<hbm>> -> memref<2600000x16xf32, #tpu.memory_space<hbm>>
    %dma_start3A_1397 = tpu.memref_slice %arg7[%dma_start3A_1386] : memref<4x!tpu.dma_semaphore, #tpu.memory_space<semaphore_mem>> -> memref<1x!tpu.dma_semaphore, #tpu.memory_space<semaphore_mem>>
    %dma_start3A_1398 = tpu.memref_squeeze %dma_start3A_1397 : memref<1x!tpu.dma_semaphore, #tpu.memory_space<semaphore_mem>> -> memref<!tpu.dma_semaphore, #tpu.memory_space<semaphore_mem>>
    tpu.enqueue_indirect_dma source(%dma_start3A_1396 : memref<2600000x16xf32, #tpu.memory_space<hbm>>) target(%dma_start3A_1390 : memref<512x16xf32, #tpu.memory_space<vmem>>) offsets(%dma_start3A_1393 : memref<512xi32, #tpu.memory_space<vmem>>) semaphore(%dma_start3A_1398 : memref<!tpu.dma_semaphore, #tpu.memory_space<semaphore_mem>>)
    %dma_wait3A_1399 = arith.constant 22 : i32
    %dma_wait3A_1400 = arith.constant 2 : i32
    %dma_wait3A_1401 = arith.constant 2 : i32
    %dma_wait3A_1402 = arith.constant 0 : i32
    %dma_wait3A_1403 = arith.constant 0 : i32
    %dma_wait3A_1404 = tpu.memref_slice %arg6[%dma_wait3A_1400, %dma_wait3A_1402, %dma_wait3A_1403] : memref<4x512x16xf32, #tpu.memory_space<vmem>> -> memref<1x512x16xf32, #tpu.memory_space<vmem>>
    %dma_wait3A_1405 = tpu.memref_squeeze %dma_wait3A_1404 : memref<1x512x16xf32, #tpu.memory_space<vmem>> -> memref<512x16xf32, #tpu.memory_space<vmem>>
    %dma_wait3A_1406 = arith.constant 0 : i32
    %dma_wait3A_1407 = tpu.memref_slice %arg5[%dma_wait3A_1399, %dma_wait3A_1406] : memref<26x512xi32, #tpu.memory_space<vmem>> -> memref<1x512xi32, #tpu.memory_space<vmem>>
    %dma_wait3A_1408 = tpu.memref_squeeze %dma_wait3A_1407 : memref<1x512xi32, #tpu.memory_space<vmem>> -> memref<512xi32, #tpu.memory_space<vmem>>
    %dma_wait3A_1409 = arith.constant 0 : i32
    %dma_wait3A_1410 = arith.constant 0 : i32
    %dma_wait3A_1411 = tpu.memref_slice %arg2[%dma_wait3A_1409, %dma_wait3A_1410] : memref<2600000x16xf32, #tpu.memory_space<hbm>> -> memref<2600000x16xf32, #tpu.memory_space<hbm>>
    %dma_wait3A_1412 = tpu.memref_slice %arg7[%dma_wait3A_1401] : memref<4x!tpu.dma_semaphore, #tpu.memory_space<semaphore_mem>> -> memref<1x!tpu.dma_semaphore, #tpu.memory_space<semaphore_mem>>
    %dma_wait3A_1413 = tpu.memref_squeeze %dma_wait3A_1412 : memref<1x!tpu.dma_semaphore, #tpu.memory_space<semaphore_mem>> -> memref<!tpu.dma_semaphore, #tpu.memory_space<semaphore_mem>>
    tpu.wait_indirect_dma semaphore(%dma_wait3A_1413 : memref<!tpu.dma_semaphore, #tpu.memory_space<semaphore_mem>>) src(%dma_wait3A_1411 : memref<2600000x16xf32, #tpu.memory_space<hbm>>) dst(%dma_wait3A_1405 : memref<512x16xf32, #tpu.memory_space<vmem>>)
    %dma_start3A_1414 = arith.constant 2 : i32
    %dma_start3A_1415 = arith.constant 2 : i32
    %dma_start3A_1416 = arith.constant 0 : i32
    %dma_start3A_1417 = arith.constant 0 : i32
    %dma_start3A_1418 = tpu.memref_slice %arg6[%dma_start3A_1414, %dma_start3A_1416, %dma_start3A_1417] : memref<4x512x16xf32, #tpu.memory_space<vmem>> -> memref<1x512x16xf32, #tpu.memory_space<vmem>>
    %dma_start3A_1419 = tpu.memref_squeeze %dma_start3A_1418 : memref<1x512x16xf32, #tpu.memory_space<vmem>> -> memref<512x16xf32, #tpu.memory_space<vmem>>
    %dma_start3A_1420 = arith.constant 352 : i32
    %dma_start3A_1421 = tpu.memref_slice %arg4[%mul3A_2, %dma_start3A_1420] : memref<16384x416xf32, #tpu.memory_space<hbm>> -> memref<512x16xf32, #tpu.memory_space<hbm>>
    %dma_start3A_1422 = tpu.memref_slice %arg8[%dma_start3A_1415] : memref<4x!tpu.dma_semaphore, #tpu.memory_space<semaphore_mem>> -> memref<1x!tpu.dma_semaphore, #tpu.memory_space<semaphore_mem>>
    %dma_start3A_1423 = tpu.memref_squeeze %dma_start3A_1422 : memref<1x!tpu.dma_semaphore, #tpu.memory_space<semaphore_mem>> -> memref<!tpu.dma_semaphore, #tpu.memory_space<semaphore_mem>>
    %dma_start3A_1424 = arith.constant 352 : i32
    %dma_start3A_1425 = tpu.memref_slice %arg4[%mul3A_2, %dma_start3A_1424] : memref<16384x416xf32, #tpu.memory_space<hbm>> -> memref<512x16xf32, #tpu.memory_space<hbm>>
    %dma_start3A_1426 = arith.constant 0 : i32
    %dma_start3A_1427 = arith.constant 0 : i32
    %dma_start3A_1428 = tpu.memref_slice %arg6[%dma_start3A_1414, %dma_start3A_1426, %dma_start3A_1427] : memref<4x512x16xf32, #tpu.memory_space<vmem>> -> memref<1x512x16xf32, #tpu.memory_space<vmem>>
    %dma_start3A_1429 = tpu.memref_squeeze %dma_start3A_1428 : memref<1x512x16xf32, #tpu.memory_space<vmem>> -> memref<512x16xf32, #tpu.memory_space<vmem>>
    tpu.enqueue_dma source(%dma_start3A_1429 : memref<512x16xf32, #tpu.memory_space<vmem>>) target(%dma_start3A_1425 : memref<512x16xf32, #tpu.memory_space<hbm>>) target_semaphore(%dma_start3A_1423 : memref<!tpu.dma_semaphore, #tpu.memory_space<semaphore_mem>>)
    %dma_wait3A_1430 = arith.constant 1 : i32
    %dma_wait3A_1431 = arith.constant 1 : i32
    %dma_wait3A_1432 = arith.constant 0 : i32
    %dma_wait3A_1433 = arith.constant 0 : i32
    %dma_wait3A_1434 = tpu.memref_slice %arg6[%dma_wait3A_1430, %dma_wait3A_1432, %dma_wait3A_1433] : memref<4x512x16xf32, #tpu.memory_space<vmem>> -> memref<1x512x16xf32, #tpu.memory_space<vmem>>
    %dma_wait3A_1435 = tpu.memref_squeeze %dma_wait3A_1434 : memref<1x512x16xf32, #tpu.memory_space<vmem>> -> memref<512x16xf32, #tpu.memory_space<vmem>>
    %dma_wait3A_1436 = arith.constant 336 : i32
    %dma_wait3A_1437 = tpu.memref_slice %arg4[%mul3A_2, %dma_wait3A_1436] : memref<16384x416xf32, #tpu.memory_space<hbm>> -> memref<512x16xf32, #tpu.memory_space<hbm>>
    %dma_wait3A_1438 = tpu.memref_slice %arg8[%dma_wait3A_1431] : memref<4x!tpu.dma_semaphore, #tpu.memory_space<semaphore_mem>> -> memref<1x!tpu.dma_semaphore, #tpu.memory_space<semaphore_mem>>
    %dma_wait3A_1439 = tpu.memref_squeeze %dma_wait3A_1438 : memref<1x!tpu.dma_semaphore, #tpu.memory_space<semaphore_mem>> -> memref<!tpu.dma_semaphore, #tpu.memory_space<semaphore_mem>>
    %dma_wait3A_1440 = arith.constant 336 : i32
    %dma_wait3A_1441 = tpu.memref_slice %arg4[%mul3A_2, %dma_wait3A_1440] : memref<16384x416xf32, #tpu.memory_space<hbm>> -> memref<512x16xf32, #tpu.memory_space<hbm>>
    %dma_wait3A_1442 = arith.constant 0 : i32
    %dma_wait3A_1443 = arith.constant 0 : i32
    %dma_wait3A_1444 = tpu.memref_slice %arg6[%dma_wait3A_1430, %dma_wait3A_1442, %dma_wait3A_1443] : memref<4x512x16xf32, #tpu.memory_space<vmem>> -> memref<1x512x16xf32, #tpu.memory_space<vmem>>
    %dma_wait3A_1445 = tpu.memref_squeeze %dma_wait3A_1444 : memref<1x512x16xf32, #tpu.memory_space<vmem>> -> memref<512x16xf32, #tpu.memory_space<vmem>>
    tpu.wait_dma2 semaphore(%dma_wait3A_1439 : memref<!tpu.dma_semaphore, #tpu.memory_space<semaphore_mem>>) src(%dma_wait3A_1445 : memref<512x16xf32, #tpu.memory_space<vmem>>) dst(%dma_wait3A_1441 : memref<512x16xf32, #tpu.memory_space<hbm>>)
    %dma_start3A_1446 = arith.constant 25 : i32
    %dma_start3A_1447 = arith.constant 1 : i32
    %dma_start3A_1448 = arith.constant 1 : i32
    %dma_start3A_1449 = arith.constant 0 : i32
    %dma_start3A_1450 = arith.constant 0 : i32
    %dma_start3A_1451 = tpu.memref_slice %arg6[%dma_start3A_1447, %dma_start3A_1449, %dma_start3A_1450] : memref<4x512x16xf32, #tpu.memory_space<vmem>> -> memref<1x512x16xf32, #tpu.memory_space<vmem>>
    %dma_start3A_1452 = tpu.memref_squeeze %dma_start3A_1451 : memref<1x512x16xf32, #tpu.memory_space<vmem>> -> memref<512x16xf32, #tpu.memory_space<vmem>>
    %dma_start3A_1453 = arith.constant 0 : i32
    %dma_start3A_1454 = tpu.memref_slice %arg5[%dma_start3A_1446, %dma_start3A_1453] : memref<26x512xi32, #tpu.memory_space<vmem>> -> memref<1x512xi32, #tpu.memory_space<vmem>>
    %dma_start3A_1455 = tpu.memref_squeeze %dma_start3A_1454 : memref<1x512xi32, #tpu.memory_space<vmem>> -> memref<512xi32, #tpu.memory_space<vmem>>
    %dma_start3A_1456 = arith.constant 0 : i32
    %dma_start3A_1457 = arith.constant 0 : i32
    %dma_start3A_1458 = tpu.memref_slice %arg2[%dma_start3A_1456, %dma_start3A_1457] : memref<2600000x16xf32, #tpu.memory_space<hbm>> -> memref<2600000x16xf32, #tpu.memory_space<hbm>>
    %dma_start3A_1459 = tpu.memref_slice %arg7[%dma_start3A_1448] : memref<4x!tpu.dma_semaphore, #tpu.memory_space<semaphore_mem>> -> memref<1x!tpu.dma_semaphore, #tpu.memory_space<semaphore_mem>>
    %dma_start3A_1460 = tpu.memref_squeeze %dma_start3A_1459 : memref<1x!tpu.dma_semaphore, #tpu.memory_space<semaphore_mem>> -> memref<!tpu.dma_semaphore, #tpu.memory_space<semaphore_mem>>
    tpu.enqueue_indirect_dma source(%dma_start3A_1458 : memref<2600000x16xf32, #tpu.memory_space<hbm>>) target(%dma_start3A_1452 : memref<512x16xf32, #tpu.memory_space<vmem>>) offsets(%dma_start3A_1455 : memref<512xi32, #tpu.memory_space<vmem>>) semaphore(%dma_start3A_1460 : memref<!tpu.dma_semaphore, #tpu.memory_space<semaphore_mem>>)
    %dma_wait3A_1461 = arith.constant 23 : i32
    %dma_wait3A_1462 = arith.constant 3 : i32
    %dma_wait3A_1463 = arith.constant 3 : i32
    %dma_wait3A_1464 = arith.constant 0 : i32
    %dma_wait3A_1465 = arith.constant 0 : i32
    %dma_wait3A_1466 = tpu.memref_slice %arg6[%dma_wait3A_1462, %dma_wait3A_1464, %dma_wait3A_1465] : memref<4x512x16xf32, #tpu.memory_space<vmem>> -> memref<1x512x16xf32, #tpu.memory_space<vmem>>
    %dma_wait3A_1467 = tpu.memref_squeeze %dma_wait3A_1466 : memref<1x512x16xf32, #tpu.memory_space<vmem>> -> memref<512x16xf32, #tpu.memory_space<vmem>>
    %dma_wait3A_1468 = arith.constant 0 : i32
    %dma_wait3A_1469 = tpu.memref_slice %arg5[%dma_wait3A_1461, %dma_wait3A_1468] : memref<26x512xi32, #tpu.memory_space<vmem>> -> memref<1x512xi32, #tpu.memory_space<vmem>>
    %dma_wait3A_1470 = tpu.memref_squeeze %dma_wait3A_1469 : memref<1x512xi32, #tpu.memory_space<vmem>> -> memref<512xi32, #tpu.memory_space<vmem>>
    %dma_wait3A_1471 = arith.constant 0 : i32
    %dma_wait3A_1472 = arith.constant 0 : i32
    %dma_wait3A_1473 = tpu.memref_slice %arg2[%dma_wait3A_1471, %dma_wait3A_1472] : memref<2600000x16xf32, #tpu.memory_space<hbm>> -> memref<2600000x16xf32, #tpu.memory_space<hbm>>
    %dma_wait3A_1474 = tpu.memref_slice %arg7[%dma_wait3A_1463] : memref<4x!tpu.dma_semaphore, #tpu.memory_space<semaphore_mem>> -> memref<1x!tpu.dma_semaphore, #tpu.memory_space<semaphore_mem>>
    %dma_wait3A_1475 = tpu.memref_squeeze %dma_wait3A_1474 : memref<1x!tpu.dma_semaphore, #tpu.memory_space<semaphore_mem>> -> memref<!tpu.dma_semaphore, #tpu.memory_space<semaphore_mem>>
    tpu.wait_indirect_dma semaphore(%dma_wait3A_1475 : memref<!tpu.dma_semaphore, #tpu.memory_space<semaphore_mem>>) src(%dma_wait3A_1473 : memref<2600000x16xf32, #tpu.memory_space<hbm>>) dst(%dma_wait3A_1467 : memref<512x16xf32, #tpu.memory_space<vmem>>)
    %dma_start3A_1476 = arith.constant 3 : i32
    %dma_start3A_1477 = arith.constant 3 : i32
    %dma_start3A_1478 = arith.constant 0 : i32
    %dma_start3A_1479 = arith.constant 0 : i32
    %dma_start3A_1480 = tpu.memref_slice %arg6[%dma_start3A_1476, %dma_start3A_1478, %dma_start3A_1479] : memref<4x512x16xf32, #tpu.memory_space<vmem>> -> memref<1x512x16xf32, #tpu.memory_space<vmem>>
    %dma_start3A_1481 = tpu.memref_squeeze %dma_start3A_1480 : memref<1x512x16xf32, #tpu.memory_space<vmem>> -> memref<512x16xf32, #tpu.memory_space<vmem>>
    %dma_start3A_1482 = arith.constant 368 : i32
    %dma_start3A_1483 = tpu.memref_slice %arg4[%mul3A_2, %dma_start3A_1482] : memref<16384x416xf32, #tpu.memory_space<hbm>> -> memref<512x16xf32, #tpu.memory_space<hbm>>
    %dma_start3A_1484 = tpu.memref_slice %arg8[%dma_start3A_1477] : memref<4x!tpu.dma_semaphore, #tpu.memory_space<semaphore_mem>> -> memref<1x!tpu.dma_semaphore, #tpu.memory_space<semaphore_mem>>
    %dma_start3A_1485 = tpu.memref_squeeze %dma_start3A_1484 : memref<1x!tpu.dma_semaphore, #tpu.memory_space<semaphore_mem>> -> memref<!tpu.dma_semaphore, #tpu.memory_space<semaphore_mem>>
    %dma_start3A_1486 = arith.constant 368 : i32
    %dma_start3A_1487 = tpu.memref_slice %arg4[%mul3A_2, %dma_start3A_1486] : memref<16384x416xf32, #tpu.memory_space<hbm>> -> memref<512x16xf32, #tpu.memory_space<hbm>>
    %dma_start3A_1488 = arith.constant 0 : i32
    %dma_start3A_1489 = arith.constant 0 : i32
    %dma_start3A_1490 = tpu.memref_slice %arg6[%dma_start3A_1476, %dma_start3A_1488, %dma_start3A_1489] : memref<4x512x16xf32, #tpu.memory_space<vmem>> -> memref<1x512x16xf32, #tpu.memory_space<vmem>>
    %dma_start3A_1491 = tpu.memref_squeeze %dma_start3A_1490 : memref<1x512x16xf32, #tpu.memory_space<vmem>> -> memref<512x16xf32, #tpu.memory_space<vmem>>
    tpu.enqueue_dma source(%dma_start3A_1491 : memref<512x16xf32, #tpu.memory_space<vmem>>) target(%dma_start3A_1487 : memref<512x16xf32, #tpu.memory_space<hbm>>) target_semaphore(%dma_start3A_1485 : memref<!tpu.dma_semaphore, #tpu.memory_space<semaphore_mem>>)
    %dma_wait3A_1492 = arith.constant 24 : i32
    %dma_wait3A_1493 = arith.constant 0 : i32
    %dma_wait3A_1494 = arith.constant 0 : i32
    %dma_wait3A_1495 = arith.constant 0 : i32
    %dma_wait3A_1496 = arith.constant 0 : i32
    %dma_wait3A_1497 = tpu.memref_slice %arg6[%dma_wait3A_1493, %dma_wait3A_1495, %dma_wait3A_1496] : memref<4x512x16xf32, #tpu.memory_space<vmem>> -> memref<1x512x16xf32, #tpu.memory_space<vmem>>
    %dma_wait3A_1498 = tpu.memref_squeeze %dma_wait3A_1497 : memref<1x512x16xf32, #tpu.memory_space<vmem>> -> memref<512x16xf32, #tpu.memory_space<vmem>>
    %dma_wait3A_1499 = arith.constant 0 : i32
    %dma_wait3A_1500 = tpu.memref_slice %arg5[%dma_wait3A_1492, %dma_wait3A_1499] : memref<26x512xi32, #tpu.memory_space<vmem>> -> memref<1x512xi32, #tpu.memory_space<vmem>>
    %dma_wait3A_1501 = tpu.memref_squeeze %dma_wait3A_1500 : memref<1x512xi32, #tpu.memory_space<vmem>> -> memref<512xi32, #tpu.memory_space<vmem>>
    %dma_wait3A_1502 = arith.constant 0 : i32
    %dma_wait3A_1503 = arith.constant 0 : i32
    %dma_wait3A_1504 = tpu.memref_slice %arg2[%dma_wait3A_1502, %dma_wait3A_1503] : memref<2600000x16xf32, #tpu.memory_space<hbm>> -> memref<2600000x16xf32, #tpu.memory_space<hbm>>
    %dma_wait3A_1505 = tpu.memref_slice %arg7[%dma_wait3A_1494] : memref<4x!tpu.dma_semaphore, #tpu.memory_space<semaphore_mem>> -> memref<1x!tpu.dma_semaphore, #tpu.memory_space<semaphore_mem>>
    %dma_wait3A_1506 = tpu.memref_squeeze %dma_wait3A_1505 : memref<1x!tpu.dma_semaphore, #tpu.memory_space<semaphore_mem>> -> memref<!tpu.dma_semaphore, #tpu.memory_space<semaphore_mem>>
    tpu.wait_indirect_dma semaphore(%dma_wait3A_1506 : memref<!tpu.dma_semaphore, #tpu.memory_space<semaphore_mem>>) src(%dma_wait3A_1504 : memref<2600000x16xf32, #tpu.memory_space<hbm>>) dst(%dma_wait3A_1498 : memref<512x16xf32, #tpu.memory_space<vmem>>)
    %dma_start3A_1507 = arith.constant 0 : i32
    %dma_start3A_1508 = arith.constant 0 : i32
    %dma_start3A_1509 = arith.constant 0 : i32
    %dma_start3A_1510 = arith.constant 0 : i32
    %dma_start3A_1511 = tpu.memref_slice %arg6[%dma_start3A_1507, %dma_start3A_1509, %dma_start3A_1510] : memref<4x512x16xf32, #tpu.memory_space<vmem>> -> memref<1x512x16xf32, #tpu.memory_space<vmem>>
    %dma_start3A_1512 = tpu.memref_squeeze %dma_start3A_1511 : memref<1x512x16xf32, #tpu.memory_space<vmem>> -> memref<512x16xf32, #tpu.memory_space<vmem>>
    %dma_start3A_1513 = arith.constant 384 : i32
    %dma_start3A_1514 = tpu.memref_slice %arg4[%mul3A_2, %dma_start3A_1513] : memref<16384x416xf32, #tpu.memory_space<hbm>> -> memref<512x16xf32, #tpu.memory_space<hbm>>
    %dma_start3A_1515 = tpu.memref_slice %arg8[%dma_start3A_1508] : memref<4x!tpu.dma_semaphore, #tpu.memory_space<semaphore_mem>> -> memref<1x!tpu.dma_semaphore, #tpu.memory_space<semaphore_mem>>
    %dma_start3A_1516 = tpu.memref_squeeze %dma_start3A_1515 : memref<1x!tpu.dma_semaphore, #tpu.memory_space<semaphore_mem>> -> memref<!tpu.dma_semaphore, #tpu.memory_space<semaphore_mem>>
    %dma_start3A_1517 = arith.constant 384 : i32
    %dma_start3A_1518 = tpu.memref_slice %arg4[%mul3A_2, %dma_start3A_1517] : memref<16384x416xf32, #tpu.memory_space<hbm>> -> memref<512x16xf32, #tpu.memory_space<hbm>>
    %dma_start3A_1519 = arith.constant 0 : i32
    %dma_start3A_1520 = arith.constant 0 : i32
    %dma_start3A_1521 = tpu.memref_slice %arg6[%dma_start3A_1507, %dma_start3A_1519, %dma_start3A_1520] : memref<4x512x16xf32, #tpu.memory_space<vmem>> -> memref<1x512x16xf32, #tpu.memory_space<vmem>>
    %dma_start3A_1522 = tpu.memref_squeeze %dma_start3A_1521 : memref<1x512x16xf32, #tpu.memory_space<vmem>> -> memref<512x16xf32, #tpu.memory_space<vmem>>
    tpu.enqueue_dma source(%dma_start3A_1522 : memref<512x16xf32, #tpu.memory_space<vmem>>) target(%dma_start3A_1518 : memref<512x16xf32, #tpu.memory_space<hbm>>) target_semaphore(%dma_start3A_1516 : memref<!tpu.dma_semaphore, #tpu.memory_space<semaphore_mem>>)
    %dma_wait3A_1523 = arith.constant 25 : i32
    %dma_wait3A_1524 = arith.constant 1 : i32
    %dma_wait3A_1525 = arith.constant 1 : i32
    %dma_wait3A_1526 = arith.constant 0 : i32
    %dma_wait3A_1527 = arith.constant 0 : i32
    %dma_wait3A_1528 = tpu.memref_slice %arg6[%dma_wait3A_1524, %dma_wait3A_1526, %dma_wait3A_1527] : memref<4x512x16xf32, #tpu.memory_space<vmem>> -> memref<1x512x16xf32, #tpu.memory_space<vmem>>
    %dma_wait3A_1529 = tpu.memref_squeeze %dma_wait3A_1528 : memref<1x512x16xf32, #tpu.memory_space<vmem>> -> memref<512x16xf32, #tpu.memory_space<vmem>>
    %dma_wait3A_1530 = arith.constant 0 : i32
    %dma_wait3A_1531 = tpu.memref_slice %arg5[%dma_wait3A_1523, %dma_wait3A_1530] : memref<26x512xi32, #tpu.memory_space<vmem>> -> memref<1x512xi32, #tpu.memory_space<vmem>>
    %dma_wait3A_1532 = tpu.memref_squeeze %dma_wait3A_1531 : memref<1x512xi32, #tpu.memory_space<vmem>> -> memref<512xi32, #tpu.memory_space<vmem>>
    %dma_wait3A_1533 = arith.constant 0 : i32
    %dma_wait3A_1534 = arith.constant 0 : i32
    %dma_wait3A_1535 = tpu.memref_slice %arg2[%dma_wait3A_1533, %dma_wait3A_1534] : memref<2600000x16xf32, #tpu.memory_space<hbm>> -> memref<2600000x16xf32, #tpu.memory_space<hbm>>
    %dma_wait3A_1536 = tpu.memref_slice %arg7[%dma_wait3A_1525] : memref<4x!tpu.dma_semaphore, #tpu.memory_space<semaphore_mem>> -> memref<1x!tpu.dma_semaphore, #tpu.memory_space<semaphore_mem>>
    %dma_wait3A_1537 = tpu.memref_squeeze %dma_wait3A_1536 : memref<1x!tpu.dma_semaphore, #tpu.memory_space<semaphore_mem>> -> memref<!tpu.dma_semaphore, #tpu.memory_space<semaphore_mem>>
    tpu.wait_indirect_dma semaphore(%dma_wait3A_1537 : memref<!tpu.dma_semaphore, #tpu.memory_space<semaphore_mem>>) src(%dma_wait3A_1535 : memref<2600000x16xf32, #tpu.memory_space<hbm>>) dst(%dma_wait3A_1529 : memref<512x16xf32, #tpu.memory_space<vmem>>)
    %dma_start3A_1538 = arith.constant 1 : i32
    %dma_start3A_1539 = arith.constant 1 : i32
    %dma_start3A_1540 = arith.constant 0 : i32
    %dma_start3A_1541 = arith.constant 0 : i32
    %dma_start3A_1542 = tpu.memref_slice %arg6[%dma_start3A_1538, %dma_start3A_1540, %dma_start3A_1541] : memref<4x512x16xf32, #tpu.memory_space<vmem>> -> memref<1x512x16xf32, #tpu.memory_space<vmem>>
    %dma_start3A_1543 = tpu.memref_squeeze %dma_start3A_1542 : memref<1x512x16xf32, #tpu.memory_space<vmem>> -> memref<512x16xf32, #tpu.memory_space<vmem>>
    %dma_start3A_1544 = arith.constant 400 : i32
    %dma_start3A_1545 = tpu.memref_slice %arg4[%mul3A_2, %dma_start3A_1544] : memref<16384x416xf32, #tpu.memory_space<hbm>> -> memref<512x16xf32, #tpu.memory_space<hbm>>
    %dma_start3A_1546 = tpu.memref_slice %arg8[%dma_start3A_1539] : memref<4x!tpu.dma_semaphore, #tpu.memory_space<semaphore_mem>> -> memref<1x!tpu.dma_semaphore, #tpu.memory_space<semaphore_mem>>
    %dma_start3A_1547 = tpu.memref_squeeze %dma_start3A_1546 : memref<1x!tpu.dma_semaphore, #tpu.memory_space<semaphore_mem>> -> memref<!tpu.dma_semaphore, #tpu.memory_space<semaphore_mem>>
    %dma_start3A_1548 = arith.constant 400 : i32
    %dma_start3A_1549 = tpu.memref_slice %arg4[%mul3A_2, %dma_start3A_1548] : memref<16384x416xf32, #tpu.memory_space<hbm>> -> memref<512x16xf32, #tpu.memory_space<hbm>>
    %dma_start3A_1550 = arith.constant 0 : i32
    %dma_start3A_1551 = arith.constant 0 : i32
    %dma_start3A_1552 = tpu.memref_slice %arg6[%dma_start3A_1538, %dma_start3A_1550, %dma_start3A_1551] : memref<4x512x16xf32, #tpu.memory_space<vmem>> -> memref<1x512x16xf32, #tpu.memory_space<vmem>>
    %dma_start3A_1553 = tpu.memref_squeeze %dma_start3A_1552 : memref<1x512x16xf32, #tpu.memory_space<vmem>> -> memref<512x16xf32, #tpu.memory_space<vmem>>
    tpu.enqueue_dma source(%dma_start3A_1553 : memref<512x16xf32, #tpu.memory_space<vmem>>) target(%dma_start3A_1549 : memref<512x16xf32, #tpu.memory_space<hbm>>) target_semaphore(%dma_start3A_1547 : memref<!tpu.dma_semaphore, #tpu.memory_space<semaphore_mem>>)
    %dma_wait3A_1554 = arith.constant 2 : i32
    %dma_wait3A_1555 = arith.constant 2 : i32
    %dma_wait3A_1556 = arith.constant 0 : i32
    %dma_wait3A_1557 = arith.constant 0 : i32
    %dma_wait3A_1558 = tpu.memref_slice %arg6[%dma_wait3A_1554, %dma_wait3A_1556, %dma_wait3A_1557] : memref<4x512x16xf32, #tpu.memory_space<vmem>> -> memref<1x512x16xf32, #tpu.memory_space<vmem>>
    %dma_wait3A_1559 = tpu.memref_squeeze %dma_wait3A_1558 : memref<1x512x16xf32, #tpu.memory_space<vmem>> -> memref<512x16xf32, #tpu.memory_space<vmem>>
    %dma_wait3A_1560 = arith.constant 352 : i32
    %dma_wait3A_1561 = tpu.memref_slice %arg4[%mul3A_2, %dma_wait3A_1560] : memref<16384x416xf32, #tpu.memory_space<hbm>> -> memref<512x16xf32, #tpu.memory_space<hbm>>
    %dma_wait3A_1562 = tpu.memref_slice %arg8[%dma_wait3A_1555] : memref<4x!tpu.dma_semaphore, #tpu.memory_space<semaphore_mem>> -> memref<1x!tpu.dma_semaphore, #tpu.memory_space<semaphore_mem>>
    %dma_wait3A_1563 = tpu.memref_squeeze %dma_wait3A_1562 : memref<1x!tpu.dma_semaphore, #tpu.memory_space<semaphore_mem>> -> memref<!tpu.dma_semaphore, #tpu.memory_space<semaphore_mem>>
    %dma_wait3A_1564 = arith.constant 352 : i32
    %dma_wait3A_1565 = tpu.memref_slice %arg4[%mul3A_2, %dma_wait3A_1564] : memref<16384x416xf32, #tpu.memory_space<hbm>> -> memref<512x16xf32, #tpu.memory_space<hbm>>
    %dma_wait3A_1566 = arith.constant 0 : i32
    %dma_wait3A_1567 = arith.constant 0 : i32
    %dma_wait3A_1568 = tpu.memref_slice %arg6[%dma_wait3A_1554, %dma_wait3A_1566, %dma_wait3A_1567] : memref<4x512x16xf32, #tpu.memory_space<vmem>> -> memref<1x512x16xf32, #tpu.memory_space<vmem>>
    %dma_wait3A_1569 = tpu.memref_squeeze %dma_wait3A_1568 : memref<1x512x16xf32, #tpu.memory_space<vmem>> -> memref<512x16xf32, #tpu.memory_space<vmem>>
    tpu.wait_dma2 semaphore(%dma_wait3A_1563 : memref<!tpu.dma_semaphore, #tpu.memory_space<semaphore_mem>>) src(%dma_wait3A_1569 : memref<512x16xf32, #tpu.memory_space<vmem>>) dst(%dma_wait3A_1565 : memref<512x16xf32, #tpu.memory_space<hbm>>)
    %dma_wait3A_1570 = arith.constant 3 : i32
    %dma_wait3A_1571 = arith.constant 3 : i32
    %dma_wait3A_1572 = arith.constant 0 : i32
    %dma_wait3A_1573 = arith.constant 0 : i32
    %dma_wait3A_1574 = tpu.memref_slice %arg6[%dma_wait3A_1570, %dma_wait3A_1572, %dma_wait3A_1573] : memref<4x512x16xf32, #tpu.memory_space<vmem>> -> memref<1x512x16xf32, #tpu.memory_space<vmem>>
    %dma_wait3A_1575 = tpu.memref_squeeze %dma_wait3A_1574 : memref<1x512x16xf32, #tpu.memory_space<vmem>> -> memref<512x16xf32, #tpu.memory_space<vmem>>
    %dma_wait3A_1576 = arith.constant 368 : i32
    %dma_wait3A_1577 = tpu.memref_slice %arg4[%mul3A_2, %dma_wait3A_1576] : memref<16384x416xf32, #tpu.memory_space<hbm>> -> memref<512x16xf32, #tpu.memory_space<hbm>>
    %dma_wait3A_1578 = tpu.memref_slice %arg8[%dma_wait3A_1571] : memref<4x!tpu.dma_semaphore, #tpu.memory_space<semaphore_mem>> -> memref<1x!tpu.dma_semaphore, #tpu.memory_space<semaphore_mem>>
    %dma_wait3A_1579 = tpu.memref_squeeze %dma_wait3A_1578 : memref<1x!tpu.dma_semaphore, #tpu.memory_space<semaphore_mem>> -> memref<!tpu.dma_semaphore, #tpu.memory_space<semaphore_mem>>
    %dma_wait3A_1580 = arith.constant 368 : i32
    %dma_wait3A_1581 = tpu.memref_slice %arg4[%mul3A_2, %dma_wait3A_1580] : memref<16384x416xf32, #tpu.memory_space<hbm>> -> memref<512x16xf32, #tpu.memory_space<hbm>>
    %dma_wait3A_1582 = arith.constant 0 : i32
    %dma_wait3A_1583 = arith.constant 0 : i32
    %dma_wait3A_1584 = tpu.memref_slice %arg6[%dma_wait3A_1570, %dma_wait3A_1582, %dma_wait3A_1583] : memref<4x512x16xf32, #tpu.memory_space<vmem>> -> memref<1x512x16xf32, #tpu.memory_space<vmem>>
    %dma_wait3A_1585 = tpu.memref_squeeze %dma_wait3A_1584 : memref<1x512x16xf32, #tpu.memory_space<vmem>> -> memref<512x16xf32, #tpu.memory_space<vmem>>
    tpu.wait_dma2 semaphore(%dma_wait3A_1579 : memref<!tpu.dma_semaphore, #tpu.memory_space<semaphore_mem>>) src(%dma_wait3A_1585 : memref<512x16xf32, #tpu.memory_space<vmem>>) dst(%dma_wait3A_1581 : memref<512x16xf32, #tpu.memory_space<hbm>>)
    %dma_wait3A_1586 = arith.constant 0 : i32
    %dma_wait3A_1587 = arith.constant 0 : i32
    %dma_wait3A_1588 = arith.constant 0 : i32
    %dma_wait3A_1589 = arith.constant 0 : i32
    %dma_wait3A_1590 = tpu.memref_slice %arg6[%dma_wait3A_1586, %dma_wait3A_1588, %dma_wait3A_1589] : memref<4x512x16xf32, #tpu.memory_space<vmem>> -> memref<1x512x16xf32, #tpu.memory_space<vmem>>
    %dma_wait3A_1591 = tpu.memref_squeeze %dma_wait3A_1590 : memref<1x512x16xf32, #tpu.memory_space<vmem>> -> memref<512x16xf32, #tpu.memory_space<vmem>>
    %dma_wait3A_1592 = arith.constant 384 : i32
    %dma_wait3A_1593 = tpu.memref_slice %arg4[%mul3A_2, %dma_wait3A_1592] : memref<16384x416xf32, #tpu.memory_space<hbm>> -> memref<512x16xf32, #tpu.memory_space<hbm>>
    %dma_wait3A_1594 = tpu.memref_slice %arg8[%dma_wait3A_1587] : memref<4x!tpu.dma_semaphore, #tpu.memory_space<semaphore_mem>> -> memref<1x!tpu.dma_semaphore, #tpu.memory_space<semaphore_mem>>
    %dma_wait3A_1595 = tpu.memref_squeeze %dma_wait3A_1594 : memref<1x!tpu.dma_semaphore, #tpu.memory_space<semaphore_mem>> -> memref<!tpu.dma_semaphore, #tpu.memory_space<semaphore_mem>>
    %dma_wait3A_1596 = arith.constant 384 : i32
    %dma_wait3A_1597 = tpu.memref_slice %arg4[%mul3A_2, %dma_wait3A_1596] : memref<16384x416xf32, #tpu.memory_space<hbm>> -> memref<512x16xf32, #tpu.memory_space<hbm>>
    %dma_wait3A_1598 = arith.constant 0 : i32
    %dma_wait3A_1599 = arith.constant 0 : i32
    %dma_wait3A_1600 = tpu.memref_slice %arg6[%dma_wait3A_1586, %dma_wait3A_1598, %dma_wait3A_1599] : memref<4x512x16xf32, #tpu.memory_space<vmem>> -> memref<1x512x16xf32, #tpu.memory_space<vmem>>
    %dma_wait3A_1601 = tpu.memref_squeeze %dma_wait3A_1600 : memref<1x512x16xf32, #tpu.memory_space<vmem>> -> memref<512x16xf32, #tpu.memory_space<vmem>>
    tpu.wait_dma2 semaphore(%dma_wait3A_1595 : memref<!tpu.dma_semaphore, #tpu.memory_space<semaphore_mem>>) src(%dma_wait3A_1601 : memref<512x16xf32, #tpu.memory_space<vmem>>) dst(%dma_wait3A_1597 : memref<512x16xf32, #tpu.memory_space<hbm>>)
    %dma_wait3A_1602 = arith.constant 1 : i32
    %dma_wait3A_1603 = arith.constant 1 : i32
    %dma_wait3A_1604 = arith.constant 0 : i32
    %dma_wait3A_1605 = arith.constant 0 : i32
    %dma_wait3A_1606 = tpu.memref_slice %arg6[%dma_wait3A_1602, %dma_wait3A_1604, %dma_wait3A_1605] : memref<4x512x16xf32, #tpu.memory_space<vmem>> -> memref<1x512x16xf32, #tpu.memory_space<vmem>>
    %dma_wait3A_1607 = tpu.memref_squeeze %dma_wait3A_1606 : memref<1x512x16xf32, #tpu.memory_space<vmem>> -> memref<512x16xf32, #tpu.memory_space<vmem>>
    %dma_wait3A_1608 = arith.constant 400 : i32
    %dma_wait3A_1609 = tpu.memref_slice %arg4[%mul3A_2, %dma_wait3A_1608] : memref<16384x416xf32, #tpu.memory_space<hbm>> -> memref<512x16xf32, #tpu.memory_space<hbm>>
    %dma_wait3A_1610 = tpu.memref_slice %arg8[%dma_wait3A_1603] : memref<4x!tpu.dma_semaphore, #tpu.memory_space<semaphore_mem>> -> memref<1x!tpu.dma_semaphore, #tpu.memory_space<semaphore_mem>>
    %dma_wait3A_1611 = tpu.memref_squeeze %dma_wait3A_1610 : memref<1x!tpu.dma_semaphore, #tpu.memory_space<semaphore_mem>> -> memref<!tpu.dma_semaphore, #tpu.memory_space<semaphore_mem>>
    %dma_wait3A_1612 = arith.constant 400 : i32
    %dma_wait3A_1613 = tpu.memref_slice %arg4[%mul3A_2, %dma_wait3A_1612] : memref<16384x416xf32, #tpu.memory_space<hbm>> -> memref<512x16xf32, #tpu.memory_space<hbm>>
    %dma_wait3A_1614 = arith.constant 0 : i32
    %dma_wait3A_1615 = arith.constant 0 : i32
    %dma_wait3A_1616 = tpu.memref_slice %arg6[%dma_wait3A_1602, %dma_wait3A_1614, %dma_wait3A_1615] : memref<4x512x16xf32, #tpu.memory_space<vmem>> -> memref<1x512x16xf32, #tpu.memory_space<vmem>>
    %dma_wait3A_1617 = tpu.memref_squeeze %dma_wait3A_1616 : memref<1x512x16xf32, #tpu.memory_space<vmem>> -> memref<512x16xf32, #tpu.memory_space<vmem>>
    tpu.wait_dma2 semaphore(%dma_wait3A_1611 : memref<!tpu.dma_semaphore, #tpu.memory_space<semaphore_mem>>) src(%dma_wait3A_1617 : memref<512x16xf32, #tpu.memory_space<vmem>>) dst(%dma_wait3A_1613 : memref<512x16xf32, #tpu.memory_space<hbm>>)
    return
  }
}

module attributes {stable_mosaic.version = 14 : i64} {
  func.func @_detile_body(%arg0: i32, %arg1: memref<2x16x100000xf32, #tpu.memory_space<vmem>>, %arg2: memref<25000x128xf32, #tpu.memory_space<vmem>>) attributes {dimension_semantics = [#tpu.dimension_semantics<arbitrary>], iteration_bounds = array<i64: 13>, scalar_prefetch = 0 : i64, scratch_operands = 0 : i64, tpu.core_type = #tpu.core_type<tc>, window_params = [{transform_indices = @transform_0, window_bounds = array<i64: 2, 16, 100000>}, {transform_indices = @transform_1, window_bounds = array<i64: 25000, 128>}]} {
    %iota3A = tpu.iota {dimensions = array<i32: 0>} : vector<16x128xi32>
    %iota3A_0 = tpu.iota {dimensions = array<i32: 1>} : vector<16x128xi32>
    %add3A = arith.constant 0 : i32
    %add3A_1 = vector.broadcast %add3A : i32 to vector<16x128xi32>
    %add3A_2 = arith.addi %add3A_1, %iota3A : vector<16x128xi32>
    %eq3A = arith.cmpi eq, %iota3A_0, %add3A_2 : vector<16x128xi32>
    %convert_element_type3A = arith.extui %eq3A : vector<16x128xi1> to vector<16x128xi32>
    %convert_element_type3A_3 = arith.sitofp %convert_element_type3A : vector<16x128xi32> to vector<16x128xf32>
    %add3A_4 = arith.constant 16 : i32
    %add3A_5 = vector.broadcast %add3A_4 : i32 to vector<16x128xi32>
    %add3A_6 = arith.addi %add3A_5, %iota3A : vector<16x128xi32>
    %eq3A_7 = arith.cmpi eq, %iota3A_0, %add3A_6 : vector<16x128xi32>
    %convert_element_type3A_8 = arith.extui %eq3A_7 : vector<16x128xi1> to vector<16x128xi32>
    %convert_element_type3A_9 = arith.sitofp %convert_element_type3A_8 : vector<16x128xi32> to vector<16x128xf32>
    %add3A_10 = arith.constant 32 : i32
    %add3A_11 = vector.broadcast %add3A_10 : i32 to vector<16x128xi32>
    %add3A_12 = arith.addi %add3A_11, %iota3A : vector<16x128xi32>
    %eq3A_13 = arith.cmpi eq, %iota3A_0, %add3A_12 : vector<16x128xi32>
    %convert_element_type3A_14 = arith.extui %eq3A_13 : vector<16x128xi1> to vector<16x128xi32>
    %convert_element_type3A_15 = arith.sitofp %convert_element_type3A_14 : vector<16x128xi32> to vector<16x128xf32>
    %add3A_16 = arith.constant 48 : i32
    %add3A_17 = vector.broadcast %add3A_16 : i32 to vector<16x128xi32>
    %add3A_18 = arith.addi %add3A_17, %iota3A : vector<16x128xi32>
    %eq3A_19 = arith.cmpi eq, %iota3A_0, %add3A_18 : vector<16x128xi32>
    %convert_element_type3A_20 = arith.extui %eq3A_19 : vector<16x128xi1> to vector<16x128xi32>
    %convert_element_type3A_21 = arith.sitofp %convert_element_type3A_20 : vector<16x128xi32> to vector<16x128xf32>
    %add3A_22 = arith.constant 64 : i32
    %add3A_23 = vector.broadcast %add3A_22 : i32 to vector<16x128xi32>
    %add3A_24 = arith.addi %add3A_23, %iota3A : vector<16x128xi32>
    %eq3A_25 = arith.cmpi eq, %iota3A_0, %add3A_24 : vector<16x128xi32>
    %convert_element_type3A_26 = arith.extui %eq3A_25 : vector<16x128xi1> to vector<16x128xi32>
    %convert_element_type3A_27 = arith.sitofp %convert_element_type3A_26 : vector<16x128xi32> to vector<16x128xf32>
    %add3A_28 = arith.constant 80 : i32
    %add3A_29 = vector.broadcast %add3A_28 : i32 to vector<16x128xi32>
    %add3A_30 = arith.addi %add3A_29, %iota3A : vector<16x128xi32>
    %eq3A_31 = arith.cmpi eq, %iota3A_0, %add3A_30 : vector<16x128xi32>
    %convert_element_type3A_32 = arith.extui %eq3A_31 : vector<16x128xi1> to vector<16x128xi32>
    %convert_element_type3A_33 = arith.sitofp %convert_element_type3A_32 : vector<16x128xi32> to vector<16x128xf32>
    %add3A_34 = arith.constant 96 : i32
    %add3A_35 = vector.broadcast %add3A_34 : i32 to vector<16x128xi32>
    %add3A_36 = arith.addi %add3A_35, %iota3A : vector<16x128xi32>
    %eq3A_37 = arith.cmpi eq, %iota3A_0, %add3A_36 : vector<16x128xi32>
    %convert_element_type3A_38 = arith.extui %eq3A_37 : vector<16x128xi1> to vector<16x128xi32>
    %convert_element_type3A_39 = arith.sitofp %convert_element_type3A_38 : vector<16x128xi32> to vector<16x128xf32>
    %add3A_40 = arith.constant 112 : i32
    %add3A_41 = vector.broadcast %add3A_40 : i32 to vector<16x128xi32>
    %add3A_42 = arith.addi %add3A_41, %iota3A : vector<16x128xi32>
    %eq3A_43 = arith.cmpi eq, %iota3A_0, %add3A_42 : vector<16x128xi32>
    %convert_element_type3A_44 = arith.extui %eq3A_43 : vector<16x128xi1> to vector<16x128xi32>
    %convert_element_type3A_45 = arith.sitofp %convert_element_type3A_44 : vector<16x128xi32> to vector<16x128xf32>
    %scan3A = arith.constant 0 : i32
    %scan3A_46 = arith.constant 24 : i32
    %scan3A_47 = arith.addi %scan3A, %scan3A_46 : i32
    %scan3A_48 = arith.constant 1 : i32
    scf.for %scan3A_147 = %scan3A to %scan3A_47 step %scan3A_48  : i32 {
      %jit3A = arith.constant 12 : i32
      %div3A = arith.divsi %scan3A_147, %jit3A : i32
      %sign3A = arith.constant 0 : i32
      %sign3A_148 = arith.cmpi sgt, %scan3A_147, %sign3A : i32
      %sign3A_149 = arith.extui %sign3A_148 : i1 to i32
      %sign3A_150 = arith.constant 0 : i32
      %sign3A_151 = arith.cmpi slt, %scan3A_147, %sign3A_150 : i32
      %sign3A_152 = arith.extui %sign3A_151 : i1 to i32
      %sign3A_153 = arith.subi %sign3A_149, %sign3A_152 : i32
      %sign3A_154 = arith.constant 0 : i32
      %sign3A_155 = arith.cmpi sgt, %jit3A, %sign3A_154 : i32
      %sign3A_156 = arith.extui %sign3A_155 : i1 to i32
      %sign3A_157 = arith.constant 0 : i32
      %sign3A_158 = arith.cmpi slt, %jit3A, %sign3A_157 : i32
      %sign3A_159 = arith.extui %sign3A_158 : i1 to i32
      %sign3A_160 = arith.subi %sign3A_156, %sign3A_159 : i32
      %ne3A = arith.cmpi ne, %sign3A_153, %sign3A_160 : i32
      %rem3A = arith.remsi %scan3A_147, %jit3A : i32
      %ne3A_161 = arith.constant 0 : i32
      %ne3A_162 = arith.cmpi ne, %rem3A, %ne3A_161 : i32
      %and3A = arith.andi %ne3A, %ne3A_162 : i1
      %sub3A = arith.constant 1 : i32
      %sub3A_163 = arith.subi %div3A, %sub3A : i32
      %select_n3A = arith.select %and3A, %sub3A_163, %div3A : i32
      %jit3A_164 = arith.constant 12 : i32
      %eq3A_165 = arith.constant 0 : i32
      %eq3A_166 = arith.cmpi eq, %jit3A_164, %eq3A_165 : i32
      %jit3A_167 = arith.constant 1 : i32
      %select_n3A_168 = arith.select %eq3A_166, %jit3A_167, %jit3A_164 : i32
      %rem3A_169 = arith.remsi %scan3A_147, %select_n3A_168 : i32
      %ne3A_170 = arith.constant 0 : i32
      %ne3A_171 = arith.cmpi ne, %rem3A_169, %ne3A_170 : i32
      %lt3A = arith.constant 0 : i32
      %lt3A_172 = arith.cmpi slt, %rem3A_169, %lt3A : i32
      %lt3A_173 = arith.constant 0 : i32
      %lt3A_174 = arith.cmpi slt, %select_n3A_168, %lt3A_173 : i32
      %ne3A_175 = arith.xori %lt3A_172, %lt3A_174 : i1
      %and3A_176 = arith.andi %ne3A_175, %ne3A_171 : i1
      %add3A_177 = arith.addi %rem3A_169, %select_n3A_168 : i32
      %select_n3A_178 = arith.select %and3A_176, %add3A_177, %rem3A_169 : i32
      %mul3A = arith.constant 8192 : i32
      %mul3A_179 = arith.muli %select_n3A_178, %mul3A : i32
      %get3A_180 = arith.index_cast %select_n3A : i32 to index
      %get3A_181 = arith.constant 0 : index
      %get3A_182 = arith.index_cast %mul3A_179 : i32 to index
      %get3A_183 = vector.load %arg1[%get3A_180, %get3A_181, %get3A_182] : memref<2x16x100000xf32, #tpu.memory_space<vmem>>, vector<1x16x8192xf32>
      %get3A_184 = vector.shape_cast %get3A_183 : vector<1x16x8192xf32> to vector<16x8192xf32>
      %transpose3A_185 = tpu.transpose %get3A_184, [1, 0] : vector<16x8192xf32> -> vector<8192x16xf32>
      %reshape3A_186 = vector.shape_cast %transpose3A_185 : vector<8192x16xf32> to vector<1024x8x16xf32>
      %slice3A_187 = vector.extract_strided_slice %reshape3A_186 {offsets = [0, 0, 0], sizes = [1024, 1, 16], strides = [1, 1, 1]} : vector<1024x8x16xf32> to vector<1024x1x16xf32>
      %squeeze3A_188 = vector.shape_cast %slice3A_187 : vector<1024x1x16xf32> to vector<1024x16xf32>
      %dot_general3A_189 = arith.constant dense<0.000000e+00> : vector<1024x128xf32>
      %dot_general3A_190 = tpu.matmul %squeeze3A_188, %convert_element_type3A_3, %dot_general3A_189 {dimension_numbers = #tpu.dot_dimension_numbers<[1], [0], [0], [1], [0, 0, 1, 1], [], []>, transpose_lhs_hint = false} : vector<1024x16xf32>, vector<16x128xf32>, vector<1024x128xf32> -> vector<1024x128xf32>
      %add3A_191 = arith.constant 0.000000e+00 : f32
      %add3A_192 = vector.broadcast %add3A_191 : f32 to vector<1024x128xf32>
      %add3A_193 = arith.addf %add3A_192, %dot_general3A_190 : vector<1024x128xf32>
      %slice3A_194 = vector.extract_strided_slice %reshape3A_186 {offsets = [0, 1, 0], sizes = [1024, 1, 16], strides = [1, 1, 1]} : vector<1024x8x16xf32> to vector<1024x1x16xf32>
      %squeeze3A_195 = vector.shape_cast %slice3A_194 : vector<1024x1x16xf32> to vector<1024x16xf32>
      %dot_general3A_196 = arith.constant dense<0.000000e+00> : vector<1024x128xf32>
      %dot_general3A_197 = tpu.matmul %squeeze3A_195, %convert_element_type3A_9, %dot_general3A_196 {dimension_numbers = #tpu.dot_dimension_numbers<[1], [0], [0], [1], [0, 0, 1, 1], [], []>, transpose_lhs_hint = false} : vector<1024x16xf32>, vector<16x128xf32>, vector<1024x128xf32> -> vector<1024x128xf32>
      %add3A_198 = arith.addf %add3A_193, %dot_general3A_197 : vector<1024x128xf32>
      %slice3A_199 = vector.extract_strided_slice %reshape3A_186 {offsets = [0, 2, 0], sizes = [1024, 1, 16], strides = [1, 1, 1]} : vector<1024x8x16xf32> to vector<1024x1x16xf32>
      %squeeze3A_200 = vector.shape_cast %slice3A_199 : vector<1024x1x16xf32> to vector<1024x16xf32>
      %dot_general3A_201 = arith.constant dense<0.000000e+00> : vector<1024x128xf32>
      %dot_general3A_202 = tpu.matmul %squeeze3A_200, %convert_element_type3A_15, %dot_general3A_201 {dimension_numbers = #tpu.dot_dimension_numbers<[1], [0], [0], [1], [0, 0, 1, 1], [], []>, transpose_lhs_hint = false} : vector<1024x16xf32>, vector<16x128xf32>, vector<1024x128xf32> -> vector<1024x128xf32>
      %add3A_203 = arith.addf %add3A_198, %dot_general3A_202 : vector<1024x128xf32>
      %slice3A_204 = vector.extract_strided_slice %reshape3A_186 {offsets = [0, 3, 0], sizes = [1024, 1, 16], strides = [1, 1, 1]} : vector<1024x8x16xf32> to vector<1024x1x16xf32>
      %squeeze3A_205 = vector.shape_cast %slice3A_204 : vector<1024x1x16xf32> to vector<1024x16xf32>
      %dot_general3A_206 = arith.constant dense<0.000000e+00> : vector<1024x128xf32>
      %dot_general3A_207 = tpu.matmul %squeeze3A_205, %convert_element_type3A_21, %dot_general3A_206 {dimension_numbers = #tpu.dot_dimension_numbers<[1], [0], [0], [1], [0, 0, 1, 1], [], []>, transpose_lhs_hint = false} : vector<1024x16xf32>, vector<16x128xf32>, vector<1024x128xf32> -> vector<1024x128xf32>
      %add3A_208 = arith.addf %add3A_203, %dot_general3A_207 : vector<1024x128xf32>
      %slice3A_209 = vector.extract_strided_slice %reshape3A_186 {offsets = [0, 4, 0], sizes = [1024, 1, 16], strides = [1, 1, 1]} : vector<1024x8x16xf32> to vector<1024x1x16xf32>
      %squeeze3A_210 = vector.shape_cast %slice3A_209 : vector<1024x1x16xf32> to vector<1024x16xf32>
      %dot_general3A_211 = arith.constant dense<0.000000e+00> : vector<1024x128xf32>
      %dot_general3A_212 = tpu.matmul %squeeze3A_210, %convert_element_type3A_27, %dot_general3A_211 {dimension_numbers = #tpu.dot_dimension_numbers<[1], [0], [0], [1], [0, 0, 1, 1], [], []>, transpose_lhs_hint = false} : vector<1024x16xf32>, vector<16x128xf32>, vector<1024x128xf32> -> vector<1024x128xf32>
      %add3A_213 = arith.addf %add3A_208, %dot_general3A_212 : vector<1024x128xf32>
      %slice3A_214 = vector.extract_strided_slice %reshape3A_186 {offsets = [0, 5, 0], sizes = [1024, 1, 16], strides = [1, 1, 1]} : vector<1024x8x16xf32> to vector<1024x1x16xf32>
      %squeeze3A_215 = vector.shape_cast %slice3A_214 : vector<1024x1x16xf32> to vector<1024x16xf32>
      %dot_general3A_216 = arith.constant dense<0.000000e+00> : vector<1024x128xf32>
      %dot_general3A_217 = tpu.matmul %squeeze3A_215, %convert_element_type3A_33, %dot_general3A_216 {dimension_numbers = #tpu.dot_dimension_numbers<[1], [0], [0], [1], [0, 0, 1, 1], [], []>, transpose_lhs_hint = false} : vector<1024x16xf32>, vector<16x128xf32>, vector<1024x128xf32> -> vector<1024x128xf32>
      %add3A_218 = arith.addf %add3A_213, %dot_general3A_217 : vector<1024x128xf32>
      %slice3A_219 = vector.extract_strided_slice %reshape3A_186 {offsets = [0, 6, 0], sizes = [1024, 1, 16], strides = [1, 1, 1]} : vector<1024x8x16xf32> to vector<1024x1x16xf32>
      %squeeze3A_220 = vector.shape_cast %slice3A_219 : vector<1024x1x16xf32> to vector<1024x16xf32>
      %dot_general3A_221 = arith.constant dense<0.000000e+00> : vector<1024x128xf32>
      %dot_general3A_222 = tpu.matmul %squeeze3A_220, %convert_element_type3A_39, %dot_general3A_221 {dimension_numbers = #tpu.dot_dimension_numbers<[1], [0], [0], [1], [0, 0, 1, 1], [], []>, transpose_lhs_hint = false} : vector<1024x16xf32>, vector<16x128xf32>, vector<1024x128xf32> -> vector<1024x128xf32>
      %add3A_223 = arith.addf %add3A_218, %dot_general3A_222 : vector<1024x128xf32>
      %slice3A_224 = vector.extract_strided_slice %reshape3A_186 {offsets = [0, 7, 0], sizes = [1024, 1, 16], strides = [1, 1, 1]} : vector<1024x8x16xf32> to vector<1024x1x16xf32>
      %squeeze3A_225 = vector.shape_cast %slice3A_224 : vector<1024x1x16xf32> to vector<1024x16xf32>
      %dot_general3A_226 = arith.constant dense<0.000000e+00> : vector<1024x128xf32>
      %dot_general3A_227 = tpu.matmul %squeeze3A_225, %convert_element_type3A_45, %dot_general3A_226 {dimension_numbers = #tpu.dot_dimension_numbers<[1], [0], [0], [1], [0, 0, 1, 1], [], []>, transpose_lhs_hint = false} : vector<1024x16xf32>, vector<16x128xf32>, vector<1024x128xf32> -> vector<1024x128xf32>
      %add3A_228 = arith.addf %add3A_223, %dot_general3A_227 : vector<1024x128xf32>
      %mul3A_229 = arith.constant 12500 : i32
      %mul3A_230 = arith.muli %select_n3A, %mul3A_229 : i32
      %mul3A_231 = arith.constant 1024 : i32
      %mul3A_232 = arith.muli %select_n3A_178, %mul3A_231 : i32
      %add3A_233 = arith.addi %mul3A_230, %mul3A_232 : i32
      %swap3A_234 = arith.index_cast %add3A_233 : i32 to index
      %swap3A_235 = arith.constant 0 : index
      %swap3A_236 = vector.load %arg2[%swap3A_234, %swap3A_235] : memref<25000x128xf32, #tpu.memory_space<vmem>>, vector<1024x128xf32>
      tpu.vector_store %arg2[%swap3A_234, %swap3A_235], %add3A_228 {strides = array<i32>} : memref<25000x128xf32, #tpu.memory_space<vmem>>, vector<1024x128xf32>,
    }
    %scan3A_49 = arith.constant 24 : i32
    %get3A = arith.constant 0 : index
    %get3A_50 = arith.constant 0 : index
    %get3A_51 = arith.constant 98304 : index
    %get3A_52 = vector.load %arg1[%get3A, %get3A_50, %get3A_51] : memref<2x16x100000xf32, #tpu.memory_space<vmem>>, vector<1x16x1696xf32>
    %get3A_53 = vector.shape_cast %get3A_52 : vector<1x16x1696xf32> to vector<16x1696xf32>
    %transpose3A = tpu.transpose %get3A_53, [1, 0] : vector<16x1696xf32> -> vector<1696x16xf32>
    %reshape3A = vector.shape_cast %transpose3A : vector<1696x16xf32> to vector<212x8x16xf32>
    %slice3A = vector.extract_strided_slice %reshape3A {offsets = [0, 0, 0], sizes = [212, 1, 16], strides = [1, 1, 1]} : vector<212x8x16xf32> to vector<212x1x16xf32>
    %squeeze3A = vector.shape_cast %slice3A : vector<212x1x16xf32> to vector<212x16xf32>
    %dot_general3A = arith.constant dense<0.000000e+00> : vector<212x128xf32>
    %dot_general3A_54 = tpu.matmul %squeeze3A, %convert_element_type3A_3, %dot_general3A {dimension_numbers = #tpu.dot_dimension_numbers<[1], [0], [0], [1], [0, 0, 1, 1], [], []>, transpose_lhs_hint = false} : vector<212x16xf32>, vector<16x128xf32>, vector<212x128xf32> -> vector<212x128xf32>
    %add3A_55 = arith.constant 0.000000e+00 : f32
    %add3A_56 = vector.broadcast %add3A_55 : f32 to vector<212x128xf32>
    %add3A_57 = arith.addf %add3A_56, %dot_general3A_54 : vector<212x128xf32>
    %slice3A_58 = vector.extract_strided_slice %reshape3A {offsets = [0, 1, 0], sizes = [212, 1, 16], strides = [1, 1, 1]} : vector<212x8x16xf32> to vector<212x1x16xf32>
    %squeeze3A_59 = vector.shape_cast %slice3A_58 : vector<212x1x16xf32> to vector<212x16xf32>
    %dot_general3A_60 = arith.constant dense<0.000000e+00> : vector<212x128xf32>
    %dot_general3A_61 = tpu.matmul %squeeze3A_59, %convert_element_type3A_9, %dot_general3A_60 {dimension_numbers = #tpu.dot_dimension_numbers<[1], [0], [0], [1], [0, 0, 1, 1], [], []>, transpose_lhs_hint = false} : vector<212x16xf32>, vector<16x128xf32>, vector<212x128xf32> -> vector<212x128xf32>
    %add3A_62 = arith.addf %add3A_57, %dot_general3A_61 : vector<212x128xf32>
    %slice3A_63 = vector.extract_strided_slice %reshape3A {offsets = [0, 2, 0], sizes = [212, 1, 16], strides = [1, 1, 1]} : vector<212x8x16xf32> to vector<212x1x16xf32>
    %squeeze3A_64 = vector.shape_cast %slice3A_63 : vector<212x1x16xf32> to vector<212x16xf32>
    %dot_general3A_65 = arith.constant dense<0.000000e+00> : vector<212x128xf32>
    %dot_general3A_66 = tpu.matmul %squeeze3A_64, %convert_element_type3A_15, %dot_general3A_65 {dimension_numbers = #tpu.dot_dimension_numbers<[1], [0], [0], [1], [0, 0, 1, 1], [], []>, transpose_lhs_hint = false} : vector<212x16xf32>, vector<16x128xf32>, vector<212x128xf32> -> vector<212x128xf32>
    %add3A_67 = arith.addf %add3A_62, %dot_general3A_66 : vector<212x128xf32>
    %slice3A_68 = vector.extract_strided_slice %reshape3A {offsets = [0, 3, 0], sizes = [212, 1, 16], strides = [1, 1, 1]} : vector<212x8x16xf32> to vector<212x1x16xf32>
    %squeeze3A_69 = vector.shape_cast %slice3A_68 : vector<212x1x16xf32> to vector<212x16xf32>
    %dot_general3A_70 = arith.constant dense<0.000000e+00> : vector<212x128xf32>
    %dot_general3A_71 = tpu.matmul %squeeze3A_69, %convert_element_type3A_21, %dot_general3A_70 {dimension_numbers = #tpu.dot_dimension_numbers<[1], [0], [0], [1], [0, 0, 1, 1], [], []>, transpose_lhs_hint = false} : vector<212x16xf32>, vector<16x128xf32>, vector<212x128xf32> -> vector<212x128xf32>
    %add3A_72 = arith.addf %add3A_67, %dot_general3A_71 : vector<212x128xf32>
    %slice3A_73 = vector.extract_strided_slice %reshape3A {offsets = [0, 4, 0], sizes = [212, 1, 16], strides = [1, 1, 1]} : vector<212x8x16xf32> to vector<212x1x16xf32>
    %squeeze3A_74 = vector.shape_cast %slice3A_73 : vector<212x1x16xf32> to vector<212x16xf32>
    %dot_general3A_75 = arith.constant dense<0.000000e+00> : vector<212x128xf32>
    %dot_general3A_76 = tpu.matmul %squeeze3A_74, %convert_element_type3A_27, %dot_general3A_75 {dimension_numbers = #tpu.dot_dimension_numbers<[1], [0], [0], [1], [0, 0, 1, 1], [], []>, transpose_lhs_hint = false} : vector<212x16xf32>, vector<16x128xf32>, vector<212x128xf32> -> vector<212x128xf32>
    %add3A_77 = arith.addf %add3A_72, %dot_general3A_76 : vector<212x128xf32>
    %slice3A_78 = vector.extract_strided_slice %reshape3A {offsets = [0, 5, 0], sizes = [212, 1, 16], strides = [1, 1, 1]} : vector<212x8x16xf32> to vector<212x1x16xf32>
    %squeeze3A_79 = vector.shape_cast %slice3A_78 : vector<212x1x16xf32> to vector<212x16xf32>
    %dot_general3A_80 = arith.constant dense<0.000000e+00> : vector<212x128xf32>
    %dot_general3A_81 = tpu.matmul %squeeze3A_79, %convert_element_type3A_33, %dot_general3A_80 {dimension_numbers = #tpu.dot_dimension_numbers<[1], [0], [0], [1], [0, 0, 1, 1], [], []>, transpose_lhs_hint = false} : vector<212x16xf32>, vector<16x128xf32>, vector<212x128xf32> -> vector<212x128xf32>
    %add3A_82 = arith.addf %add3A_77, %dot_general3A_81 : vector<212x128xf32>
    %slice3A_83 = vector.extract_strided_slice %reshape3A {offsets = [0, 6, 0], sizes = [212, 1, 16], strides = [1, 1, 1]} : vector<212x8x16xf32> to vector<212x1x16xf32>
    %squeeze3A_84 = vector.shape_cast %slice3A_83 : vector<212x1x16xf32> to vector<212x16xf32>
    %dot_general3A_85 = arith.constant dense<0.000000e+00> : vector<212x128xf32>
    %dot_general3A_86 = tpu.matmul %squeeze3A_84, %convert_element_type3A_39, %dot_general3A_85 {dimension_numbers = #tpu.dot_dimension_numbers<[1], [0], [0], [1], [0, 0, 1, 1], [], []>, transpose_lhs_hint = false} : vector<212x16xf32>, vector<16x128xf32>, vector<212x128xf32> -> vector<212x128xf32>
    %add3A_87 = arith.addf %add3A_82, %dot_general3A_86 : vector<212x128xf32>
    %slice3A_88 = vector.extract_strided_slice %reshape3A {offsets = [0, 7, 0], sizes = [212, 1, 16], strides = [1, 1, 1]} : vector<212x8x16xf32> to vector<212x1x16xf32>
    %squeeze3A_89 = vector.shape_cast %slice3A_88 : vector<212x1x16xf32> to vector<212x16xf32>
    %dot_general3A_90 = arith.constant dense<0.000000e+00> : vector<212x128xf32>
    %dot_general3A_91 = tpu.matmul %squeeze3A_89, %convert_element_type3A_45, %dot_general3A_90 {dimension_numbers = #tpu.dot_dimension_numbers<[1], [0], [0], [1], [0, 0, 1, 1], [], []>, transpose_lhs_hint = false} : vector<212x16xf32>, vector<16x128xf32>, vector<212x128xf32> -> vector<212x128xf32>
    %add3A_92 = arith.addf %add3A_87, %dot_general3A_91 : vector<212x128xf32>
    %swap3A = arith.constant 12288 : index
    %swap3A_93 = arith.constant 0 : index
    %swap3A_94 = vector.load %arg2[%swap3A, %swap3A_93] : memref<25000x128xf32, #tpu.memory_space<vmem>>, vector<212x128xf32>
    tpu.vector_store %arg2[%swap3A, %swap3A_93], %add3A_92 {strides = array<i32>} : memref<25000x128xf32, #tpu.memory_space<vmem>>, vector<212x128xf32>,
    %get3A_95 = arith.constant 1 : index
    %get3A_96 = arith.constant 0 : index
    %get3A_97 = arith.constant 98304 : index
    %get3A_98 = vector.load %arg1[%get3A_95, %get3A_96, %get3A_97] : memref<2x16x100000xf32, #tpu.memory_space<vmem>>, vector<1x16x1696xf32>
    %get3A_99 = vector.shape_cast %get3A_98 : vector<1x16x1696xf32> to vector<16x1696xf32>
    %transpose3A_100 = tpu.transpose %get3A_99, [1, 0] : vector<16x1696xf32> -> vector<1696x16xf32>
    %reshape3A_101 = vector.shape_cast %transpose3A_100 : vector<1696x16xf32> to vector<212x8x16xf32>
    %slice3A_102 = vector.extract_strided_slice %reshape3A_101 {offsets = [0, 0, 0], sizes = [212, 1, 16], strides = [1, 1, 1]} : vector<212x8x16xf32> to vector<212x1x16xf32>
    %squeeze3A_103 = vector.shape_cast %slice3A_102 : vector<212x1x16xf32> to vector<212x16xf32>
    %dot_general3A_104 = arith.constant dense<0.000000e+00> : vector<212x128xf32>
    %dot_general3A_105 = tpu.matmul %squeeze3A_103, %convert_element_type3A_3, %dot_general3A_104 {dimension_numbers = #tpu.dot_dimension_numbers<[1], [0], [0], [1], [0, 0, 1, 1], [], []>, transpose_lhs_hint = false} : vector<212x16xf32>, vector<16x128xf32>, vector<212x128xf32> -> vector<212x128xf32>
    %add3A_106 = arith.constant 0.000000e+00 : f32
    %add3A_107 = vector.broadcast %add3A_106 : f32 to vector<212x128xf32>
    %add3A_108 = arith.addf %add3A_107, %dot_general3A_105 : vector<212x128xf32>
    %slice3A_109 = vector.extract_strided_slice %reshape3A_101 {offsets = [0, 1, 0], sizes = [212, 1, 16], strides = [1, 1, 1]} : vector<212x8x16xf32> to vector<212x1x16xf32>
    %squeeze3A_110 = vector.shape_cast %slice3A_109 : vector<212x1x16xf32> to vector<212x16xf32>
    %dot_general3A_111 = arith.constant dense<0.000000e+00> : vector<212x128xf32>
    %dot_general3A_112 = tpu.matmul %squeeze3A_110, %convert_element_type3A_9, %dot_general3A_111 {dimension_numbers = #tpu.dot_dimension_numbers<[1], [0], [0], [1], [0, 0, 1, 1], [], []>, transpose_lhs_hint = false} : vector<212x16xf32>, vector<16x128xf32>, vector<212x128xf32> -> vector<212x128xf32>
    %add3A_113 = arith.addf %add3A_108, %dot_general3A_112 : vector<212x128xf32>
    %slice3A_114 = vector.extract_strided_slice %reshape3A_101 {offsets = [0, 2, 0], sizes = [212, 1, 16], strides = [1, 1, 1]} : vector<212x8x16xf32> to vector<212x1x16xf32>
    %squeeze3A_115 = vector.shape_cast %slice3A_114 : vector<212x1x16xf32> to vector<212x16xf32>
    %dot_general3A_116 = arith.constant dense<0.000000e+00> : vector<212x128xf32>
    %dot_general3A_117 = tpu.matmul %squeeze3A_115, %convert_element_type3A_15, %dot_general3A_116 {dimension_numbers = #tpu.dot_dimension_numbers<[1], [0], [0], [1], [0, 0, 1, 1], [], []>, transpose_lhs_hint = false} : vector<212x16xf32>, vector<16x128xf32>, vector<212x128xf32> -> vector<212x128xf32>
    %add3A_118 = arith.addf %add3A_113, %dot_general3A_117 : vector<212x128xf32>
    %slice3A_119 = vector.extract_strided_slice %reshape3A_101 {offsets = [0, 3, 0], sizes = [212, 1, 16], strides = [1, 1, 1]} : vector<212x8x16xf32> to vector<212x1x16xf32>
    %squeeze3A_120 = vector.shape_cast %slice3A_119 : vector<212x1x16xf32> to vector<212x16xf32>
    %dot_general3A_121 = arith.constant dense<0.000000e+00> : vector<212x128xf32>
    %dot_general3A_122 = tpu.matmul %squeeze3A_120, %convert_element_type3A_21, %dot_general3A_121 {dimension_numbers = #tpu.dot_dimension_numbers<[1], [0], [0], [1], [0, 0, 1, 1], [], []>, transpose_lhs_hint = false} : vector<212x16xf32>, vector<16x128xf32>, vector<212x128xf32> -> vector<212x128xf32>
    %add3A_123 = arith.addf %add3A_118, %dot_general3A_122 : vector<212x128xf32>
    %slice3A_124 = vector.extract_strided_slice %reshape3A_101 {offsets = [0, 4, 0], sizes = [212, 1, 16], strides = [1, 1, 1]} : vector<212x8x16xf32> to vector<212x1x16xf32>
    %squeeze3A_125 = vector.shape_cast %slice3A_124 : vector<212x1x16xf32> to vector<212x16xf32>
    %dot_general3A_126 = arith.constant dense<0.000000e+00> : vector<212x128xf32>
    %dot_general3A_127 = tpu.matmul %squeeze3A_125, %convert_element_type3A_27, %dot_general3A_126 {dimension_numbers = #tpu.dot_dimension_numbers<[1], [0], [0], [1], [0, 0, 1, 1], [], []>, transpose_lhs_hint = false} : vector<212x16xf32>, vector<16x128xf32>, vector<212x128xf32> -> vector<212x128xf32>
    %add3A_128 = arith.addf %add3A_123, %dot_general3A_127 : vector<212x128xf32>
    %slice3A_129 = vector.extract_strided_slice %reshape3A_101 {offsets = [0, 5, 0], sizes = [212, 1, 16], strides = [1, 1, 1]} : vector<212x8x16xf32> to vector<212x1x16xf32>
    %squeeze3A_130 = vector.shape_cast %slice3A_129 : vector<212x1x16xf32> to vector<212x16xf32>
    %dot_general3A_131 = arith.constant dense<0.000000e+00> : vector<212x128xf32>
    %dot_general3A_132 = tpu.matmul %squeeze3A_130, %convert_element_type3A_33, %dot_general3A_131 {dimension_numbers = #tpu.dot_dimension_numbers<[1], [0], [0], [1], [0, 0, 1, 1], [], []>, transpose_lhs_hint = false} : vector<212x16xf32>, vector<16x128xf32>, vector<212x128xf32> -> vector<212x128xf32>
    %add3A_133 = arith.addf %add3A_128, %dot_general3A_132 : vector<212x128xf32>
    %slice3A_134 = vector.extract_strided_slice %reshape3A_101 {offsets = [0, 6, 0], sizes = [212, 1, 16], strides = [1, 1, 1]} : vector<212x8x16xf32> to vector<212x1x16xf32>
    %squeeze3A_135 = vector.shape_cast %slice3A_134 : vector<212x1x16xf32> to vector<212x16xf32>
    %dot_general3A_136 = arith.constant dense<0.000000e+00> : vector<212x128xf32>
    %dot_general3A_137 = tpu.matmul %squeeze3A_135, %convert_element_type3A_39, %dot_general3A_136 {dimension_numbers = #tpu.dot_dimension_numbers<[1], [0], [0], [1], [0, 0, 1, 1], [], []>, transpose_lhs_hint = false} : vector<212x16xf32>, vector<16x128xf32>, vector<212x128xf32> -> vector<212x128xf32>
    %add3A_138 = arith.addf %add3A_133, %dot_general3A_137 : vector<212x128xf32>
    %slice3A_139 = vector.extract_strided_slice %reshape3A_101 {offsets = [0, 7, 0], sizes = [212, 1, 16], strides = [1, 1, 1]} : vector<212x8x16xf32> to vector<212x1x16xf32>
    %squeeze3A_140 = vector.shape_cast %slice3A_139 : vector<212x1x16xf32> to vector<212x16xf32>
    %dot_general3A_141 = arith.constant dense<0.000000e+00> : vector<212x128xf32>
    %dot_general3A_142 = tpu.matmul %squeeze3A_140, %convert_element_type3A_45, %dot_general3A_141 {dimension_numbers = #tpu.dot_dimension_numbers<[1], [0], [0], [1], [0, 0, 1, 1], [], []>, transpose_lhs_hint = false} : vector<212x16xf32>, vector<16x128xf32>, vector<212x128xf32> -> vector<212x128xf32>
    %add3A_143 = arith.addf %add3A_138, %dot_general3A_142 : vector<212x128xf32>
    %swap3A_144 = arith.constant 24788 : index
    %swap3A_145 = arith.constant 0 : index
    %swap3A_146 = vector.load %arg2[%swap3A_144, %swap3A_145] : memref<25000x128xf32, #tpu.memory_space<vmem>>, vector<212x128xf32>
    tpu.vector_store %arg2[%swap3A_144, %swap3A_145], %add3A_143 {strides = array<i32>} : memref<25000x128xf32, #tpu.memory_space<vmem>>, vector<212x128xf32>,
    return
  }
  func.func @transform_0(%arg0: i32) -> (i32, i32, i32) {
    %c0_i32 = arith.constant 0 : i32
    %c0_i32_0 = arith.constant 0 : i32
    %c0_i32_1 = arith.constant 0 : i32
    return %arg0, %c0_i32, %c0_i32_0 : i32, i32, i32
  }
  func.func @transform_1(%arg0: i32) -> (i32, i32) {
    %c0_i32 = arith.constant 0 : i32
    %c0_i32_0 = arith.constant 0 : i32
    return %arg0, %c0_i32 : i32, i32
  }
}

</mosaic_0001>

<sc_bundles>
// kernel: kernel.4.cloned.1.call-start
scs
__scs_entry_jumppad:
0x0: {  	(pc) =	sbr.rel $0x88, $3  }
0x1: {  	(tag) =	ssettag $0x0;
	lr =	simm.s32 $0x1  }
0x2: {  	[smem:$0x3F9F] =	sst lr;
	_ =	strace $0xD0000000  }
0x3: {  	_ = 	snop  }
0x4: {  	_ = 	snop  }
0x5: {  	_ = 	snop  }
0x6: {  	_ = 	snop  }
0x7: {  	_ = 	snop  }
__scs_overlays_trampoline_lowered:
0x8: {  	[smem:$0x3FAE] =	sst s0  }
0x9: {  	[smem:$0x3FAF] =	sst s1  }
0xa: {  	[smem:$0x3FB0] =	sst s2  }
0xb: {  	[smem:$0x3FB1] =	sst s3  }
0xc: {  	[smem:$0x3FB2] =	sst s4  }
0xd: {  	[smem:$0x3FB3] =	sst s5  }
0xe: {  	[smem:$0x3FB4] =	sst s6  }
0xf: {  	[smem:$0x3FB5] =	sst s7  }
0x10: {  	[smem:$0x3FB6] =	sst s8  }
0x11: {  	[smem:$0x3FB7] =	sst s9;
	s0 =	simm.s32 @!p0 $0x0  }
0x12: {  	s1 =	sld [smem:$0x3F9D];
	s0 =	simm.s32 @p0 $0x1  }
0x13: {  	[smem:$0x3FB8] =	sst s0;
	s0 =	simm.s32 @!p1 $0x0  }
0x14: {  	s2 =	sld [smem:$0x3F9C];
	s0 =	simm.s32 @p1 $0x1  }
0x15: {  	[smem:$0x3FB9] =	sst s0;
	s0 =	simm.s32 @!p2 $0x0  }
0x16: {  	s3 =	sld [smem:$0x3FDB];
	s0 =	simm.s32 @p2 $0x1  }
0x17: {  	s4 =	simm.s32 $0x1BF5;
	[smem:$0x3FBB] =	sst s0  }
0x18: {  	s0 =	sld [smem:$0x3F9E];
	_ =	swait.ge [sflag:s4], $0x0  }
0x19: {  	s7 =	sld [smem:$0x3F9F]  }
0x1a: {  	s8 =	sadd.s32 $0xFFFFE003, lr  }
0x1b: {  	s9 =	sadd.s32 $0xFFFFFEF7, lr;
	s5 =	simm.s32 $0xFFFFFFFF;
	p2 =	slt.u32 s8, $0xFFFFF086  }
0x1c: {  	p1 =	slt.u32 s9, $0xF7A;
	s5 =	simm.s32 @!p2 $0x0  }
0x1d: {  	s5 =	simm.s32 @p1 $0x1;
	p0 =	seq.s32 s7, s2  }
0x1e: {  	s7 =	smul.u32 @!p0 $0xF7A, s2;
	p2 =	seq.s32 @!p0 s5, $0x0  }
0x1f: {  	s9 =	smul.u32 $0xF7A, s1;
	s8 =	simm.s32 @!p0 $0x1BF5;
	p2 =	por !p2, p0  }
0x20: {  	[sflag:s8] =	ssyncset.s32 @!p0 $0xFFFFF086;
	s6 =	sadd.s32 @!p0 s3, s7;
	s7 =	simm.s32 @!p0 $0x108  }
0x21: {  	s3 =	sadd.s32 s3, s9;
	s6 =	sadd.s32 @!p0 $0x88, s6;
	s7 =	simm.s32 @p2 $0x1082  }
0x22: {  	[simem:s7], [sflag:s8] =	dma.local @!p0 [hbm:s6], $0xF7A  }
0x23: {  	s9 =	sor.u32 $0xD0000000, s2;
	s6 =	simm.s32 $0x108;
	_ =	swait.ge @!p0 [sflag:s8], $0x0  }
0x24: {  	s3 =	sadd.s32 $0x88, s3;
	s6 =	simm.s32 @!p1 $0x1082;
	[sflag:s4] =	ssyncset.s32 $0xFFFFF086  }
0x25: {  	[simem:s6], [sflag:s4] =	dma.local [hbm:s3], $0xF7A  }
0x26: {  	[smem:$0x3F9F] =	sst s1;
	(tag) =	ssettag s2;
	_ =	strace s9  }
0x27: {  	s1 =	sld [smem:$0x3FAF]  }
0x28: {  	s2 =	sld [smem:$0x3FB0]  }
0x29: {  	s4 =	sld [smem:$0x3FB2]  }
0x2a: {  	p0 =	seq.s32 s5, $0x0;
	s5 =	sld [smem:$0x3FB3]  }
0x2b: {  	s6 =	sld [smem:$0x3FB4]  }
0x2c: {  	s7 =	sld [smem:$0x3FB5]  }
0x2d: {  	s3 =	simm.s32 $0x108;
	s8 =	sld [smem:$0x3FB6]  }
0x2e: {  	s3 =	simm.s32 @!p0 $0x1082;
	s9 =	sld [smem:$0x3FB7]  }
0x2f: {  	lr =	sadd.s32 s0, s3;
	s0 =	sld [smem:$0x3FAE]  }
0x30: {  	s3 =	sld [smem:$0x3FB1]  }
0x31: {  	[smem:$0x3FBA] =	sst s10  }
0x32: {  	s10 =	sld [smem:$0x3FB8];
	_ =	sdelay $0x3  }
0x33: {  	p0 =	seq.s32 s10, $0x1;
	s10 =	sld [smem:$0x3FBA];
	_ =	sdelay $0x3  }
0x34: {  	[smem:$0x3FBA] =	sst s10  }
0x35: {  	s10 =	sld [smem:$0x3FB9];
	_ =	sdelay $0x3  }
0x36: {  	p1 =	seq.s32 s10, $0x1;
	s10 =	sld [smem:$0x3FBA];
	_ =	sdelay $0x3  }
0x37: {  	[smem:$0x3FBA] =	sst s10  }
0x38: {  	s10 =	sld [smem:$0x3FBB]  }
0x39: {  	_ = 	snop;
	(pc) =	sbr.ind lr, $3  }
0x3a: {  	_ = 	snop  }
0x3b: {  	_ = 	snop  }
0x3c: {  	p2 =	seq.s32 s10, $0x1;
	s10 =	sld [smem:$0x3FBA]  }
0x3d: {  	_ =	shalt  }
0x3e: {  	_ =	shalt  }
0x3f: {  	_ =	shalt  }
0x40: {  	_ =	shalt  }
0x41: {  	_ =	shalt  }
0x42: {  	_ =	shalt  }
0x43: {  	_ =	shalt  }
0x44: {  	_ =	shalt  }
0x45: {  	_ =	shalt  }
0x46: {  	_ =	shalt  }
0x47: {  	_ =	shalt  }
0x48: {  	_ =	shalt  }
0x49: {  	_ =	shalt  }
0x4a: {  	_ =	shalt  }
0x4b: {  	_ =	shalt  }
0x4c: {  	_ =	shalt  }
0x4d: {  	_ =	shalt  }
0x4e: {  	_ =	shalt  }
0x4f: {  	_ =	shalt  }
0x50: {  	_ =	shalt  }
0x51: {  	_ =	shalt  }
0x52: {  	_ =	shalt  }
0x53: {  	_ =	shalt  }
0x54: {  	_ =	shalt  }
0x55: {  	_ =	shalt  }
0x56: {  	_ =	shalt  }
0x57: {  	_ =	shalt  }
0x58: {  	_ =	shalt  }
0x59: {  	_ =	shalt  }
0x5a: {  	_ =	shalt  }
0x5b: {  	_ =	shalt  }
0x5c: {  	_ =	shalt  }
0x5d: {  	_ =	shalt  }
0x5e: {  	_ =	shalt  }
0x5f: {  	_ =	shalt  }
0x60: {  	_ =	shalt  }
0x61: {  	_ =	shalt  }
0x62: {  	_ =	shalt  }
0x63: {  	_ =	shalt  }
0x64: {  	_ =	shalt  }
0x65: {  	_ =	shalt  }
0x66: {  	_ =	shalt  }
0x67: {  	_ =	shalt  }
0x68: {  	_ =	shalt  }
0x69: {  	_ =	shalt  }
0x6a: {  	_ =	shalt  }
0x6b: {  	_ =	shalt  }
0x6c: {  	_ =	shalt  }
0x6d: {  	_ =	shalt  }
0x6e: {  	_ =	shalt  }
0x6f: {  	_ =	shalt  }
0x70: {  	_ =	shalt  }
0x71: {  	_ =	shalt  }
0x72: {  	_ =	shalt  }
0x73: {  	_ =	shalt  }
0x74: {  	_ =	shalt  }
0x75: {  	_ =	shalt  }
0x76: {  	_ =	shalt  }
0x77: {  	_ =	shalt  }
0x78: {  	_ =	shalt  }
0x79: {  	_ =	shalt  }
0x7a: {  	_ =	shalt  }
0x7b: {  	_ =	shalt  }
0x7c: {  	_ =	shalt  }
0x7d: {  	_ =	shalt  }
0x7e: {  	_ =	shalt  }
0x7f: {  	_ =	shalt  }
0x80: {  	_ =	shalt  }
0x81: {  	_ =	shalt  }
0x82: {  	_ =	shalt  }
0x83: {  	_ =	shalt  }
0x84: {  	_ =	shalt  }
0x85: {  	_ =	shalt  }
0x86: {  	_ =	shalt  }
0x87: {  	_ =	shalt  }
.Lfunc_end0:
.L_simem_size_0:
called_computation_lowered:
.L_overlay_start_0:
0x88: {  	s2 =	sld [smem:$0x3FD9]  }
0x89: {  	s3 =	sld [smem:$0x3FFE];
	_ =	sdelay $0x1  }
0x8a: {  	s1 =	srdreg.scid  }
0x8b: {  	s0 =	sand.u32 $0x1, s1  }
0x8c: {  	s17 =	sshll.u32 s0, $0xA;
	s2 =	sadd.s32 s3, s2  }
0x8d: {  	s2 =	sadd.s32 s2, s17  }
0x8e: {  	[smem:$0x3FC6] =	sst s2  }
0x8f: {  	_ = 	snop  }
0x90: {  	s2 =	sld [smem:$0x3FD0];
	(tm) =	ssettm $0x1  }
0x91: {  	s18 =	sld [smem:$0x3FFB];
	_ =	sdelay $0x3  }
0x92: {  	_ =	strace s18  }
0x93: {  	s3 =	sld [smem:$0x3FFC];
	_ =	sdelay $0x3  }
0x94: {  	_ =	strace s3  }
0x95: {  	s3 =	sld [smem:$0x3FFD];
	_ =	sdelay $0x3  }
0x96: {  	_ =	strace s3  }
0x97: {  	_ =	strace $0x8FFFFFFF  }
0x98: {  	s19 =	sld [smem:$0x3FDB];
	_ =	sdelay $0x1  }
0x99: {  	s4 =	simm.s32 $_scs_section_size  }
0x9a: {  	s5 =	simm.s32 $_size__tile_overlayer_lowered;
	s6 =	simm.s32 $_tile_overlayer_lowered  }
0x9b: {  	s22 =	simm.s32 $0x1BFF;
	s21 =	sshll.u32 s6, $0x1;
	s3 =	sadd.s32 s4, s19  }
0x9c: {  	s7 =	simm.s32 $0x0;
	s20 =	sshll.u32 s5, $0x1;
	s5 =	sadd.s32 s21, s3  }
0x9d: {  	[timem:s7], [sflag:s22] =	dma.local [hbm:s5], s20  }
0x9e: {  	_ =	swait.ge [sflag:s22], s20  }
0x9f: {  	s4 =	ssub.s32 $0x0, s20;
	[sflag:s22] =	ssyncset.done $0x0  }
0xa0: {  	[sflag:s22] =	ssyncadd.s32 s4;
	_ =	sdelay $0x1  }
0xa1: {  	s23 =	simm.s32 $0x1B8B  }
0xa2: {  	_ =	swait.ge [sflag:s23], $0x1  }
0xa3: {  	[sflag:s23] =	ssyncset.done $0x0  }
0xa4: {  	s25 =	simm.s32 $0x1B8E;
	s24 =	sld [smem:$0x3FFE];
	[sflag:s23] =	ssyncadd.s32 $0xFFFFFFFF  }
0xa5: {  	s26 =	simm.s32 $execute0_lowered;
	[smem:$0x3FD2] =	sst s25  }
0xa6: {  	s5 =	sshll.u32 s26, $0x1;
	_ =	strace $0x80000046;
	[dreg:$0x1] =	wrdreg $0xFFFFFFFF  }
0xa7: {  	s28 =	simm.s32 $_size_execute0_lowered;
	s3 =	sadd.s32 s3, s5;
	[dreg:$0x0] =	wrdreg $0x0  }
0xa8: {  	s5 =	sshll.u32 s28, $0x1;
	[dreg:$0x2] =	wrdreg s3  }
0xa9: {  	[dreg:$0x3] =	wrdreg s5  }
0xaa: {  	[dreg:$0x4] =	wrdreg $0xC0  }
0xab: {  	_ =	task [dreg:s7], $0x5FFFF  }
0xac: {  	[dreg:$0x1] =	wrdreg $0xFFFFFFFF  }
0xad: {  	[dreg:$0x0] =	wrdreg $0x60  }
0xae: {  	[dreg:$0x2] =	wrdreg s24  }
0xaf: {  	[dreg:$0x3] =	wrdreg s2  }
0xb0: {  	[dreg:$0x4] =	wrdreg $0x9  }
0xb1: {  	_ =	task.clear_ibuf [dreg:s7], $0x5FFFF;
	_ =	strace $0x90000046  }
0xb2: {  	s29 =	simm.s32 $0x9;
	_ =	strace $0x80000048  }
0xb3: {  	_ =	swait.ge [sflag:s29], $0x1  }
0xb4: {  	[sflag:s29] =	ssyncadd.s32 $0xFFFFFFFF  }
0xb5: {  	_ =	strace $0x90000048  }
0xb6: {  	_ =	sfence  }
0xb7: {  	s30 =	sld [smem:$0x0];
	_ =	sdelay $0x2  }
0xb8: {  	s31 =	sshll.u32 s1, $0xD;
	s1 =	sshrl.u32 s1, $0x2  }
0xb9: {  	s3 =	sand.u32 $0x4000, s31;
	s1 =	sadd.s32 s1, s30  }
0xba: {  	s0 =	sor.u32 s3, s0;
	s1 =	sshll.u32 s1, $0x11  }
0xbb: {  	s0 =	sor.u32 s1, s0  }
0xbc: {  	s0 =	sadd.s32 $0x8F2B, s0  }
0xbd: {  	[sflag:s0] =	ssyncadd.remote.s32 $0x1  }
0xbe: {  	_ =	sfence.sel $0xFFFF  }
0xbf: {  	[dreg:$0x0] =	wrdreg $0xFFFFFFFF;
	(pc) =	sbr.abs _section_cstart, $3  }
0xc0: {  	[dreg:$0x1] =	wrdreg $0xFFFFFFFF  }
0xc1: {  	_ =	task.clear_ibuf [dreg:s7], $0x2FFFF;
	_ =	strace $0x9FFFFFFF  }
0xc2: {  	(tm) =	ssettm $0x7FFFFFFF  }
0xc3: {  	_ =	shalt  }
tec
execute0_lowered:
.L_overlay_start_1:
0x0: {  	(tag) =	ssettag $0x1  }
0x1: {  	s2 =	srdreg.scid  }
0x2: {  	s4 =	stileid.u32;
	s3 =	sand.u32 $0x1, s2  }
0x3: {  	s0 =	rddreg [dreg:$0x0];
	s4 =	sshll.u32 s4, $0xA;
	s5 =	sshll.u32 s3, $0x9  }
0x4: {  	s1 =	rddreg [dreg:$0x1];
	s4 =	sor.u32 s5, s4  }
0x5: {  	s2 =	simm.s32 $0x0;
	s6 =	smul.u32 $0x34, s4;
	s4 =	sshrl.u32 s4, $0x3  }
0x6: {  	s26 =	ssub.s32 $0x2, s3;
	s3 =	sadd.s32 $0xD400, s0;
	s0 =	sadd.s32 s4, s0  }
0x7: {  	[smem:$0x7FF] =	sst s2;
	s4 =	sadd.s32 s1, s6;
	s0 =	sadd.s32 $0x400, s0  }
0x8: {  	_ =	strace $0x80000047;
	[dreg:$0x3] =	wrdreg s0;
	s8 =	sadd.s32 $0x2, s4  }
0x9: {  	s9 =	sadd.s32 $0x4, s4;
	[dreg:$0x4] =	wrdreg s8  }
0xa: {  	s10 =	sadd.s32 $0x6, s4;
	[dreg:$0x5] =	wrdreg s9  }
0xb: {  	s11 =	sadd.s32 $0x8, s4;
	[dreg:$0x6] =	wrdreg s10  }
0xc: {  	s12 =	sadd.s32 $0xA, s4;
	[dreg:$0x7] =	wrdreg s11  }
0xd: {  	s13 =	sadd.s32 $0xC, s4;
	[dreg:$0x8] =	wrdreg s12  }
0xe: {  	s14 =	sadd.s32 $0xE, s4;
	[dreg:$0x9] =	wrdreg s13  }
0xf: {  	s15 =	sadd.s32 $0x10, s4;
	[dreg:$0xa] =	wrdreg s14  }
0x10: {  	s16 =	sadd.s32 $0x12, s4;
	[dreg:$0xb] =	wrdreg s15  }
0x11: {  	s17 =	sadd.s32 $0x14, s4;
	[dreg:$0xc] =	wrdreg s16  }
0x12: {  	s7 =	sshrl.u32 s26, $0x1;
	s18 =	sadd.s32 $0x16, s4;
	[dreg:$0xd] =	wrdreg s17  }
0x13: {  	s5 =	ssub.s32 s26, s7;
	s19 =	sadd.s32 $0x18, s4;
	[dreg:$0xe] =	wrdreg s18  }
0x14: {  	s7 =	simm.s32 $0x5400;
	s20 =	sadd.s32 $0x1A, s4;
	[dreg:$0xf] =	wrdreg s19  }
0x15: {  	s1 =	simm.s32 $0x200;
	s21 =	sadd.s32 $0x1C, s4;
	[dreg:$0x10] =	wrdreg s20  }
0x16: {  	s6 =	simm.s32 $0x3400;
	s22 =	sadd.s32 $0x1E, s4;
	[dreg:$0x11] =	wrdreg s21  }
0x17: {  	s23 =	sadd.s32 $0x20, s4;
	s24 =	sadd.s32 $0x22, s4;
	[dreg:$0x12] =	wrdreg s22  }
0x18: {  	s25 =	sadd.s32 $0x24, s4;
	s26 =	sadd.s32 $0x26, s4;
	[dreg:$0x13] =	wrdreg s23  }
0x19: {  	s28 =	sadd.s32 $0x2A, s4;
	s29 =	sadd.s32 $0x2C, s4;
	[dreg:$0x14] =	wrdreg s24  }
0x1a: {  	s30 =	sadd.s32 $0x2E, s4;
	s31 =	sadd.s32 $0x30, s4;
	[dreg:$0x15] =	wrdreg s25  }
0x1b: {  	s0 =	sadd.s32 $0x32, s4;
	[dreg:$0x16] =	wrdreg s26;
	s25 =	smax.u32 s5, $0x1  }
0x1c: {  	s26 =	sadd.s32 $0x28, s4;
	s5 =	simm.s32 $0x9;
	s8 =	simm.s32 $0x7400  }
0x1d: {  	s9 =	simm.s32 $0x1;
	s10 =	simm.s32 $0x10;
	s11 =	simm.s32 $0x1A0  }
0x1e: {  	s12 =	simm.s32 $0x9400;
	s13 =	simm.s32 $0x2;
	s14 =	simm.s32 $0x5  }
0x1f: {  	s15 =	simm.s32 $0x3;
	s16 =	simm.s32 $0x6;
	s17 =	simm.s32 $0x4  }
0x20: {  	s18 =	simm.s32 $0x7;
	s19 =	simm.s32 $0x8;
	s20 =	simm.s32 $0x0  }
.LBB2_1:
0x21: {  	s21 =	rddreg [dreg:$0x3];
	s22 =	simm.s32 $0x4000  }
0x22: {  	[tilespmem:s2], [sflag:$0x9] =	stream.strided.gather [hbm4b:s21+s1], $0x3400, s22, s1, $0x38;
	[tilespmem:$0xB400] =	vst v63  }
0x23: {  	_ =	swait.ge [sflag:s5], $0x3400  }
0x24: {  	[sflag:s5] =	ssyncset.done $0x0  }
0x25: {  	[sflag:s5] =	ssyncadd.s32 $0xFFFFCC00  }
0x26: {  	s23 =	simm.s32 $0x0;
	s22 =	simm.s32 $0x1;
	s21 =	simm.s32 $0x0;
	v0 =	vld [tilespmem:s2+$0x0]  }
.LBB2_2:
0x27: {  	p0 =	sne.s32 s22, $0x33F;
	s24 =	sshrl.u32 s23, $0x5  }
0x28: {  	s23 =	smov.u32 s22;
	s24 =	smul.u32 $0x186A0, s24  }
.Ltmp0:
0x29: {  	(pc) =	sbr.rel @p0 .LBB2_2-.Ltmp0, $4  }
0x2a: {  	_ = 	snop  }
0x2b: {  	v0 =	vadd.s32 s24, v0  }
0x2c: {  	[tilespmem:s21+$0x0] =	vst v0;
	s21 =	sadd.s32 $0x10, s21  }
0x2d: {  	s22 =	sadd.s32 $0x1, s22;
	v0 =	vld [tilespmem:s21+$0x0]  }
0x2e: {  	_ = 	snop  }
0x2f: {  	s22 =	sshrl.u32 s23, $0x5  }
0x30: {  	s22 =	smul.u32 $0x186A0, s22;
	_ =	sdelay $0x1  }
0x31: {  	v0 =	vadd.s32 s22, v0  }
0x32: {  	[tilespmem:s21+$0x0] =	vst v0  }
0x33: {  	[tilespmem:s6], [sflag:$0x1] =	stream.indirect.gather [hbm4b:s3+s1], $0x10, s2, s1, $0xb8;
	[tilespmem:$0xB400] =	vst v63  }
0x34: {  	_ = 	snop  }
0x35: {  	[tilespmem:s7], [sflag:$0x2] =	stream.indirect.gather [hbm4b:s3+s1], $0x10, s1, s1, $0xb8;
	[tilespmem:$0xB400] =	vst v63  }
0x36: {  	s24 =	simm.s32 $0x400  }
0x37: {  	[tilespmem:s8], [sflag:$0x3] =	stream.indirect.gather [hbm4b:s3+s1], $0x10, s24, s1, $0xb8;
	[tilespmem:$0xB400] =	vst v63  }
0x38: {  	_ =	swait.ge [sflag:s9], $0x2000  }
0x39: {  	[sflag:s9] =	ssyncset.done $0x0  }
0x3a: {  	[sflag:s9] =	ssyncadd.s32 $0xFFFFE000  }
0x3b: {  	[hbm4b:s4+s10] =	stream.strided.scatter [tilespmem:s6], [sflag:$0x5], $0x2000, s11, s10, $0x38;
	[tilespmem:$0xB400] =	vst v63  }
0x3c: {  	s22 =	simm.s32 $0x600  }
0x3d: {  	[tilespmem:s12], [sflag:$0x4] =	stream.indirect.gather [hbm4b:s3+s1], $0x10, s22, s1, $0xb8;
	[tilespmem:$0xB400] =	vst v63  }
0x3e: {  	_ =	swait.ge [sflag:s13], $0x2000  }
0x3f: {  	[sflag:s13] =	ssyncset.done $0x0  }
0x40: {  	s23 =	rddreg [dreg:$0x4];
	[sflag:s13] =	ssyncadd.s32 $0xFFFFE000  }
0x41: {  	[hbm4b:s23+s10] =	stream.strided.scatter [tilespmem:s7], [sflag:$0x6], $0x2000, s11, s10, $0x38;
	[tilespmem:$0xB400] =	vst v63  }
0x42: {  	_ =	swait.ge [sflag:s14], $0x2000  }
0x43: {  	[sflag:s14] =	ssyncset.done $0x0  }
0x44: {  	s24 =	simm.s32 $0x800;
	[sflag:s14] =	ssyncadd.s32 $0xFFFFE000  }
0x45: {  	[tilespmem:s6], [sflag:$0x1] =	stream.indirect.gather [hbm4b:s3+s1], $0x10, s24, s1, $0xb8;
	[tilespmem:$0xB400] =	vst v63  }
0x46: {  	_ =	swait.ge [sflag:s15], $0x2000  }
0x47: {  	[sflag:s15] =	ssyncset.done $0x0  }
0x48: {  	s22 =	rddreg [dreg:$0x5];
	[sflag:s15] =	ssyncadd.s32 $0xFFFFE000  }
0x49: {  	[hbm4b:s22+s10] =	stream.strided.scatter [tilespmem:s8], [sflag:$0x7], $0x2000, s11, s10, $0x38;
	[tilespmem:$0xB400] =	vst v63  }
0x4a: {  	_ =	swait.ge [sflag:s16], $0x2000  }
0x4b: {  	[sflag:s16] =	ssyncset.done $0x0  }
0x4c: {  	s23 =	simm.s32 $0xA00;
	[sflag:s16] =	ssyncadd.s32 $0xFFFFE000  }
0x4d: {  	[tilespmem:s7], [sflag:$0x2] =	stream.indirect.gather [hbm4b:s3+s1], $0x10, s23, s1, $0xb8;
	[tilespmem:$0xB400] =	vst v63  }
0x4e: {  	_ =	swait.ge [sflag:s17], $0x2000  }
0x4f: {  	[sflag:s17] =	ssyncset.done $0x0  }
0x50: {  	s24 =	rddreg [dreg:$0x6];
	[sflag:s17] =	ssyncadd.s32 $0xFFFFE000  }
0x51: {  	[hbm4b:s24+s10] =	stream.strided.scatter [tilespmem:s12], [sflag:$0x8], $0x2000, s11, s10, $0x38;
	[tilespmem:$0xB400] =	vst v63  }
0x52: {  	_ =	swait.ge [sflag:s18], $0x2000  }
0x53: {  	[sflag:s18] =	ssyncset.done $0x0  }
0x54: {  	s22 =	simm.s32 $0xC00;
	[sflag:s18] =	ssyncadd.s32 $0xFFFFE000  }
0x55: {  	[tilespmem:s8], [sflag:$0x3] =	stream.indirect.gather [hbm4b:s3+s1], $0x10, s22, s1, $0xb8;
	[tilespmem:$0xB400] =	vst v63  }
0x56: {  	_ =	swait.ge [sflag:s9], $0x2000  }
0x57: {  	[sflag:s9] =	ssyncset.done $0x0  }
0x58: {  	s23 =	rddreg [dreg:$0x7];
	[sflag:s9] =	ssyncadd.s32 $0xFFFFE000  }
0x59: {  	[hbm4b:s23+s10] =	stream.strided.scatter [tilespmem:s6], [sflag:$0x5], $0x2000, s11, s10, $0x38;
	[tilespmem:$0xB400] =	vst v63  }
0x5a: {  	_ =	swait.ge [sflag:s19], $0x2000  }
0x5b: {  	[sflag:s19] =	ssyncset.done $0x0  }
0x5c: {  	s24 =	simm.s32 $0xE00;
	[sflag:s19] =	ssyncadd.s32 $0xFFFFE000  }
0x5d: {  	[tilespmem:s12], [sflag:$0x4] =	stream.indirect.gather [hbm4b:s3+s1], $0x10, s24, s1, $0xb8;
	[tilespmem:$0xB400] =	vst v63  }
0x5e: {  	_ =	swait.ge [sflag:s13], $0x2000  }
0x5f: {  	[sflag:s13] =	ssyncset.done $0x0  }
0x60: {  	s22 =	rddreg [dreg:$0x8];
	[sflag:s13] =	ssyncadd.s32 $0xFFFFE000  }
0x61: {  	[hbm4b:s22+s10] =	stream.strided.scatter [tilespmem:s7], [sflag:$0x6], $0x2000, s11, s10, $0x38;
	[tilespmem:$0xB400] =	vst v63  }
0x62: {  	_ =	swait.ge [sflag:s14], $0x2000  }
0x63: {  	[sflag:s14] =	ssyncset.done $0x0  }
0x64: {  	s23 =	simm.s32 $0x1000;
	[sflag:s14] =	ssyncadd.s32 $0xFFFFE000  }
0x65: {  	[tilespmem:s6], [sflag:$0x1] =	stream.indirect.gather [hbm4b:s3+s1], $0x10, s23, s1, $0xb8;
	[tilespmem:$0xB400] =	vst v63  }
0x66: {  	_ =	swait.ge [sflag:s15], $0x2000  }
0x67: {  	[sflag:s15] =	ssyncset.done $0x0  }
0x68: {  	s24 =	rddreg [dreg:$0x9];
	[sflag:s15] =	ssyncadd.s32 $0xFFFFE000  }
0x69: {  	[hbm4b:s24+s10] =	stream.strided.scatter [tilespmem:s8], [sflag:$0x7], $0x2000, s11, s10, $0x38;
	[tilespmem:$0xB400] =	vst v63  }
0x6a: {  	_ =	swait.ge [sflag:s16], $0x2000  }
0x6b: {  	[sflag:s16] =	ssyncset.done $0x0  }
0x6c: {  	s22 =	simm.s32 $0x1200;
	[sflag:s16] =	ssyncadd.s32 $0xFFFFE000  }
0x6d: {  	[tilespmem:s7], [sflag:$0x2] =	stream.indirect.gather [hbm4b:s3+s1], $0x10, s22, s1, $0xb8;
	[tilespmem:$0xB400] =	vst v63  }
0x6e: {  	_ =	swait.ge [sflag:s17], $0x2000  }
0x6f: {  	[sflag:s17] =	ssyncset.done $0x0  }
0x70: {  	s23 =	rddreg [dreg:$0xa];
	[sflag:s17] =	ssyncadd.s32 $0xFFFFE000  }
0x71: {  	[hbm4b:s23+s10] =	stream.strided.scatter [tilespmem:s12], [sflag:$0x8], $0x2000, s11, s10, $0x38;
	[tilespmem:$0xB400] =	vst v63  }
0x72: {  	_ =	swait.ge [sflag:s18], $0x2000  }
0x73: {  	[sflag:s18] =	ssyncset.done $0x0  }
0x74: {  	s24 =	simm.s32 $0x1400;
	[sflag:s18] =	ssyncadd.s32 $0xFFFFE000  }
0x75: {  	[tilespmem:s8], [sflag:$0x3] =	stream.indirect.gather [hbm4b:s3+s1], $0x10, s24, s1, $0xb8;
	[tilespmem:$0xB400] =	vst v63  }
0x76: {  	_ =	swait.ge [sflag:s9], $0x2000  }
0x77: {  	[sflag:s9] =	ssyncset.done $0x0  }
0x78: {  	s22 =	rddreg [dreg:$0xb];
	[sflag:s9] =	ssyncadd.s32 $0xFFFFE000  }
0x79: {  	[hbm4b:s22+s10] =	stream.strided.scatter [tilespmem:s6], [sflag:$0x5], $0x2000, s11, s10, $0x38;
	[tilespmem:$0xB400] =	vst v63  }
0x7a: {  	_ =	swait.ge [sflag:s19], $0x2000  }
0x7b: {  	[sflag:s19] =	ssyncset.done $0x0  }
0x7c: {  	s23 =	simm.s32 $0x1600;
	[sflag:s19] =	ssyncadd.s32 $0xFFFFE000  }
0x7d: {  	[tilespmem:s12], [sflag:$0x4] =	stream.indirect.gather [hbm4b:s3+s1], $0x10, s23, s1, $0xb8;
	[tilespmem:$0xB400] =	vst v63  }
0x7e: {  	_ =	swait.ge [sflag:s13], $0x2000  }
0x7f: {  	[sflag:s13] =	ssyncset.done $0x0  }
0x80: {  	s24 =	rddreg [dreg:$0xc];
	[sflag:s13] =	ssyncadd.s32 $0xFFFFE000  }
0x81: {  	[hbm4b:s24+s10] =	stream.strided.scatter [tilespmem:s7], [sflag:$0x6], $0x2000, s11, s10, $0x38;
	[tilespmem:$0xB400] =	vst v63  }
0x82: {  	_ =	swait.ge [sflag:s14], $0x2000  }
0x83: {  	[sflag:s14] =	ssyncset.done $0x0  }
0x84: {  	s22 =	simm.s32 $0x1800;
	[sflag:s14] =	ssyncadd.s32 $0xFFFFE000  }
0x85: {  	[tilespmem:s6], [sflag:$0x1] =	stream.indirect.gather [hbm4b:s3+s1], $0x10, s22, s1, $0xb8;
	[tilespmem:$0xB400] =	vst v63  }
0x86: {  	_ =	swait.ge [sflag:s15], $0x2000  }
0x87: {  	[sflag:s15] =	ssyncset.done $0x0  }
0x88: {  	s23 =	rddreg [dreg:$0xd];
	[sflag:s15] =	ssyncadd.s32 $0xFFFFE000  }
0x89: {  	[hbm4b:s23+s10] =	stream.strided.scatter [tilespmem:s8], [sflag:$0x7], $0x2000, s11, s10, $0x38;
	[tilespmem:$0xB400] =	vst v63  }
0x8a: {  	_ =	swait.ge [sflag:s16], $0x2000  }
0x8b: {  	[sflag:s16] =	ssyncset.done $0x0  }
0x8c: {  	s24 =	simm.s32 $0x1A00;
	[sflag:s16] =	ssyncadd.s32 $0xFFFFE000  }
0x8d: {  	[tilespmem:s7], [sflag:$0x2] =	stream.indirect.gather [hbm4b:s3+s1], $0x10, s24, s1, $0xb8;
	[tilespmem:$0xB400] =	vst v63  }
0x8e: {  	_ =	swait.ge [sflag:s17], $0x2000  }
0x8f: {  	[sflag:s17] =	ssyncset.done $0x0  }
0x90: {  	s22 =	rddreg [dreg:$0xe];
	[sflag:s17] =	ssyncadd.s32 $0xFFFFE000  }
0x91: {  	[hbm4b:s22+s10] =	stream.strided.scatter [tilespmem:s12], [sflag:$0x8], $0x2000, s11, s10, $0x38;
	[tilespmem:$0xB400] =	vst v63  }
0x92: {  	_ =	swait.ge [sflag:s18], $0x2000  }
0x93: {  	[sflag:s18] =	ssyncset.done $0x0  }
0x94: {  	s23 =	simm.s32 $0x1C00;
	[sflag:s18] =	ssyncadd.s32 $0xFFFFE000  }
0x95: {  	[tilespmem:s8], [sflag:$0x3] =	stream.indirect.gather [hbm4b:s3+s1], $0x10, s23, s1, $0xb8;
	[tilespmem:$0xB400] =	vst v63  }
0x96: {  	_ =	swait.ge [sflag:s9], $0x2000  }
0x97: {  	[sflag:s9] =	ssyncset.done $0x0  }
0x98: {  	s24 =	rddreg [dreg:$0xf];
	[sflag:s9] =	ssyncadd.s32 $0xFFFFE000  }
0x99: {  	[hbm4b:s24+s10] =	stream.strided.scatter [tilespmem:s6], [sflag:$0x5], $0x2000, s11, s10, $0x38;
	[tilespmem:$0xB400] =	vst v63  }
0x9a: {  	_ =	swait.ge [sflag:s19], $0x2000  }
0x9b: {  	[sflag:s19] =	ssyncset.done $0x0  }
0x9c: {  	s22 =	simm.s32 $0x1E00;
	[sflag:s19] =	ssyncadd.s32 $0xFFFFE000  }
0x9d: {  	[tilespmem:s12], [sflag:$0x4] =	stream.indirect.gather [hbm4b:s3+s1], $0x10, s22, s1, $0xb8;
	[tilespmem:$0xB400] =	vst v63  }
0x9e: {  	_ =	swait.ge [sflag:s13], $0x2000  }
0x9f: {  	[sflag:s13] =	ssyncset.done $0x0  }
0xa0: {  	s23 =	rddreg [dreg:$0x10];
	[sflag:s13] =	ssyncadd.s32 $0xFFFFE000  }
0xa1: {  	[hbm4b:s23+s10] =	stream.strided.scatter [tilespmem:s7], [sflag:$0x6], $0x2000, s11, s10, $0x38;
	[tilespmem:$0xB400] =	vst v63  }
0xa2: {  	_ =	swait.ge [sflag:s14], $0x2000  }
0xa3: {  	[sflag:s14] =	ssyncset.done $0x0  }
0xa4: {  	s24 =	simm.s32 $0x2000;
	[sflag:s14] =	ssyncadd.s32 $0xFFFFE000  }
0xa5: {  	[tilespmem:s6], [sflag:$0x1] =	stream.indirect.gather [hbm4b:s3+s1], $0x10, s24, s1, $0xb8;
	[tilespmem:$0xB400] =	vst v63  }
0xa6: {  	_ =	swait.ge [sflag:s15], $0x2000  }
0xa7: {  	[sflag:s15] =	ssyncset.done $0x0  }
0xa8: {  	s22 =	rddreg [dreg:$0x11];
	[sflag:s15] =	ssyncadd.s32 $0xFFFFE000  }
0xa9: {  	[hbm4b:s22+s10] =	stream.strided.scatter [tilespmem:s8], [sflag:$0x7], $0x2000, s11, s10, $0x38;
	[tilespmem:$0xB400] =	vst v63  }
0xaa: {  	_ =	swait.ge [sflag:s16], $0x2000  }
0xab: {  	[sflag:s16] =	ssyncset.done $0x0  }
0xac: {  	s23 =	simm.s32 $0x2200;
	[sflag:s16] =	ssyncadd.s32 $0xFFFFE000  }
0xad: {  	[tilespmem:s7], [sflag:$0x2] =	stream.indirect.gather [hbm4b:s3+s1], $0x10, s23, s1, $0xb8;
	[tilespmem:$0xB400] =	vst v63  }
0xae: {  	_ =	swait.ge [sflag:s17], $0x2000  }
0xaf: {  	[sflag:s17] =	ssyncset.done $0x0  }
0xb0: {  	s24 =	rddreg [dreg:$0x12];
	[sflag:s17] =	ssyncadd.s32 $0xFFFFE000  }
0xb1: {  	[hbm4b:s24+s10] =	stream.strided.scatter [tilespmem:s12], [sflag:$0x8], $0x2000, s11, s10, $0x38;
	[tilespmem:$0xB400] =	vst v63  }
0xb2: {  	_ =	swait.ge [sflag:s18], $0x2000  }
0xb3: {  	[sflag:s18] =	ssyncset.done $0x0  }
0xb4: {  	s22 =	simm.s32 $0x2400;
	[sflag:s18] =	ssyncadd.s32 $0xFFFFE000  }
0xb5: {  	[tilespmem:s8], [sflag:$0x3] =	stream.indirect.gather [hbm4b:s3+s1], $0x10, s22, s1, $0xb8;
	[tilespmem:$0xB400] =	vst v63  }
0xb6: {  	_ =	swait.ge [sflag:s9], $0x2000  }
0xb7: {  	[sflag:s9] =	ssyncset.done $0x0  }
0xb8: {  	s23 =	rddreg [dreg:$0x13];
	[sflag:s9] =	ssyncadd.s32 $0xFFFFE000  }
0xb9: {  	[hbm4b:s23+s10] =	stream.strided.scatter [tilespmem:s6], [sflag:$0x5], $0x2000, s11, s10, $0x38;
	[tilespmem:$0xB400] =	vst v63  }
0xba: {  	_ =	swait.ge [sflag:s19], $0x2000  }
0xbb: {  	[sflag:s19] =	ssyncset.done $0x0  }
0xbc: {  	s24 =	simm.s32 $0x2600;
	[sflag:s19] =	ssyncadd.s32 $0xFFFFE000  }
0xbd: {  	[tilespmem:s12], [sflag:$0x4] =	stream.indirect.gather [hbm4b:s3+s1], $0x10, s24, s1, $0xb8;
	[tilespmem:$0xB400] =	vst v63  }
0xbe: {  	_ =	swait.ge [sflag:s13], $0x2000  }
0xbf: {  	[sflag:s13] =	ssyncset.done $0x0  }
0xc0: {  	s22 =	rddreg [dreg:$0x14];
	[sflag:s13] =	ssyncadd.s32 $0xFFFFE000  }
0xc1: {  	[hbm4b:s22+s10] =	stream.strided.scatter [tilespmem:s7], [sflag:$0x6], $0x2000, s11, s10, $0x38;
	[tilespmem:$0xB400] =	vst v63  }
0xc2: {  	_ =	swait.ge [sflag:s14], $0x2000  }
0xc3: {  	[sflag:s14] =	ssyncset.done $0x0  }
0xc4: {  	s23 =	simm.s32 $0x2800;
	[sflag:s14] =	ssyncadd.s32 $0xFFFFE000  }
0xc5: {  	[tilespmem:s6], [sflag:$0x1] =	stream.indirect.gather [hbm4b:s3+s1], $0x10, s23, s1, $0xb8;
	[tilespmem:$0xB400] =	vst v63  }
0xc6: {  	_ =	swait.ge [sflag:s15], $0x2000  }
0xc7: {  	[sflag:s15] =	ssyncset.done $0x0  }
0xc8: {  	s24 =	rddreg [dreg:$0x15];
	[sflag:s15] =	ssyncadd.s32 $0xFFFFE000  }
0xc9: {  	[hbm4b:s24+s10] =	stream.strided.scatter [tilespmem:s8], [sflag:$0x7], $0x2000, s11, s10, $0x38;
	[tilespmem:$0xB400] =	vst v63  }
0xca: {  	_ =	swait.ge [sflag:s16], $0x2000  }
0xcb: {  	[sflag:s16] =	ssyncset.done $0x0  }
0xcc: {  	s22 =	simm.s32 $0x2A00;
	[sflag:s16] =	ssyncadd.s32 $0xFFFFE000  }
0xcd: {  	[tilespmem:s7], [sflag:$0x2] =	stream.indirect.gather [hbm4b:s3+s1], $0x10, s22, s1, $0xb8;
	[tilespmem:$0xB400] =	vst v63  }
0xce: {  	_ =	swait.ge [sflag:s17], $0x2000  }
0xcf: {  	[sflag:s17] =	ssyncset.done $0x0  }
0xd0: {  	s23 =	rddreg [dreg:$0x16];
	[sflag:s17] =	ssyncadd.s32 $0xFFFFE000  }
0xd1: {  	[hbm4b:s23+s10] =	stream.strided.scatter [tilespmem:s12], [sflag:$0x8], $0x2000, s11, s10, $0x38;
	[tilespmem:$0xB400] =	vst v63  }
0xd2: {  	_ =	swait.ge [sflag:s18], $0x2000  }
0xd3: {  	[sflag:s18] =	ssyncset.done $0x0  }
0xd4: {  	s24 =	simm.s32 $0x2C00;
	[sflag:s18] =	ssyncadd.s32 $0xFFFFE000  }
0xd5: {  	[tilespmem:s8], [sflag:$0x3] =	stream.indirect.gather [hbm4b:s3+s1], $0x10, s24, s1, $0xb8;
	[tilespmem:$0xB400] =	vst v63  }
0xd6: {  	_ =	swait.ge [sflag:s9], $0x2000  }
0xd7: {  	[sflag:s9] =	ssyncset.done $0x0  }
0xd8: {  	[sflag:s9] =	ssyncadd.s32 $0xFFFFE000  }
0xd9: {  	[hbm4b:s26+s10] =	stream.strided.scatter [tilespmem:s6], [sflag:$0x5], $0x2000, s11, s10, $0x38;
	[tilespmem:$0xB400] =	vst v63  }
0xda: {  	_ =	swait.ge [sflag:s19], $0x2000  }
0xdb: {  	[sflag:s19] =	ssyncset.done $0x0  }
0xdc: {  	s22 =	simm.s32 $0x2E00;
	[sflag:s19] =	ssyncadd.s32 $0xFFFFE000  }
0xdd: {  	[tilespmem:s12], [sflag:$0x4] =	stream.indirect.gather [hbm4b:s3+s1], $0x10, s22, s1, $0xb8;
	[tilespmem:$0xB400] =	vst v63  }
0xde: {  	_ =	swait.ge [sflag:s13], $0x2000  }
0xdf: {  	[sflag:s13] =	ssyncset.done $0x0  }
0xe0: {  	[sflag:s13] =	ssyncadd.s32 $0xFFFFE000  }
0xe1: {  	[hbm4b:s28+s10] =	stream.strided.scatter [tilespmem:s7], [sflag:$0x6], $0x2000, s11, s10, $0x38;
	[tilespmem:$0xB400] =	vst v63  }
0xe2: {  	_ =	swait.ge [sflag:s14], $0x2000  }
0xe3: {  	[sflag:s14] =	ssyncset.done $0x0  }
0xe4: {  	s23 =	simm.s32 $0x3000;
	[sflag:s14] =	ssyncadd.s32 $0xFFFFE000  }
0xe5: {  	[tilespmem:s6], [sflag:$0x1] =	stream.indirect.gather [hbm4b:s3+s1], $0x10, s23, s1, $0xb8;
	[tilespmem:$0xB400] =	vst v63  }
0xe6: {  	_ =	swait.ge [sflag:s15], $0x2000  }
0xe7: {  	[sflag:s15] =	ssyncset.done $0x0  }
0xe8: {  	[sflag:s15] =	ssyncadd.s32 $0xFFFFE000  }
0xe9: {  	[hbm4b:s29+s10] =	stream.strided.scatter [tilespmem:s8], [sflag:$0x7], $0x2000, s11, s10, $0x38;
	[tilespmem:$0xB400] =	vst v63  }
0xea: {  	_ =	swait.ge [sflag:s16], $0x2000  }
0xeb: {  	[sflag:s16] =	ssyncset.done $0x0  }
0xec: {  	s24 =	simm.s32 $0x3200;
	[sflag:s16] =	ssyncadd.s32 $0xFFFFE000  }
0xed: {  	[tilespmem:s7], [sflag:$0x2] =	stream.indirect.gather [hbm4b:s3+s1], $0x10, s24, s1, $0xb8;
	[tilespmem:$0xB400] =	vst v63  }
0xee: {  	_ =	swait.ge [sflag:s17], $0x2000  }
0xef: {  	[sflag:s17] =	ssyncset.done $0x0  }
0xf0: {  	[sflag:s17] =	ssyncadd.s32 $0xFFFFE000  }
0xf1: {  	[hbm4b:s30+s10] =	stream.strided.scatter [tilespmem:s12], [sflag:$0x8], $0x2000, s11, s10, $0x38;
	[tilespmem:$0xB400] =	vst v63  }
0xf2: {  	_ =	swait.ge [sflag:s9], $0x2000  }
0xf3: {  	[sflag:s9] =	ssyncset.done $0x0  }
0xf4: {  	[sflag:s9] =	ssyncadd.s32 $0xFFFFE000  }
0xf5: {  	[hbm4b:s31+s10] =	stream.strided.scatter [tilespmem:s6], [sflag:$0x5], $0x2000, s11, s10, $0x38;
	[tilespmem:$0xB400] =	vst v63  }
0xf6: {  	_ =	swait.ge [sflag:s13], $0x2000  }
0xf7: {  	[sflag:s13] =	ssyncset.done $0x0  }
0xf8: {  	[sflag:s13] =	ssyncadd.s32 $0xFFFFE000  }
0xf9: {  	[hbm4b:s0+s10] =	stream.strided.scatter [tilespmem:s7], [sflag:$0x6], $0x2000, s11, s10, $0x38;
	[tilespmem:$0xB400] =	vst v63  }
0xfa: {  	_ =	swait.ge [sflag:s18], $0x2000  }
0xfb: {  	[sflag:s18] =	ssyncset.done $0x0  }
0xfc: {  	[sflag:s18] =	ssyncadd.s32 $0xFFFFE000  }
0xfd: {  	_ =	swait.ge [sflag:s19], $0x2000  }
0xfe: {  	[sflag:s19] =	ssyncset.done $0x0  }
0xff: {  	s20 =	sadd.s32 $0x1, s20;
	[sflag:s19] =	ssyncadd.s32 $0xFFFFE000  }
0x100: {  	p0 =	sne.s32 s20, s25;
	_ =	swait.ge [sflag:s14], $0x2000  }
.Ltmp1:
0x101: {  	[sflag:s14] =	ssyncset.done $0x0;
	(pc) =	sbr.rel @p0 .LBB2_1-.Ltmp1, $4  }
0x102: {  	[sflag:s14] =	ssyncadd.s32 $0xFFFFE000  }
0x103: {  	_ =	swait.ge [sflag:s16], $0x2000  }
0x104: {  	[sflag:s16] =	ssyncset.done $0x0  }
0x105: {  	[sflag:s16] =	ssyncadd.s32 $0xFFFFE000  }
0x106: {  	_ =	sfence.sel $0x180000  }
0x107: {  	[bflag:$0x0] =	sbarrier.arrive $0xFFFF  }
0x108: {  	_ =	strace $0x90000047  }
0x109: {  	s0 =	stileid.u32;
	[bflag:$0x2] =	sbarrier.arrive $0xFFFF  }
0x10a: {  	p0 =	sne.s32 s0, $0x0;
	s0 =	rddreg [dreg:$0x2]  }
0x10b: {  	s0 =	sadd.s32 @!p0 $0x100000, s0  }
0x10c: {  	[sflag:s0] =	ssyncadd.tile.s32 @!p0 $0x1;
	_ =	shalt  }
.Lfunc_end2:
_tile_overlayer_lowered:
.L_overlay_start_2:
0x10d: {  	(tag) =	ssettag $0x2  }
0x10e: {  	s0 =	rddreg [dreg:$0x0];
	s2 =	stileid.u32  }
0x10f: {  	s1 =	rddreg [dreg:$0x1];
	p0 =	sne.s32 s2, $0x0  }
0x110: {  	s3 =	rddreg [dreg:$0x2];
	[bflag:$0x3] =	sbarrier.arrive $0xFFFF;
	s2 =	simm.s32 @!p0 $0x1C09  }
0x111: {  	[timem:s3], [sflag:s2] =	dma.local @!p0 [hbm:s0], s1  }
0x112: {  	s0 =	simm.s32 @!p0 $0x9  }
0x113: {  	_ =	swait.ge @!p0 [sflag:s0], s1  }
0x114: {  	s1 =	ssub.s32 @!p0 $0x0, s1;
	[sflag:s0] =	ssyncset.done @!p0 $0x0  }
0x115: {  	[sflag:s0] =	ssyncadd.s32 @!p0 s1  }
0x116: {  	[bflag:$0x3] =	sbarrier.arrive $0xFFFF  }
0x117: {  	_ =	shalt  }

</sc_bundles>
